<compile_context>
chip_gen: v7x
topology: tpu7x:2x2x1
jax: 0.10.2.dev20260603
libtpu: 0.0.44.dev20260713+nightly
codegen_flags: <defaults>
</compile_context>

<pallas_src>
import functools
import jax
import jax.numpy as jnp
from jax import lax
from jax.experimental import pallas as pl
from jax.experimental.pallas import tpu as pltpu
from jax.experimental.pallas import tpu_sc as plsc

N, E, D_FEAT, D_EDGE, H, OUT, G = 10000, 320000, 128, 16, 32, 32, 64
NP = 10240
W = 48
NC, NS = 2, 16
CH = 128
EP = 327680
CPW0, CPW1 = 104, 56
RPW = NP // NS
ZR = 160



def _node_body(x, nw1, nb1, nw2, nb2, w1d, w1s, cb1, h_o, a_o, b_o):
    hid = jnp.maximum(jnp.dot(x[...], nw1[...],
                              preferred_element_type=jnp.float32) + nb1[...], 0.0)
    h = jnp.dot(hid, nw2[...], preferred_element_type=jnp.float32) + nb2[...]
    h_o[...] = h
    a_o[...] = jnp.dot(h, w1d[...], preferred_element_type=jnp.float32) + cb1[...]
    b_o[...] = jnp.dot(h, w1s[...], preferred_element_type=jnp.float32)


def _edge_body(attr4, ew1b, eb1b, m1b, r1b, m2b, r2b, c1_o, c2_o):
    hid = jnp.maximum(jnp.dot(attr4[...], ew1b[...],
                              preferred_element_type=jnp.float32) + eb1b[...], 0.0)
    c1_o[...] = jnp.dot(hid, m1b[...], preferred_element_type=jnp.float32) + r1b[...]
    c2_o[...] = jnp.dot(hid, m2b[...], preferred_element_type=jnp.float32) + r2b[...]


def _update_body(sp, h, w2e, w1d, w1s, cb1, a_o, b_o):
    s = sp[0] + sp[1]
    agg = jnp.dot(s, w2e[...], preferred_element_type=jnp.float32)
    h2 = jnp.maximum(h[...] + agg, 0.0)
    a_o[...] = jnp.dot(h2, w1d[...], preferred_element_type=jnp.float32) + cb1[...]
    b_o[...] = jnp.dot(h2, w1s[...], preferred_element_type=jnp.float32)


def _pool_body(sp, w2e, batch, out):
    i = pl.program_id(0)
    s = sp[0] + sp[1]
    node_out = jnp.dot(s, w2e[...], preferred_element_type=jnp.float32)
    rows = s.shape[0]
    rid = lax.broadcasted_iota(jnp.int32, (rows, 1), 0) + i * rows
    node_out = jnp.where(rid < N, node_out, 0.0)
    b_ids = batch[0]
    gid = lax.broadcasted_iota(jnp.int32, (G, rows), 0)
    col = lax.broadcasted_iota(jnp.int32, (G, rows), 1) + i * rows
    oh = jnp.where((gid == b_ids) & (col < N), 1.0, 0.0).astype(jnp.float32)
    acc = jnp.dot(oh, node_out, preferred_element_type=jnp.float32)

    @pl.when(i == 0)
    def _():
        out[...] = jnp.zeros_like(out)

    out[...] += acc


_BN = 512
_BE8 = 512


def _full(shape):
    return pl.BlockSpec(shape, lambda i: tuple(0 for _ in shape))


def _tc_node(x_p, nw1, nb1, nw2, nb2, w1d, w1s, cb1):
    grid = NP // _BN
    outs = [jax.ShapeDtypeStruct((NP, H), jnp.float32)] * 3
    return pl.pallas_call(
        _node_body,
        grid=(grid,),
        in_specs=[
            pl.BlockSpec((_BN, D_FEAT), lambda i: (i, 0)),
            _full((D_FEAT, H)), _full((1, H)), _full((H, H)), _full((1, H)),
            _full((H, H)), _full((H, H)), _full((1, H)),
        ],
        out_specs=[pl.BlockSpec((_BN, H), lambda i: (i, 0))] * 3,
        out_shape=outs,
    )(x_p, nw1, nb1, nw2, nb2, w1d, w1s, cb1)


def _tc_edge(attr8, ew1b, eb1b, m1b, r1b, m2b, r2b):
    grid = (EP // 8) // _BE8
    outs = [jax.ShapeDtypeStruct((EP // 8, 8 * H), jnp.float32)] * 2
    return pl.pallas_call(
        _edge_body,
        grid=(grid,),
        in_specs=[
            pl.BlockSpec((_BE8, 8 * D_EDGE),
                         lambda i: (jnp.minimum(i, (E // 8) // _BE8), 0)),
            _full((8 * D_EDGE, 8 * H)), _full((1, 8 * H)),
            _full((8 * H, 8 * H)), _full((1, 8 * H)),
            _full((8 * H, 8 * H)), _full((1, 8 * H)),
        ],
        out_specs=[pl.BlockSpec((_BE8, 8 * H), lambda i: (i, 0))] * 2,
        out_shape=outs,
    )(attr8, ew1b, eb1b, m1b, r1b, m2b, r2b)


def _tc_update(sp, h, w2e, w1d, w1s, cb1):
    grid = NP // _BN
    outs = [jax.ShapeDtypeStruct((NP, H), jnp.float32)] * 2
    return pl.pallas_call(
        _update_body,
        grid=(grid,),
        in_specs=[
            pl.BlockSpec((NC, _BN, W), lambda i: (0, i, 0)),
            pl.BlockSpec((_BN, H), lambda i: (i, 0)),
            _full((W, H)), _full((H, H)), _full((H, H)), _full((1, H)),
        ],
        out_specs=[pl.BlockSpec((_BN, H), lambda i: (i, 0))] * 2,
        out_shape=outs,
    )(sp, h, w2e, w1d, w1s, cb1)


def _tc_pool(sp, w2e, batch3d):
    grid = NP // _BN
    return pl.pallas_call(
        _pool_body,
        grid=(grid,),
        in_specs=[
            pl.BlockSpec((NC, _BN, W), lambda i: (0, i, 0)),
            _full((W, OUT)),
            pl.BlockSpec((1, 1, _BN), lambda i: (i, 0, 0)),
        ],
        out_specs=pl.BlockSpec((G, OUT), lambda i: (0, 0)),
        out_shape=jax.ShapeDtypeStruct((G, OUT), jnp.float32),
    )(sp, w2e, batch3d)




def _sc_body(a_t, b_t, c4, src2, dst2, out_h,
             sidx, didx, a0, a1, b0, b1, c0, c1, t0, t1, z_v, s_sh,
             sa0, sa1, sb0, sb1, sc0, sc1, ss0, ss1):
    cid = lax.axis_index("c")
    sid = lax.axis_index("s")
    r0 = sid * RPW
    wrow0 = jnp.where(cid == 0, sid * CPW0, NS * CPW0 + sid * CPW1)
    nsteps = jnp.where(cid == 0, CPW0 // 2, CPW1 // 2)

    zv = jnp.zeros((16,), jnp.float32)

    def _zrow(i, c):
        z_v[i, pl.ds(0, 16)] = zv
        z_v[i, pl.ds(16, 16)] = zv
        z_v[i, pl.ds(32, 16)] = zv
        return c

    lax.fori_loop(0, ZR, _zrow, 0)

    onev = jnp.where(lax.iota(jnp.int32, 16) == 0,
                     jnp.float32(1.0), jnp.float32(0.0))

    def _trow(i, c):
        t0[i, pl.ds(32, 16)] = onev
        t1[i, pl.ds(32, 16)] = onev
        return c

    lax.fori_loop(0, CH, _trow, 0)

    pltpu.sync_copy(src2.at[pl.ds(wrow0, CPW0)], sidx)
    pltpu.sync_copy(dst2.at[pl.ds(wrow0, CPW0)], didx)

    for q in range(RPW // ZR):
        pltpu.sync_copy(z_v, s_sh.at[pl.ds(r0 + q * ZR, ZR)])
    plsc.subcore_barrier()

    bufs = ((a0, b0, c0, t0, sa0, sb0, sc0, ss0),
            (a1, b1, c1, t1, sa1, sb1, sc1, ss1))

    def _issue(g, bu):
        aV, bV, cV, _, sa, sb, sc, _ = bu
        pltpu.async_copy(c4.at[pl.ds((wrow0 + g) * (CH * H), CH * H)], cV, sc)
        pltpu.async_copy(a_t.at[didx.at[g]], aV, sa)
        pltpu.async_copy(b_t.at[sidx.at[g]], bV, sb)

    def _wait_loads(bu):
        aV, bV, cV, _, sa, sb, sc, _ = bu
        pltpu.make_async_copy(c4.at[pl.ds(0, CH * H)], cV, sc).wait()
        pltpu.make_async_copy(a_t.at[didx.at[0]], aV, sa).wait()
        pltpu.make_async_copy(b_t.at[sidx.at[0]], bV, sb).wait()

    def _compute(bu):
        aV, bV, cV, tV = bu[0], bu[1], bu[2], bu[3]

        @plsc.parallel_loop(0, CH, step=1, unroll=4)
        def _(e):
            v0 = aV[e, pl.ds(0, 16)] + bV[e, pl.ds(0, 16)] + cV[pl.ds(H * e, 16)]
            tV[e, pl.ds(0, 16)] = jnp.maximum(v0, 0.0)
            v1 = (aV[e, pl.ds(16, 16)] + bV[e, pl.ds(16, 16)]
                  + cV[pl.ds(H * e + 16, 16)])
            tV[e, pl.ds(16, 16)] = jnp.maximum(v1, 0.0)

    def _scatter(g, bu):
        tV, ss = bu[3], bu[7]
        pltpu.async_copy(tV, s_sh.at[didx.at[g]], ss, add=True)

    def _wait_scatter(bu):
        tV, ss = bu[3], bu[7]
        pltpu.make_async_copy(tV, s_sh.at[didx.at[0]], ss).wait()

    _issue(0, bufs[0])

    def _step(k, c):
        g0 = 2 * k
        _issue(g0 + 1, bufs[1])
        _wait_loads(bufs[0])

        @pl.when(k > 0)
        def _():
            _wait_scatter(bufs[0])

        _compute(bufs[0])
        _scatter(g0, bufs[0])

        @pl.when(k < nsteps - 1)
        def _():
            _issue(g0 + 2, bufs[0])

        _wait_loads(bufs[1])

        @pl.when(k > 0)
        def _():
            _wait_scatter(bufs[1])

        _compute(bufs[1])
        _scatter(g0 + 1, bufs[1])
        return c

    lax.fori_loop(0, nsteps, _step, 0)
    _wait_scatter(bufs[0])
    _wait_scatter(bufs[1])

    plsc.subcore_barrier()
    pltpu.sync_copy(s_sh.at[pl.ds(r0, RPW)], out_h.at[cid, pl.ds(r0, RPW)])


@functools.cache
def _sc_pass():
    return pl.kernel(
        _sc_body,
        out_type=jax.ShapeDtypeStruct((NC, NP, W), jnp.float32),
        mesh=plsc.VectorSubcoreMesh(core_axis_name="c", subcore_axis_name="s"),
        compiler_params=pltpu.CompilerParams(use_tc_tiling_on_sc=False),
        scratch_types=(
            [pltpu.VMEM((CPW0, CH), jnp.int32)] * 2
            + [pltpu.VMEM((CH, H), jnp.float32)] * 4
            + [pltpu.VMEM((CH * H,), jnp.float32)] * 2
            + [pltpu.VMEM((CH, W), jnp.float32)] * 2
            + [pltpu.VMEM((ZR, W), jnp.float32)]
            + [pltpu.VMEM_SHARED((NP, W), jnp.float32)]
            + [pltpu.SemaphoreType.DMA] * 8
        ),
    )




def kernel(x, edge_attr, edge_index, batch,
           node_W1, node_b1, node_W2, node_b2,
           edge_W1, edge_b1, edge_W2, edge_b2,
           c1_W1, c1_b1, c1_W2, c1_b2,
           c2_W1, c2_b1, c2_W2, c2_b2):
    f32 = jnp.float32
    x_p = jnp.pad(x, ((0, NP - N), (0, 0)))
    batch3d = jnp.pad(batch, (0, NP - N)).reshape(NP // _BN, 1, _BN)
    idx_rows = NS * CPW0 + (NS - 1) * CPW1 + CPW0
    src2 = jnp.pad(jnp.pad(edge_index[0], (0, EP - E),
                           constant_values=NP - 1).reshape(EP // CH, CH),
                   ((0, idx_rows - EP // CH), (0, 0)), constant_values=NP - 1)
    dst2 = jnp.pad(jnp.pad(edge_index[1], (0, EP - E),
                           constant_values=NP - 1).reshape(EP // CH, CH),
                   ((0, idx_rows - EP // CH), (0, 0)), constant_values=NP - 1)

    def row(b):
        return b.reshape(1, -1).astype(f32)

    def w2ext(w2, b2, cols):
        return jnp.concatenate(
            [w2, b2.reshape(1, cols), jnp.zeros((W - H - 1, cols), f32)], axis=0)

    w2e1 = w2ext(c1_W2, c1_b2, H)
    w2e2 = w2ext(c2_W2, c2_b2, OUT)

    h, a1, b1t = _tc_node(x_p, node_W1, row(node_b1), node_W2, row(node_b2),
                          c1_W1[0:H], c1_W1[H:2 * H], row(c1_b1))
    attr8 = edge_attr.reshape(E // 8, 8 * D_EDGE)
    eye8 = jnp.eye(8, dtype=f32)
    m1 = edge_W2 @ c1_W1[2 * H:3 * H]
    m2 = edge_W2 @ c2_W1[2 * H:3 * H]
    r1 = edge_b2 @ c1_W1[2 * H:3 * H]
    r2 = edge_b2 @ c2_W1[2 * H:3 * H]

    def bd(w):
        return jnp.kron(eye8, w)

    def row8(b):
        return jnp.tile(b.reshape(1, -1), (1, 8)).astype(f32)

    c1t, c2t = _tc_edge(attr8, bd(edge_W1), row8(edge_b1),
                        bd(m1), row8(r1), bd(m2), row8(r2))

    sc = _sc_pass()
    sp1 = sc(a1, b1t, c1t.reshape(-1), src2, dst2)
    a2, b2t = _tc_update(sp1, h, w2e1, c2_W1[0:H], c2_W1[H:2 * H], row(c2_b1))
    sp2 = sc(a2, b2t, c2t.reshape(-1), src2, dst2)
    return _tc_pool(sp2, w2e2, batch3d)

# --- scband reference (transcript-rebuilt; emitter-appended) ---
"""Pipeline reference for scband-edge-conv-net-64622077936100 (READ-ONLY COPY).

The authoritative reference and input builder live on the scoring server;
editing this copy changes nothing except your own understanding.
"""

import jax, jax.numpy as jnp
import numpy as np

N, E, D_FEAT, D_EDGE, H, OUT, G = 10000, 320000, 128, 16, 32, 32, 64


def mlp2(x, W1, b1, W2, b2):
    h = jax.nn.relu(x @ W1 + b1)
    return h @ W2 + b2


def setup_inputs(seed: int = 0) -> dict:
    key = jax.random.key(seed)
    ks = jax.random.split(key, 24)
    inp = {}
    inp["x"] = jax.random.normal(ks[0], (N, D_FEAT), dtype=jnp.float32)
    inp["edge_attr"] = jax.random.normal(ks[1], (E, D_EDGE), dtype=jnp.float32)
    inp["edge_index"] = jax.random.randint(ks[2], (2, E), 0, N, dtype=jnp.int32)
    inp["batch"] = jnp.sort(jax.random.randint(ks[3], (N,), 0, G, dtype=jnp.int32))
    # lin_init_node MLP: D_FEAT -> H -> H
    inp["node_W1"] = jax.random.normal(ks[4], (D_FEAT, H), dtype=jnp.float32) * 0.05
    inp["node_b1"] = jnp.zeros((H,), dtype=jnp.float32)
    inp["node_W2"] = jax.random.normal(ks[5], (H, H), dtype=jnp.float32) * 0.05
    inp["node_b2"] = jnp.zeros((H,), dtype=jnp.float32)
    # lin_init_edge MLP: D_EDGE -> H -> H
    inp["edge_W1"] = jax.random.normal(ks[6], (D_EDGE, H), dtype=jnp.float32) * 0.05
    inp["edge_b1"] = jnp.zeros((H,), dtype=jnp.float32)
    inp["edge_W2"] = jax.random.normal(ks[7], (H, H), dtype=jnp.float32) * 0.05
    inp["edge_b2"] = jnp.zeros((H,), dtype=jnp.float32)
    # conv1 message MLP: 3H -> H -> H
    inp["c1_W1"] = jax.random.normal(ks[8], (3 * H, H), dtype=jnp.float32) * 0.05
    inp["c1_b1"] = jnp.zeros((H,), dtype=jnp.float32)
    inp["c1_W2"] = jax.random.normal(ks[9], (H, H), dtype=jnp.float32) * 0.05
    inp["c1_b2"] = jnp.zeros((H,), dtype=jnp.float32)
    # conv2 (final) message MLP: 3H -> H -> OUT
    inp["c2_W1"] = jax.random.normal(ks[10], (3 * H, H), dtype=jnp.float32) * 0.05
    inp["c2_b1"] = jnp.zeros((H,), dtype=jnp.float32)
    inp["c2_W2"] = jax.random.normal(ks[11], (H, OUT), dtype=jnp.float32) * 0.05
    inp["c2_b2"] = jnp.zeros((OUT,), dtype=jnp.float32)
    return inp


def reference(x, edge_attr, edge_index, batch,
              node_W1, node_b1, node_W2, node_b2,
              edge_W1, edge_b1, edge_W2, edge_b2,
              c1_W1, c1_b1, c1_W2, c1_b2,
              c2_W1, c2_b1, c2_W2, c2_b2):
    n = x.shape[0]
    src = edge_index[0]
    dst = edge_index[1]
    # initial node / edge MLPs
    h = mlp2(x, node_W1, node_b1, node_W2, node_b2)
    ea = mlp2(edge_attr, edge_W1, edge_b1, edge_W2, edge_b2)
    # conv 1 (with residual + relu): message = nn(cat[x_i, x_j, edge_attr]), aggr='add' at dst
    msg_in = jnp.concatenate([h[dst], h[src], ea], axis=1)
    m = mlp2(msg_in, c1_W1, c1_b1, c1_W2, c1_b2)
    agg = jax.ops.segment_sum(m, dst, num_segments=n)
    h = jax.nn.relu(h + agg)
    # final conv (no residual, no relu)
    msg_in = jnp.concatenate([h[dst], h[src], ea], axis=1)
    m = mlp2(msg_in, c2_W1, c2_b1, c2_W2, c2_b2)
    h = jax.ops.segment_sum(m, dst, num_segments=n)
    # global_add_pool over graph ids
    return jax.ops.segment_sum(h, batch, num_segments=G)

if __name__ == "__main__":
    import jax
    _d = setup_inputs()
    print(jax.jit(kernel)(*tuple(_d.values())))

</pallas_src>

<mosaic_0001>
#map = affine_map<(d0, d1) -> (0, 0)>
#map1 = affine_map<(d0, d1) -> (0)>
#map2 = affine_map<(d0, d1) -> (0, 0, 0)>
module attributes {stable_mosaic.version = 14 : i64} {
  func.func @_sc_body(%arg0: i32, %arg1: i32, %arg2: memref<10240x32xf32, #tpu.memory_space<hbm>>, %arg3: memref<10240x32xf32, #tpu.memory_space<hbm>>, %arg4: memref<10485760xf32, #tpu.memory_space<hbm>>, %arg5: memref<2608x128xi32, #tpu.memory_space<hbm>>, %arg6: memref<2608x128xi32, #tpu.memory_space<hbm>>, %arg7: memref<2x10240x48xf32, #tpu.memory_space<hbm>>, %arg8: memref<104x128xi32, #tpu.memory_space<vmem>>, %arg9: memref<104x128xi32, #tpu.memory_space<vmem>>, %arg10: memref<128x32xf32, #tpu.memory_space<vmem>>, %arg11: memref<128x32xf32, #tpu.memory_space<vmem>>, %arg12: memref<128x32xf32, #tpu.memory_space<vmem>>, %arg13: memref<128x32xf32, #tpu.memory_space<vmem>>, %arg14: memref<4096xf32, #tpu.memory_space<vmem>>, %arg15: memref<4096xf32, #tpu.memory_space<vmem>>, %arg16: memref<128x48xf32, #tpu.memory_space<vmem>>, %arg17: memref<128x48xf32, #tpu.memory_space<vmem>>, %arg18: memref<160x48xf32, #tpu.memory_space<vmem>>, %arg19: memref<10240x48xf32, #tpu.memory_space<vmem_shared>>, %arg20: memref<!tpu.dma_semaphore, #tpu.memory_space<semaphore_mem>>, %arg21: memref<!tpu.dma_semaphore, #tpu.memory_space<semaphore_mem>>, %arg22: memref<!tpu.dma_semaphore, #tpu.memory_space<semaphore_mem>>, %arg23: memref<!tpu.dma_semaphore, #tpu.memory_space<semaphore_mem>>, %arg24: memref<!tpu.dma_semaphore, #tpu.memory_space<semaphore_mem>>, %arg25: memref<!tpu.dma_semaphore, #tpu.memory_space<semaphore_mem>>, %arg26: memref<!tpu.dma_semaphore, #tpu.memory_space<semaphore_mem>>, %arg27: memref<!tpu.dma_semaphore, #tpu.memory_space<semaphore_mem>>) attributes {dimension_semantics = [#tpu.dimension_semantics<core_parallel>, #tpu.dimension_semantics<subcore_parallel>], iteration_bounds = array<i64: 2, 16>, scalar_prefetch = 0 : i64, scratch_operands = 20 : i64, tpu.core_type = #tpu.core_type<sc_vector_subcore>, window_params = [{transform_indices = #map}, {transform_indices = #map}, {transform_indices = #map1}, {transform_indices = #map}, {transform_indices = #map}, {transform_indices = #map2}]} {
    %mul3A = arith.constant 640 : i32
    %mul3A_0 = arith.muli %arg1, %mul3A : i32
    %eq3A = arith.constant 0 : i32
    %eq3A_1 = arith.cmpi eq, %arg0, %eq3A : i32
    %mul3A_2 = arith.constant 104 : i32
    %mul3A_3 = arith.muli %arg1, %mul3A_2 : i32
    %mul3A_4 = arith.constant 56 : i32
    %mul3A_5 = arith.muli %arg1, %mul3A_4 : i32
    %add3A = arith.constant 1664 : i32
    %add3A_6 = arith.addi %add3A, %mul3A_5 : i32
    %select_n3A = arith.select %eq3A_1, %mul3A_3, %add3A_6 : i32
    %eq3A_7 = arith.constant 0 : i32
    %eq3A_8 = arith.cmpi eq, %arg0, %eq3A_7 : i32
    %jit3A = arith.constant 52 : i32
    %jit3A_9 = arith.constant 28 : i32
    %select_n3A_10 = arith.select %eq3A_8, %jit3A, %jit3A_9 : i32
    %broadcast_in_dim3A = arith.constant 0.000000e+00 : f32
    %broadcast_in_dim3A_11 = vector.broadcast %broadcast_in_dim3A : f32 to vector<16xf32>
    %scan3A = arith.constant 0 : i32
    %scan3A_12 = arith.constant 0 : i32
    %scan3A_13 = arith.constant 160 : i32
    %scan3A_14 = arith.addi %scan3A_12, %scan3A_13 : i32
    %scan3A_15 = arith.constant 1 : i32
    scf.for %scan3A_81 = %scan3A_12 to %scan3A_14 step %scan3A_15  : i32 {
      %swap3A = arith.index_cast %scan3A_81 : i32 to index
      %swap3A_82 = arith.constant 0 : index
      %swap3A_83 = tpu.vector_load %arg18[%swap3A, %swap3A_82] {strides = array<i32>} : memref<160x48xf32, #tpu.memory_space<vmem>>, vector<1x16xf32>,
      %swap3A_84 = vector.shape_cast %swap3A_83 : vector<1x16xf32> to vector<16xf32>
      %swap3A_85 = vector.shape_cast %broadcast_in_dim3A_11 : vector<16xf32> to vector<1x16xf32>
      tpu.vector_store %arg18[%swap3A, %swap3A_82], %swap3A_85 {strides = array<i32>} : memref<160x48xf32, #tpu.memory_space<vmem>>, vector<1x16xf32>,
      %swap3A_86 = arith.index_cast %scan3A_81 : i32 to index
      %swap3A_87 = arith.constant 16 : index
      %swap3A_88 = tpu.vector_load %arg18[%swap3A_86, %swap3A_87] {strides = array<i32>} : memref<160x48xf32, #tpu.memory_space<vmem>>, vector<1x16xf32>,
      %swap3A_89 = vector.shape_cast %swap3A_88 : vector<1x16xf32> to vector<16xf32>
      %swap3A_90 = vector.shape_cast %broadcast_in_dim3A_11 : vector<16xf32> to vector<1x16xf32>
      tpu.vector_store %arg18[%swap3A_86, %swap3A_87], %swap3A_90 {strides = array<i32>} : memref<160x48xf32, #tpu.memory_space<vmem>>, vector<1x16xf32>,
      %swap3A_91 = arith.index_cast %scan3A_81 : i32 to index
      %swap3A_92 = arith.constant 32 : index
      %swap3A_93 = tpu.vector_load %arg18[%swap3A_91, %swap3A_92] {strides = array<i32>} : memref<160x48xf32, #tpu.memory_space<vmem>>, vector<1x16xf32>,
      %swap3A_94 = vector.shape_cast %swap3A_93 : vector<1x16xf32> to vector<16xf32>
      %swap3A_95 = vector.shape_cast %broadcast_in_dim3A_11 : vector<16xf32> to vector<1x16xf32>
      tpu.vector_store %arg18[%swap3A_91, %swap3A_92], %swap3A_95 {strides = array<i32>} : memref<160x48xf32, #tpu.memory_space<vmem>>, vector<1x16xf32>,
    }
    %scan3A_16 = arith.constant 160 : i32
    %iota3A = tpu.iota {dimensions = array<i32: 0>} : vector<16xi32>
    %eq3A_17 = arith.constant 0 : i32
    %eq3A_18 = vector.broadcast %eq3A_17 : i32 to vector<16xi32>
    %eq3A_19 = arith.cmpi eq, %iota3A, %eq3A_18 : vector<16xi32>
    %jit3A_20 = arith.constant 1.000000e+00 : f32
    %jit3A_21 = arith.constant 0.000000e+00 : f32
    %broadcast_in_dim3A_22 = vector.broadcast %jit3A_20 : f32 to vector<16xf32>
    %broadcast_in_dim3A_23 = vector.broadcast %jit3A_21 : f32 to vector<16xf32>
    %select_n3A_24 = arith.select %eq3A_19, %broadcast_in_dim3A_22, %broadcast_in_dim3A_23 : vector<16xi1>, vector<16xf32>
    %scan3A_25 = arith.constant 0 : i32
    %scan3A_26 = arith.constant 0 : i32
    %scan3A_27 = arith.constant 128 : i32
    %scan3A_28 = arith.addi %scan3A_26, %scan3A_27 : i32
    %scan3A_29 = arith.constant 1 : i32
    scf.for %scan3A_81 = %scan3A_26 to %scan3A_28 step %scan3A_29  : i32 {
      %swap3A = arith.index_cast %scan3A_81 : i32 to index
      %swap3A_82 = arith.constant 32 : index
      %swap3A_83 = tpu.vector_load %arg16[%swap3A, %swap3A_82] {strides = array<i32>} : memref<128x48xf32, #tpu.memory_space<vmem>>, vector<1x16xf32>,
      %swap3A_84 = vector.shape_cast %swap3A_83 : vector<1x16xf32> to vector<16xf32>
      %swap3A_85 = vector.shape_cast %select_n3A_24 : vector<16xf32> to vector<1x16xf32>
      tpu.vector_store %arg16[%swap3A, %swap3A_82], %swap3A_85 {strides = array<i32>} : memref<128x48xf32, #tpu.memory_space<vmem>>, vector<1x16xf32>,
      %swap3A_86 = arith.index_cast %scan3A_81 : i32 to index
      %swap3A_87 = arith.constant 32 : index
      %swap3A_88 = tpu.vector_load %arg17[%swap3A_86, %swap3A_87] {strides = array<i32>} : memref<128x48xf32, #tpu.memory_space<vmem>>, vector<1x16xf32>,
      %swap3A_89 = vector.shape_cast %swap3A_88 : vector<1x16xf32> to vector<16xf32>
      %swap3A_90 = vector.shape_cast %select_n3A_24 : vector<16xf32> to vector<1x16xf32>
      tpu.vector_store %arg17[%swap3A_86, %swap3A_87], %swap3A_90 {strides = array<i32>} : memref<128x48xf32, #tpu.memory_space<vmem>>, vector<1x16xf32>,
    }
    %scan3A_30 = arith.constant 128 : i32
    "tpu.region"() ({
      %run_scoped3A = tpu.sem_alloc : memref<!tpu.dma_semaphore, #tpu.memory_space<semaphore_mem>>
      %dma_start3A_81 = arith.constant 0 : i32
      %dma_start3A_82 = tpu.memref_slice %arg5[%select_n3A, %dma_start3A_81] : memref<2608x128xi32, #tpu.memory_space<hbm>> -> memref<104x128xi32, #tpu.memory_space<hbm>>
      %dma_start3A_83 = arith.constant 0 : i32
      %dma_start3A_84 = tpu.memref_slice %arg5[%select_n3A, %dma_start3A_83] : memref<2608x128xi32, #tpu.memory_space<hbm>> -> memref<104x128xi32, #tpu.memory_space<hbm>>
      tpu.enqueue_dma source(%dma_start3A_84 : memref<104x128xi32, #tpu.memory_space<hbm>>) target(%arg8 : memref<104x128xi32, #tpu.memory_space<vmem>>) target_semaphore(%run_scoped3A : memref<!tpu.dma_semaphore, #tpu.memory_space<semaphore_mem>>)
      %dma_wait3A_85 = arith.constant 0 : i32
      %dma_wait3A_86 = tpu.memref_slice %arg5[%select_n3A, %dma_wait3A_85] : memref<2608x128xi32, #tpu.memory_space<hbm>> -> memref<104x128xi32, #tpu.memory_space<hbm>>
      %dma_wait3A_87 = arith.constant 0 : i32
      %dma_wait3A_88 = tpu.memref_slice %arg5[%select_n3A, %dma_wait3A_87] : memref<2608x128xi32, #tpu.memory_space<hbm>> -> memref<104x128xi32, #tpu.memory_space<hbm>>
      tpu.wait_dma2 semaphore(%run_scoped3A : memref<!tpu.dma_semaphore, #tpu.memory_space<semaphore_mem>>) src(%dma_wait3A_88 : memref<104x128xi32, #tpu.memory_space<hbm>>) dst(%arg8 : memref<104x128xi32, #tpu.memory_space<vmem>>)
      tpu.yield
    }) : () -> ()
    "tpu.region"() ({
      %run_scoped3A = tpu.sem_alloc : memref<!tpu.dma_semaphore, #tpu.memory_space<semaphore_mem>>
      %dma_start3A_81 = arith.constant 0 : i32
      %dma_start3A_82 = tpu.memref_slice %arg6[%select_n3A, %dma_start3A_81] : memref<2608x128xi32, #tpu.memory_space<hbm>> -> memref<104x128xi32, #tpu.memory_space<hbm>>
      %dma_start3A_83 = arith.constant 0 : i32
      %dma_start3A_84 = tpu.memref_slice %arg6[%select_n3A, %dma_start3A_83] : memref<2608x128xi32, #tpu.memory_space<hbm>> -> memref<104x128xi32, #tpu.memory_space<hbm>>
      tpu.enqueue_dma source(%dma_start3A_84 : memref<104x128xi32, #tpu.memory_space<hbm>>) target(%arg9 : memref<104x128xi32, #tpu.memory_space<vmem>>) target_semaphore(%run_scoped3A : memref<!tpu.dma_semaphore, #tpu.memory_space<semaphore_mem>>)
      %dma_wait3A_85 = arith.constant 0 : i32
      %dma_wait3A_86 = tpu.memref_slice %arg6[%select_n3A, %dma_wait3A_85] : memref<2608x128xi32, #tpu.memory_space<hbm>> -> memref<104x128xi32, #tpu.memory_space<hbm>>
      %dma_wait3A_87 = arith.constant 0 : i32
      %dma_wait3A_88 = tpu.memref_slice %arg6[%select_n3A, %dma_wait3A_87] : memref<2608x128xi32, #tpu.memory_space<hbm>> -> memref<104x128xi32, #tpu.memory_space<hbm>>
      tpu.wait_dma2 semaphore(%run_scoped3A : memref<!tpu.dma_semaphore, #tpu.memory_space<semaphore_mem>>) src(%dma_wait3A_88 : memref<104x128xi32, #tpu.memory_space<hbm>>) dst(%arg9 : memref<104x128xi32, #tpu.memory_space<vmem>>)
      tpu.yield
    }) : () -> ()
    %add3A_31 = arith.constant 0 : i32
    %add3A_32 = arith.addi %mul3A_0, %add3A_31 : i32
    "tpu.region"() ({
      %run_scoped3A = tpu.sem_alloc : memref<!tpu.dma_semaphore, #tpu.memory_space<semaphore_mem>>
      %dma_start3A_81 = arith.constant 0 : i32
      %dma_start3A_82 = tpu.memref_slice %arg19[%add3A_32, %dma_start3A_81] : memref<10240x48xf32, #tpu.memory_space<vmem_shared>> -> memref<160x48xf32, #tpu.memory_space<vmem_shared>>
      %dma_start3A_83 = arith.constant 0 : i32
      %dma_start3A_84 = tpu.memref_slice %arg19[%add3A_32, %dma_start3A_83] : memref<10240x48xf32, #tpu.memory_space<vmem_shared>> -> memref<160x48xf32, #tpu.memory_space<vmem_shared>>
      tpu.enqueue_dma source(%arg18 : memref<160x48xf32, #tpu.memory_space<vmem>>) target(%dma_start3A_84 : memref<160x48xf32, #tpu.memory_space<vmem_shared>>) target_semaphore(%run_scoped3A : memref<!tpu.dma_semaphore, #tpu.memory_space<semaphore_mem>>)
      %dma_wait3A_85 = arith.constant 0 : i32
      %dma_wait3A_86 = tpu.memref_slice %arg19[%add3A_32, %dma_wait3A_85] : memref<10240x48xf32, #tpu.memory_space<vmem_shared>> -> memref<160x48xf32, #tpu.memory_space<vmem_shared>>
      %dma_wait3A_87 = arith.constant 0 : i32
      %dma_wait3A_88 = tpu.memref_slice %arg19[%add3A_32, %dma_wait3A_87] : memref<10240x48xf32, #tpu.memory_space<vmem_shared>> -> memref<160x48xf32, #tpu.memory_space<vmem_shared>>
      tpu.wait_dma2 semaphore(%run_scoped3A : memref<!tpu.dma_semaphore, #tpu.memory_space<semaphore_mem>>) src(%arg18 : memref<160x48xf32, #tpu.memory_space<vmem>>) dst(%dma_wait3A_88 : memref<160x48xf32, #tpu.memory_space<vmem_shared>>)
      tpu.yield
    }) : () -> ()
    %add3A_33 = arith.constant 160 : i32
    %add3A_34 = arith.addi %mul3A_0, %add3A_33 : i32
    "tpu.region"() ({
      %run_scoped3A = tpu.sem_alloc : memref<!tpu.dma_semaphore, #tpu.memory_space<semaphore_mem>>
      %dma_start3A_81 = arith.constant 0 : i32
      %dma_start3A_82 = tpu.memref_slice %arg19[%add3A_34, %dma_start3A_81] : memref<10240x48xf32, #tpu.memory_space<vmem_shared>> -> memref<160x48xf32, #tpu.memory_space<vmem_shared>>
      %dma_start3A_83 = arith.constant 0 : i32
      %dma_start3A_84 = tpu.memref_slice %arg19[%add3A_34, %dma_start3A_83] : memref<10240x48xf32, #tpu.memory_space<vmem_shared>> -> memref<160x48xf32, #tpu.memory_space<vmem_shared>>
      tpu.enqueue_dma source(%arg18 : memref<160x48xf32, #tpu.memory_space<vmem>>) target(%dma_start3A_84 : memref<160x48xf32, #tpu.memory_space<vmem_shared>>) target_semaphore(%run_scoped3A : memref<!tpu.dma_semaphore, #tpu.memory_space<semaphore_mem>>)
      %dma_wait3A_85 = arith.constant 0 : i32
      %dma_wait3A_86 = tpu.memref_slice %arg19[%add3A_34, %dma_wait3A_85] : memref<10240x48xf32, #tpu.memory_space<vmem_shared>> -> memref<160x48xf32, #tpu.memory_space<vmem_shared>>
      %dma_wait3A_87 = arith.constant 0 : i32
      %dma_wait3A_88 = tpu.memref_slice %arg19[%add3A_34, %dma_wait3A_87] : memref<10240x48xf32, #tpu.memory_space<vmem_shared>> -> memref<160x48xf32, #tpu.memory_space<vmem_shared>>
      tpu.wait_dma2 semaphore(%run_scoped3A : memref<!tpu.dma_semaphore, #tpu.memory_space<semaphore_mem>>) src(%arg18 : memref<160x48xf32, #tpu.memory_space<vmem>>) dst(%dma_wait3A_88 : memref<160x48xf32, #tpu.memory_space<vmem_shared>>)
      tpu.yield
    }) : () -> ()
    %add3A_35 = arith.constant 320 : i32
    %add3A_36 = arith.addi %mul3A_0, %add3A_35 : i32
    "tpu.region"() ({
      %run_scoped3A = tpu.sem_alloc : memref<!tpu.dma_semaphore, #tpu.memory_space<semaphore_mem>>
      %dma_start3A_81 = arith.constant 0 : i32
      %dma_start3A_82 = tpu.memref_slice %arg19[%add3A_36, %dma_start3A_81] : memref<10240x48xf32, #tpu.memory_space<vmem_shared>> -> memref<160x48xf32, #tpu.memory_space<vmem_shared>>
      %dma_start3A_83 = arith.constant 0 : i32
      %dma_start3A_84 = tpu.memref_slice %arg19[%add3A_36, %dma_start3A_83] : memref<10240x48xf32, #tpu.memory_space<vmem_shared>> -> memref<160x48xf32, #tpu.memory_space<vmem_shared>>
      tpu.enqueue_dma source(%arg18 : memref<160x48xf32, #tpu.memory_space<vmem>>) target(%dma_start3A_84 : memref<160x48xf32, #tpu.memory_space<vmem_shared>>) target_semaphore(%run_scoped3A : memref<!tpu.dma_semaphore, #tpu.memory_space<semaphore_mem>>)
      %dma_wait3A_85 = arith.constant 0 : i32
      %dma_wait3A_86 = tpu.memref_slice %arg19[%add3A_36, %dma_wait3A_85] : memref<10240x48xf32, #tpu.memory_space<vmem_shared>> -> memref<160x48xf32, #tpu.memory_space<vmem_shared>>
      %dma_wait3A_87 = arith.constant 0 : i32
      %dma_wait3A_88 = tpu.memref_slice %arg19[%add3A_36, %dma_wait3A_87] : memref<10240x48xf32, #tpu.memory_space<vmem_shared>> -> memref<160x48xf32, #tpu.memory_space<vmem_shared>>
      tpu.wait_dma2 semaphore(%run_scoped3A : memref<!tpu.dma_semaphore, #tpu.memory_space<semaphore_mem>>) src(%arg18 : memref<160x48xf32, #tpu.memory_space<vmem>>) dst(%dma_wait3A_88 : memref<160x48xf32, #tpu.memory_space<vmem_shared>>)
      tpu.yield
    }) : () -> ()
    %add3A_37 = arith.constant 480 : i32
    %add3A_38 = arith.addi %mul3A_0, %add3A_37 : i32
    "tpu.region"() ({
      %run_scoped3A = tpu.sem_alloc : memref<!tpu.dma_semaphore, #tpu.memory_space<semaphore_mem>>
      %dma_start3A_81 = arith.constant 0 : i32
      %dma_start3A_82 = tpu.memref_slice %arg19[%add3A_38, %dma_start3A_81] : memref<10240x48xf32, #tpu.memory_space<vmem_shared>> -> memref<160x48xf32, #tpu.memory_space<vmem_shared>>
      %dma_start3A_83 = arith.constant 0 : i32
      %dma_start3A_84 = tpu.memref_slice %arg19[%add3A_38, %dma_start3A_83] : memref<10240x48xf32, #tpu.memory_space<vmem_shared>> -> memref<160x48xf32, #tpu.memory_space<vmem_shared>>
      tpu.enqueue_dma source(%arg18 : memref<160x48xf32, #tpu.memory_space<vmem>>) target(%dma_start3A_84 : memref<160x48xf32, #tpu.memory_space<vmem_shared>>) target_semaphore(%run_scoped3A : memref<!tpu.dma_semaphore, #tpu.memory_space<semaphore_mem>>)
      %dma_wait3A_85 = arith.constant 0 : i32
      %dma_wait3A_86 = tpu.memref_slice %arg19[%add3A_38, %dma_wait3A_85] : memref<10240x48xf32, #tpu.memory_space<vmem_shared>> -> memref<160x48xf32, #tpu.memory_space<vmem_shared>>
      %dma_wait3A_87 = arith.constant 0 : i32
      %dma_wait3A_88 = tpu.memref_slice %arg19[%add3A_38, %dma_wait3A_87] : memref<10240x48xf32, #tpu.memory_space<vmem_shared>> -> memref<160x48xf32, #tpu.memory_space<vmem_shared>>
      tpu.wait_dma2 semaphore(%run_scoped3A : memref<!tpu.dma_semaphore, #tpu.memory_space<semaphore_mem>>) src(%arg18 : memref<160x48xf32, #tpu.memory_space<vmem>>) dst(%dma_wait3A_88 : memref<160x48xf32, #tpu.memory_space<vmem_shared>>)
      tpu.yield
    }) : () -> ()
    %barrier3A = arith.constant 0 : index
    tpu.barrier barrier_id(%barrier3A)
    %add3A_39 = arith.constant 0 : i32
    %add3A_40 = arith.addi %select_n3A, %add3A_39 : i32
    %mul3A_41 = arith.constant 4096 : i32
    %mul3A_42 = arith.muli %add3A_40, %mul3A_41 : i32
    %dma_start3A = tpu.memref_slice %arg4[%mul3A_42] : memref<10485760xf32, #tpu.memory_space<hbm>> -> memref<4096xf32, #tpu.memory_space<hbm>>
    %dma_start3A_43 = tpu.memref_slice %arg4[%mul3A_42] : memref<10485760xf32, #tpu.memory_space<hbm>> -> memref<4096xf32, #tpu.memory_space<hbm>>
    tpu.enqueue_dma source(%dma_start3A_43 : memref<4096xf32, #tpu.memory_space<hbm>>) target(%arg14 : memref<4096xf32, #tpu.memory_space<vmem>>) target_semaphore(%arg24 : memref<!tpu.dma_semaphore, #tpu.memory_space<semaphore_mem>>)
    %dma_start3A_44 = arith.constant 0 : i32
    %dma_start3A_45 = arith.constant 0 : i32
    %dma_start3A_46 = tpu.memref_slice %arg9[%dma_start3A_44, %dma_start3A_45] : memref<104x128xi32, #tpu.memory_space<vmem>> -> memref<1x128xi32, #tpu.memory_space<vmem>>
    %dma_start3A_47 = tpu.memref_squeeze %dma_start3A_46 : memref<1x128xi32, #tpu.memory_space<vmem>> -> memref<128xi32, #tpu.memory_space<vmem>>
    %dma_start3A_48 = arith.constant 0 : i32
    %dma_start3A_49 = arith.constant 0 : i32
    %dma_start3A_50 = tpu.memref_slice %arg2[%dma_start3A_48, %dma_start3A_49] : memref<10240x32xf32, #tpu.memory_space<hbm>> -> memref<10240x32xf32, #tpu.memory_space<hbm>>
    tpu.enqueue_indirect_dma source(%dma_start3A_50 : memref<10240x32xf32, #tpu.memory_space<hbm>>) target(%arg10 : memref<128x32xf32, #tpu.memory_space<vmem>>) offsets(%dma_start3A_47 : memref<128xi32, #tpu.memory_space<vmem>>) semaphore(%arg20 : memref<!tpu.dma_semaphore, #tpu.memory_space<semaphore_mem>>)
    %dma_start3A_51 = arith.constant 0 : i32
    %dma_start3A_52 = arith.constant 0 : i32
    %dma_start3A_53 = tpu.memref_slice %arg8[%dma_start3A_51, %dma_start3A_52] : memref<104x128xi32, #tpu.memory_space<vmem>> -> memref<1x128xi32, #tpu.memory_space<vmem>>
    %dma_start3A_54 = tpu.memref_squeeze %dma_start3A_53 : memref<1x128xi32, #tpu.memory_space<vmem>> -> memref<128xi32, #tpu.memory_space<vmem>>
    %dma_start3A_55 = arith.constant 0 : i32
    %dma_start3A_56 = arith.constant 0 : i32
    %dma_start3A_57 = tpu.memref_slice %arg3[%dma_start3A_55, %dma_start3A_56] : memref<10240x32xf32, #tpu.memory_space<hbm>> -> memref<10240x32xf32, #tpu.memory_space<hbm>>
    tpu.enqueue_indirect_dma source(%dma_start3A_57 : memref<10240x32xf32, #tpu.memory_space<hbm>>) target(%arg12 : memref<128x32xf32, #tpu.memory_space<vmem>>) offsets(%dma_start3A_54 : memref<128xi32, #tpu.memory_space<vmem>>) semaphore(%arg22 : memref<!tpu.dma_semaphore, #tpu.memory_space<semaphore_mem>>)
    %while3A = arith.constant 0 : i32
    %while3A_58 = arith.constant 0 : i32
    %while3A_59 = arith.subi %select_n3A_10, %while3A_58 : i32
    %while3A_60 = arith.addi %while3A_58, %while3A_59 : i32
    %while3A_61 = arith.constant 1 : i32
    %while3A_62 = arith.divsi %while3A_59, %while3A_61 : i32
    %while3A_63 = arith.muli %while3A_62, %while3A_61 : i32
    %while3A_64 = arith.addi %while3A_58, %while3A_63 : i32
    %while3A_65 = arith.constant 1 : i32
    scf.for %while3A_81 = %while3A_58 to %while3A_64 step %while3A_65  : i32 {
      %mul3A_82 = arith.constant 2 : i32
      %mul3A_83 = arith.muli %mul3A_82, %while3A_81 : i32
      %add3A_84 = arith.constant 1 : i32
      %add3A_85 = arith.addi %mul3A_83, %add3A_84 : i32
      %add3A_86 = arith.addi %select_n3A, %add3A_85 : i32
      %mul3A_87 = arith.constant 4096 : i32
      %mul3A_88 = arith.muli %add3A_86, %mul3A_87 : i32
      %dma_start3A_89 = tpu.memref_slice %arg4[%mul3A_88] : memref<10485760xf32, #tpu.memory_space<hbm>> -> memref<4096xf32, #tpu.memory_space<hbm>>
      %dma_start3A_90 = tpu.memref_slice %arg4[%mul3A_88] : memref<10485760xf32, #tpu.memory_space<hbm>> -> memref<4096xf32, #tpu.memory_space<hbm>>
      tpu.enqueue_dma source(%dma_start3A_90 : memref<4096xf32, #tpu.memory_space<hbm>>) target(%arg15 : memref<4096xf32, #tpu.memory_space<vmem>>) target_semaphore(%arg25 : memref<!tpu.dma_semaphore, #tpu.memory_space<semaphore_mem>>)
      %dma_start3A_91 = arith.constant 0 : i32
      %dma_start3A_92 = tpu.memref_slice %arg9[%add3A_85, %dma_start3A_91] : memref<104x128xi32, #tpu.memory_space<vmem>> -> memref<1x128xi32, #tpu.memory_space<vmem>>
      %dma_start3A_93 = tpu.memref_squeeze %dma_start3A_92 : memref<1x128xi32, #tpu.memory_space<vmem>> -> memref<128xi32, #tpu.memory_space<vmem>>
      %dma_start3A_94 = arith.constant 0 : i32
      %dma_start3A_95 = arith.constant 0 : i32
      %dma_start3A_96 = tpu.memref_slice %arg2[%dma_start3A_94, %dma_start3A_95] : memref<10240x32xf32, #tpu.memory_space<hbm>> -> memref<10240x32xf32, #tpu.memory_space<hbm>>
      tpu.enqueue_indirect_dma source(%dma_start3A_96 : memref<10240x32xf32, #tpu.memory_space<hbm>>) target(%arg11 : memref<128x32xf32, #tpu.memory_space<vmem>>) offsets(%dma_start3A_93 : memref<128xi32, #tpu.memory_space<vmem>>) semaphore(%arg21 : memref<!tpu.dma_semaphore, #tpu.memory_space<semaphore_mem>>)
      %dma_start3A_97 = arith.constant 0 : i32
      %dma_start3A_98 = tpu.memref_slice %arg8[%add3A_85, %dma_start3A_97] : memref<104x128xi32, #tpu.memory_space<vmem>> -> memref<1x128xi32, #tpu.memory_space<vmem>>
      %dma_start3A_99 = tpu.memref_squeeze %dma_start3A_98 : memref<1x128xi32, #tpu.memory_space<vmem>> -> memref<128xi32, #tpu.memory_space<vmem>>
      %dma_start3A_100 = arith.constant 0 : i32
      %dma_start3A_101 = arith.constant 0 : i32
      %dma_start3A_102 = tpu.memref_slice %arg3[%dma_start3A_100, %dma_start3A_101] : memref<10240x32xf32, #tpu.memory_space<hbm>> -> memref<10240x32xf32, #tpu.memory_space<hbm>>
      tpu.enqueue_indirect_dma source(%dma_start3A_102 : memref<10240x32xf32, #tpu.memory_space<hbm>>) target(%arg13 : memref<128x32xf32, #tpu.memory_space<vmem>>) offsets(%dma_start3A_99 : memref<128xi32, #tpu.memory_space<vmem>>) semaphore(%arg23 : memref<!tpu.dma_semaphore, #tpu.memory_space<semaphore_mem>>)
      %dma_wait3A_103 = arith.constant 0 : i32
      %dma_wait3A_104 = tpu.memref_slice %arg4[%dma_wait3A_103] : memref<10485760xf32, #tpu.memory_space<hbm>> -> memref<4096xf32, #tpu.memory_space<hbm>>
      %dma_wait3A_105 = arith.constant 0 : i32
      %dma_wait3A_106 = tpu.memref_slice %arg4[%dma_wait3A_105] : memref<10485760xf32, #tpu.memory_space<hbm>> -> memref<4096xf32, #tpu.memory_space<hbm>>
      tpu.wait_dma2 semaphore(%arg24 : memref<!tpu.dma_semaphore, #tpu.memory_space<semaphore_mem>>) src(%dma_wait3A_106 : memref<4096xf32, #tpu.memory_space<hbm>>) dst(%arg14 : memref<4096xf32, #tpu.memory_space<vmem>>)
      %dma_wait3A_107 = arith.constant 0 : i32
      %dma_wait3A_108 = arith.constant 0 : i32
      %dma_wait3A_109 = tpu.memref_slice %arg9[%dma_wait3A_107, %dma_wait3A_108] : memref<104x128xi32, #tpu.memory_space<vmem>> -> memref<1x128xi32, #tpu.memory_space<vmem>>
      %dma_wait3A_110 = tpu.memref_squeeze %dma_wait3A_109 : memref<1x128xi32, #tpu.memory_space<vmem>> -> memref<128xi32, #tpu.memory_space<vmem>>
      %dma_wait3A_111 = arith.constant 0 : i32
      %dma_wait3A_112 = arith.constant 0 : i32
      %dma_wait3A_113 = tpu.memref_slice %arg2[%dma_wait3A_111, %dma_wait3A_112] : memref<10240x32xf32, #tpu.memory_space<hbm>> -> memref<10240x32xf32, #tpu.memory_space<hbm>>
      tpu.wait_indirect_dma semaphore(%arg20 : memref<!tpu.dma_semaphore, #tpu.memory_space<semaphore_mem>>) src(%dma_wait3A_113 : memref<10240x32xf32, #tpu.memory_space<hbm>>) dst(%arg10 : memref<128x32xf32, #tpu.memory_space<vmem>>)
      %dma_wait3A_114 = arith.constant 0 : i32
      %dma_wait3A_115 = arith.constant 0 : i32
      %dma_wait3A_116 = tpu.memref_slice %arg8[%dma_wait3A_114, %dma_wait3A_115] : memref<104x128xi32, #tpu.memory_space<vmem>> -> memref<1x128xi32, #tpu.memory_space<vmem>>
      %dma_wait3A_117 = tpu.memref_squeeze %dma_wait3A_116 : memref<1x128xi32, #tpu.memory_space<vmem>> -> memref<128xi32, #tpu.memory_space<vmem>>
      %dma_wait3A_118 = arith.constant 0 : i32
      %dma_wait3A_119 = arith.constant 0 : i32
      %dma_wait3A_120 = tpu.memref_slice %arg3[%dma_wait3A_118, %dma_wait3A_119] : memref<10240x32xf32, #tpu.memory_space<hbm>> -> memref<10240x32xf32, #tpu.memory_space<hbm>>
      tpu.wait_indirect_dma semaphore(%arg22 : memref<!tpu.dma_semaphore, #tpu.memory_space<semaphore_mem>>) src(%dma_wait3A_120 : memref<10240x32xf32, #tpu.memory_space<hbm>>) dst(%arg12 : memref<128x32xf32, #tpu.memory_space<vmem>>)
      %gt3A = arith.constant 0 : i32
      %gt3A_121 = arith.cmpi sgt, %while3A_81, %gt3A : i32
      %convert_element_type3A = arith.extui %gt3A_121 : i1 to i32
      %cond3A = arith.constant 0 : i32
      %cond3A_122 = arith.cmpi ne, %convert_element_type3A, %cond3A : i32
      scf.if %cond3A_122 {
        %dma_wait3A_169 = arith.constant 0 : i32
        %dma_wait3A_170 = arith.constant 0 : i32
        %dma_wait3A_171 = tpu.memref_slice %arg9[%dma_wait3A_169, %dma_wait3A_170] : memref<104x128xi32, #tpu.memory_space<vmem>> -> memref<1x128xi32, #tpu.memory_space<vmem>>
        %dma_wait3A_172 = tpu.memref_squeeze %dma_wait3A_171 : memref<1x128xi32, #tpu.memory_space<vmem>> -> memref<128xi32, #tpu.memory_space<vmem>>
        %dma_wait3A_173 = arith.constant 0 : i32
        %dma_wait3A_174 = arith.constant 0 : i32
        %dma_wait3A_175 = tpu.memref_slice %arg19[%dma_wait3A_173, %dma_wait3A_174] : memref<10240x48xf32, #tpu.memory_space<vmem_shared>> -> memref<10240x48xf32, #tpu.memory_space<vmem_shared>>
        tpu.wait_indirect_dma semaphore(%arg26 : memref<!tpu.dma_semaphore, #tpu.memory_space<semaphore_mem>>) src(%arg16 : memref<128x48xf32, #tpu.memory_space<vmem>>) dst(%dma_wait3A_175 : memref<10240x48xf32, #tpu.memory_space<vmem_shared>>)
      } else {
      }
      %parallel_loop3A = arith.constant 0 : i32
      %parallel_loop3A_123 = arith.constant 128 : i32
      %parallel_loop3A_124 = arith.constant 1 : i32
      scf.for %parallel_loop3A_169 = %parallel_loop3A to %parallel_loop3A_123 step %parallel_loop3A_124  : i32 {
        %parallel_loop3A_170 = arith.index_cast %parallel_loop3A_169 : i32 to index
        %parallel_loop3A_171 = arith.constant 0 : index
        %parallel_loop3A_172 = tpu.vector_load %arg10[%parallel_loop3A_170, %parallel_loop3A_171] {strides = array<i32>} : memref<128x32xf32, #tpu.memory_space<vmem>>, vector<1x16xf32>,
        %parallel_loop3A_173 = vector.shape_cast %parallel_loop3A_172 : vector<1x16xf32> to vector<16xf32>
        %parallel_loop3A_174 = arith.index_cast %parallel_loop3A_169 : i32 to index
        %parallel_loop3A_175 = arith.constant 0 : index
        %parallel_loop3A_176 = tpu.vector_load %arg12[%parallel_loop3A_174, %parallel_loop3A_175] {strides = array<i32>} : memref<128x32xf32, #tpu.memory_space<vmem>>, vector<1x16xf32>,
        %parallel_loop3A_177 = vector.shape_cast %parallel_loop3A_176 : vector<1x16xf32> to vector<16xf32>
        %parallel_loop3A_178 = arith.addf %parallel_loop3A_173, %parallel_loop3A_177 : vector<16xf32>
        %parallel_loop3A_179 = arith.constant 32 : i32
        %parallel_loop3A_180 = arith.muli %parallel_loop3A_179, %parallel_loop3A_169 : i32
        %parallel_loop3A_181 = arith.index_cast %parallel_loop3A_180 : i32 to index
        %parallel_loop3A_182 = tpu.vector_load %arg14[%parallel_loop3A_181] {strides = array<i32>} : memref<4096xf32, #tpu.memory_space<vmem>>, vector<16xf32>,
        %parallel_loop3A_183 = vector.shape_cast %parallel_loop3A_182 : vector<16xf32> to vector<16xf32>
        %parallel_loop3A_184 = arith.addf %parallel_loop3A_178, %parallel_loop3A_183 : vector<16xf32>
        %parallel_loop3A_185 = arith.constant 0.000000e+00 : f32
        %parallel_loop3A_186 = vector.broadcast %parallel_loop3A_185 : f32 to vector<16xf32>
        %parallel_loop3A_187 = arith.maximumf %parallel_loop3A_184, %parallel_loop3A_186 : vector<16xf32>
        %parallel_loop3A_188 = arith.index_cast %parallel_loop3A_169 : i32 to index
        %parallel_loop3A_189 = arith.constant 0 : index
        %parallel_loop3A_190 = tpu.vector_load %arg16[%parallel_loop3A_188, %parallel_loop3A_189] {strides = array<i32>} : memref<128x48xf32, #tpu.memory_space<vmem>>, vector<1x16xf32>,
        %parallel_loop3A_191 = vector.shape_cast %parallel_loop3A_190 : vector<1x16xf32> to vector<16xf32>
        %parallel_loop3A_192 = vector.shape_cast %parallel_loop3A_187 : vector<16xf32> to vector<1x16xf32>
        tpu.vector_store %arg16[%parallel_loop3A_188, %parallel_loop3A_189], %parallel_loop3A_192 {strides = array<i32>} : memref<128x48xf32, #tpu.memory_space<vmem>>, vector<1x16xf32>,
        %parallel_loop3A_193 = arith.index_cast %parallel_loop3A_169 : i32 to index
        %parallel_loop3A_194 = arith.constant 16 : index
        %parallel_loop3A_195 = tpu.vector_load %arg10[%parallel_loop3A_193, %parallel_loop3A_194] {strides = array<i32>} : memref<128x32xf32, #tpu.memory_space<vmem>>, vector<1x16xf32>,
        %parallel_loop3A_196 = vector.shape_cast %parallel_loop3A_195 : vector<1x16xf32> to vector<16xf32>
        %parallel_loop3A_197 = arith.index_cast %parallel_loop3A_169 : i32 to index
        %parallel_loop3A_198 = arith.constant 16 : index
        %parallel_loop3A_199 = tpu.vector_load %arg12[%parallel_loop3A_197, %parallel_loop3A_198] {strides = array<i32>} : memref<128x32xf32, #tpu.memory_space<vmem>>, vector<1x16xf32>,
        %parallel_loop3A_200 = vector.shape_cast %parallel_loop3A_199 : vector<1x16xf32> to vector<16xf32>
        %parallel_loop3A_201 = arith.addf %parallel_loop3A_196, %parallel_loop3A_200 : vector<16xf32>
        %parallel_loop3A_202 = arith.constant 32 : i32
        %parallel_loop3A_203 = arith.muli %parallel_loop3A_202, %parallel_loop3A_169 : i32
        %parallel_loop3A_204 = arith.constant 16 : i32
        %parallel_loop3A_205 = arith.addi %parallel_loop3A_203, %parallel_loop3A_204 : i32
        %parallel_loop3A_206 = arith.index_cast %parallel_loop3A_205 : i32 to index
        %parallel_loop3A_207 = tpu.vector_load %arg14[%parallel_loop3A_206] {strides = array<i32>} : memref<4096xf32, #tpu.memory_space<vmem>>, vector<16xf32>,
        %parallel_loop3A_208 = vector.shape_cast %parallel_loop3A_207 : vector<16xf32> to vector<16xf32>
        %parallel_loop3A_209 = arith.addf %parallel_loop3A_201, %parallel_loop3A_208 : vector<16xf32>
        %parallel_loop3A_210 = arith.constant 0.000000e+00 : f32
        %parallel_loop3A_211 = vector.broadcast %parallel_loop3A_210 : f32 to vector<16xf32>
        %parallel_loop3A_212 = arith.maximumf %parallel_loop3A_209, %parallel_loop3A_211 : vector<16xf32>
        %parallel_loop3A_213 = arith.index_cast %parallel_loop3A_169 : i32 to index
        %parallel_loop3A_214 = arith.constant 16 : index
        %parallel_loop3A_215 = tpu.vector_load %arg16[%parallel_loop3A_213, %parallel_loop3A_214] {strides = array<i32>} : memref<128x48xf32, #tpu.memory_space<vmem>>, vector<1x16xf32>,
        %parallel_loop3A_216 = vector.shape_cast %parallel_loop3A_215 : vector<1x16xf32> to vector<16xf32>
        %parallel_loop3A_217 = vector.shape_cast %parallel_loop3A_212 : vector<16xf32> to vector<1x16xf32>
        tpu.vector_store %arg16[%parallel_loop3A_213, %parallel_loop3A_214], %parallel_loop3A_217 {strides = array<i32>} : memref<128x48xf32, #tpu.memory_space<vmem>>, vector<1x16xf32>,
      } {sc.loop_unroll_factor = 4 : i64, sc.parallel_access}
      %dma_start3A_125 = arith.constant 0 : i32
      %dma_start3A_126 = tpu.memref_slice %arg9[%mul3A_83, %dma_start3A_125] : memref<104x128xi32, #tpu.memory_space<vmem>> -> memref<1x128xi32, #tpu.memory_space<vmem>>
      %dma_start3A_127 = tpu.memref_squeeze %dma_start3A_126 : memref<1x128xi32, #tpu.memory_space<vmem>> -> memref<128xi32, #tpu.memory_space<vmem>>
      %dma_start3A_128 = arith.constant 0 : i32
      %dma_start3A_129 = arith.constant 0 : i32
      %dma_start3A_130 = tpu.memref_slice %arg19[%dma_start3A_128, %dma_start3A_129] : memref<10240x48xf32, #tpu.memory_space<vmem_shared>> -> memref<10240x48xf32, #tpu.memory_space<vmem_shared>>
      tpu.enqueue_indirect_dma source(%arg16 : memref<128x48xf32, #tpu.memory_space<vmem>>) target(%dma_start3A_130 : memref<10240x48xf32, #tpu.memory_space<vmem_shared>>) offsets(%dma_start3A_127 : memref<128xi32, #tpu.memory_space<vmem>>) semaphore(%arg26 : memref<!tpu.dma_semaphore, #tpu.memory_space<semaphore_mem>>) {add = true}
      %sub3A = arith.constant 1 : i32
      %sub3A_131 = arith.subi %select_n3A_10, %sub3A : i32
      %lt3A = arith.cmpi slt, %while3A_81, %sub3A_131 : i32
      %convert_element_type3A_132 = arith.extui %lt3A : i1 to i32
      %cond3A_133 = arith.constant 0 : i32
      %cond3A_134 = arith.cmpi ne, %convert_element_type3A_132, %cond3A_133 : i32
      scf.if %cond3A_134 {
        %add3A_169 = arith.constant 2 : i32
        %add3A_170 = arith.addi %mul3A_83, %add3A_169 : i32
        %add3A_171 = arith.addi %select_n3A, %add3A_170 : i32
        %mul3A_172 = arith.constant 4096 : i32
        %mul3A_173 = arith.muli %add3A_171, %mul3A_172 : i32
        %dma_start3A_174 = tpu.memref_slice %arg4[%mul3A_173] : memref<10485760xf32, #tpu.memory_space<hbm>> -> memref<4096xf32, #tpu.memory_space<hbm>>
        %dma_start3A_175 = tpu.memref_slice %arg4[%mul3A_173] : memref<10485760xf32, #tpu.memory_space<hbm>> -> memref<4096xf32, #tpu.memory_space<hbm>>
        tpu.enqueue_dma source(%dma_start3A_175 : memref<4096xf32, #tpu.memory_space<hbm>>) target(%arg14 : memref<4096xf32, #tpu.memory_space<vmem>>) target_semaphore(%arg24 : memref<!tpu.dma_semaphore, #tpu.memory_space<semaphore_mem>>)
        %dma_start3A_176 = arith.constant 0 : i32
        %dma_start3A_177 = tpu.memref_slice %arg9[%add3A_170, %dma_start3A_176] : memref<104x128xi32, #tpu.memory_space<vmem>> -> memref<1x128xi32, #tpu.memory_space<vmem>>
        %dma_start3A_178 = tpu.memref_squeeze %dma_start3A_177 : memref<1x128xi32, #tpu.memory_space<vmem>> -> memref<128xi32, #tpu.memory_space<vmem>>
        %dma_start3A_179 = arith.constant 0 : i32
        %dma_start3A_180 = arith.constant 0 : i32
        %dma_start3A_181 = tpu.memref_slice %arg2[%dma_start3A_179, %dma_start3A_180] : memref<10240x32xf32, #tpu.memory_space<hbm>> -> memref<10240x32xf32, #tpu.memory_space<hbm>>
        tpu.enqueue_indirect_dma source(%dma_start3A_181 : memref<10240x32xf32, #tpu.memory_space<hbm>>) target(%arg10 : memref<128x32xf32, #tpu.memory_space<vmem>>) offsets(%dma_start3A_178 : memref<128xi32, #tpu.memory_space<vmem>>) semaphore(%arg20 : memref<!tpu.dma_semaphore, #tpu.memory_space<semaphore_mem>>)
        %dma_start3A_182 = arith.constant 0 : i32
        %dma_start3A_183 = tpu.memref_slice %arg8[%add3A_170, %dma_start3A_182] : memref<104x128xi32, #tpu.memory_space<vmem>> -> memref<1x128xi32, #tpu.memory_space<vmem>>
        %dma_start3A_184 = tpu.memref_squeeze %dma_start3A_183 : memref<1x128xi32, #tpu.memory_space<vmem>> -> memref<128xi32, #tpu.memory_space<vmem>>
        %dma_start3A_185 = arith.constant 0 : i32
        %dma_start3A_186 = arith.constant 0 : i32
        %dma_start3A_187 = tpu.memref_slice %arg3[%dma_start3A_185, %dma_start3A_186] : memref<10240x32xf32, #tpu.memory_space<hbm>> -> memref<10240x32xf32, #tpu.memory_space<hbm>>
        tpu.enqueue_indirect_dma source(%dma_start3A_187 : memref<10240x32xf32, #tpu.memory_space<hbm>>) target(%arg12 : memref<128x32xf32, #tpu.memory_space<vmem>>) offsets(%dma_start3A_184 : memref<128xi32, #tpu.memory_space<vmem>>) semaphore(%arg22 : memref<!tpu.dma_semaphore, #tpu.memory_space<semaphore_mem>>)
      } else {
      }
      %dma_wait3A_135 = arith.constant 0 : i32
      %dma_wait3A_136 = tpu.memref_slice %arg4[%dma_wait3A_135] : memref<10485760xf32, #tpu.memory_space<hbm>> -> memref<4096xf32, #tpu.memory_space<hbm>>
      %dma_wait3A_137 = arith.constant 0 : i32
      %dma_wait3A_138 = tpu.memref_slice %arg4[%dma_wait3A_137] : memref<10485760xf32, #tpu.memory_space<hbm>> -> memref<4096xf32, #tpu.memory_space<hbm>>
      tpu.wait_dma2 semaphore(%arg25 : memref<!tpu.dma_semaphore, #tpu.memory_space<semaphore_mem>>) src(%dma_wait3A_138 : memref<4096xf32, #tpu.memory_space<hbm>>) dst(%arg15 : memref<4096xf32, #tpu.memory_space<vmem>>)
      %dma_wait3A_139 = arith.constant 0 : i32
      %dma_wait3A_140 = arith.constant 0 : i32
      %dma_wait3A_141 = tpu.memref_slice %arg9[%dma_wait3A_139, %dma_wait3A_140] : memref<104x128xi32, #tpu.memory_space<vmem>> -> memref<1x128xi32, #tpu.memory_space<vmem>>
      %dma_wait3A_142 = tpu.memref_squeeze %dma_wait3A_141 : memref<1x128xi32, #tpu.memory_space<vmem>> -> memref<128xi32, #tpu.memory_space<vmem>>
      %dma_wait3A_143 = arith.constant 0 : i32
      %dma_wait3A_144 = arith.constant 0 : i32
      %dma_wait3A_145 = tpu.memref_slice %arg2[%dma_wait3A_143, %dma_wait3A_144] : memref<10240x32xf32, #tpu.memory_space<hbm>> -> memref<10240x32xf32, #tpu.memory_space<hbm>>
      tpu.wait_indirect_dma semaphore(%arg21 : memref<!tpu.dma_semaphore, #tpu.memory_space<semaphore_mem>>) src(%dma_wait3A_145 : memref<10240x32xf32, #tpu.memory_space<hbm>>) dst(%arg11 : memref<128x32xf32, #tpu.memory_space<vmem>>)
      %dma_wait3A_146 = arith.constant 0 : i32
      %dma_wait3A_147 = arith.constant 0 : i32
      %dma_wait3A_148 = tpu.memref_slice %arg8[%dma_wait3A_146, %dma_wait3A_147] : memref<104x128xi32, #tpu.memory_space<vmem>> -> memref<1x128xi32, #tpu.memory_space<vmem>>
      %dma_wait3A_149 = tpu.memref_squeeze %dma_wait3A_148 : memref<1x128xi32, #tpu.memory_space<vmem>> -> memref<128xi32, #tpu.memory_space<vmem>>
      %dma_wait3A_150 = arith.constant 0 : i32
      %dma_wait3A_151 = arith.constant 0 : i32
      %dma_wait3A_152 = tpu.memref_slice %arg3[%dma_wait3A_150, %dma_wait3A_151] : memref<10240x32xf32, #tpu.memory_space<hbm>> -> memref<10240x32xf32, #tpu.memory_space<hbm>>
      tpu.wait_indirect_dma semaphore(%arg23 : memref<!tpu.dma_semaphore, #tpu.memory_space<semaphore_mem>>) src(%dma_wait3A_152 : memref<10240x32xf32, #tpu.memory_space<hbm>>) dst(%arg13 : memref<128x32xf32, #tpu.memory_space<vmem>>)
      %gt3A_153 = arith.constant 0 : i32
      %gt3A_154 = arith.cmpi sgt, %while3A_81, %gt3A_153 : i32
      %convert_element_type3A_155 = arith.extui %gt3A_154 : i1 to i32
      %cond3A_156 = arith.constant 0 : i32
      %cond3A_157 = arith.cmpi ne, %convert_element_type3A_155, %cond3A_156 : i32
      scf.if %cond3A_157 {
        %dma_wait3A_169 = arith.constant 0 : i32
        %dma_wait3A_170 = arith.constant 0 : i32
        %dma_wait3A_171 = tpu.memref_slice %arg9[%dma_wait3A_169, %dma_wait3A_170] : memref<104x128xi32, #tpu.memory_space<vmem>> -> memref<1x128xi32, #tpu.memory_space<vmem>>
        %dma_wait3A_172 = tpu.memref_squeeze %dma_wait3A_171 : memref<1x128xi32, #tpu.memory_space<vmem>> -> memref<128xi32, #tpu.memory_space<vmem>>
        %dma_wait3A_173 = arith.constant 0 : i32
        %dma_wait3A_174 = arith.constant 0 : i32
        %dma_wait3A_175 = tpu.memref_slice %arg19[%dma_wait3A_173, %dma_wait3A_174] : memref<10240x48xf32, #tpu.memory_space<vmem_shared>> -> memref<10240x48xf32, #tpu.memory_space<vmem_shared>>
        tpu.wait_indirect_dma semaphore(%arg27 : memref<!tpu.dma_semaphore, #tpu.memory_space<semaphore_mem>>) src(%arg17 : memref<128x48xf32, #tpu.memory_space<vmem>>) dst(%dma_wait3A_175 : memref<10240x48xf32, #tpu.memory_space<vmem_shared>>)
      } else {
      }
      %parallel_loop3A_158 = arith.constant 0 : i32
      %parallel_loop3A_159 = arith.constant 128 : i32
      %parallel_loop3A_160 = arith.constant 1 : i32
      scf.for %parallel_loop3A_169 = %parallel_loop3A_158 to %parallel_loop3A_159 step %parallel_loop3A_160  : i32 {
        %parallel_loop3A_170 = arith.index_cast %parallel_loop3A_169 : i32 to index
        %parallel_loop3A_171 = arith.constant 0 : index
        %parallel_loop3A_172 = tpu.vector_load %arg11[%parallel_loop3A_170, %parallel_loop3A_171] {strides = array<i32>} : memref<128x32xf32, #tpu.memory_space<vmem>>, vector<1x16xf32>,
        %parallel_loop3A_173 = vector.shape_cast %parallel_loop3A_172 : vector<1x16xf32> to vector<16xf32>
        %parallel_loop3A_174 = arith.index_cast %parallel_loop3A_169 : i32 to index
        %parallel_loop3A_175 = arith.constant 0 : index
        %parallel_loop3A_176 = tpu.vector_load %arg13[%parallel_loop3A_174, %parallel_loop3A_175] {strides = array<i32>} : memref<128x32xf32, #tpu.memory_space<vmem>>, vector<1x16xf32>,
        %parallel_loop3A_177 = vector.shape_cast %parallel_loop3A_176 : vector<1x16xf32> to vector<16xf32>
        %parallel_loop3A_178 = arith.addf %parallel_loop3A_173, %parallel_loop3A_177 : vector<16xf32>
        %parallel_loop3A_179 = arith.constant 32 : i32
        %parallel_loop3A_180 = arith.muli %parallel_loop3A_179, %parallel_loop3A_169 : i32
        %parallel_loop3A_181 = arith.index_cast %parallel_loop3A_180 : i32 to index
        %parallel_loop3A_182 = tpu.vector_load %arg15[%parallel_loop3A_181] {strides = array<i32>} : memref<4096xf32, #tpu.memory_space<vmem>>, vector<16xf32>,
        %parallel_loop3A_183 = vector.shape_cast %parallel_loop3A_182 : vector<16xf32> to vector<16xf32>
        %parallel_loop3A_184 = arith.addf %parallel_loop3A_178, %parallel_loop3A_183 : vector<16xf32>
        %parallel_loop3A_185 = arith.constant 0.000000e+00 : f32
        %parallel_loop3A_186 = vector.broadcast %parallel_loop3A_185 : f32 to vector<16xf32>
        %parallel_loop3A_187 = arith.maximumf %parallel_loop3A_184, %parallel_loop3A_186 : vector<16xf32>
        %parallel_loop3A_188 = arith.index_cast %parallel_loop3A_169 : i32 to index
        %parallel_loop3A_189 = arith.constant 0 : index
        %parallel_loop3A_190 = tpu.vector_load %arg17[%parallel_loop3A_188, %parallel_loop3A_189] {strides = array<i32>} : memref<128x48xf32, #tpu.memory_space<vmem>>, vector<1x16xf32>,
        %parallel_loop3A_191 = vector.shape_cast %parallel_loop3A_190 : vector<1x16xf32> to vector<16xf32>
        %parallel_loop3A_192 = vector.shape_cast %parallel_loop3A_187 : vector<16xf32> to vector<1x16xf32>
        tpu.vector_store %arg17[%parallel_loop3A_188, %parallel_loop3A_189], %parallel_loop3A_192 {strides = array<i32>} : memref<128x48xf32, #tpu.memory_space<vmem>>, vector<1x16xf32>,
        %parallel_loop3A_193 = arith.index_cast %parallel_loop3A_169 : i32 to index
        %parallel_loop3A_194 = arith.constant 16 : index
        %parallel_loop3A_195 = tpu.vector_load %arg11[%parallel_loop3A_193, %parallel_loop3A_194] {strides = array<i32>} : memref<128x32xf32, #tpu.memory_space<vmem>>, vector<1x16xf32>,
        %parallel_loop3A_196 = vector.shape_cast %parallel_loop3A_195 : vector<1x16xf32> to vector<16xf32>
        %parallel_loop3A_197 = arith.index_cast %parallel_loop3A_169 : i32 to index
        %parallel_loop3A_198 = arith.constant 16 : index
        %parallel_loop3A_199 = tpu.vector_load %arg13[%parallel_loop3A_197, %parallel_loop3A_198] {strides = array<i32>} : memref<128x32xf32, #tpu.memory_space<vmem>>, vector<1x16xf32>,
        %parallel_loop3A_200 = vector.shape_cast %parallel_loop3A_199 : vector<1x16xf32> to vector<16xf32>
        %parallel_loop3A_201 = arith.addf %parallel_loop3A_196, %parallel_loop3A_200 : vector<16xf32>
        %parallel_loop3A_202 = arith.constant 32 : i32
        %parallel_loop3A_203 = arith.muli %parallel_loop3A_202, %parallel_loop3A_169 : i32
        %parallel_loop3A_204 = arith.constant 16 : i32
        %parallel_loop3A_205 = arith.addi %parallel_loop3A_203, %parallel_loop3A_204 : i32
        %parallel_loop3A_206 = arith.index_cast %parallel_loop3A_205 : i32 to index
        %parallel_loop3A_207 = tpu.vector_load %arg15[%parallel_loop3A_206] {strides = array<i32>} : memref<4096xf32, #tpu.memory_space<vmem>>, vector<16xf32>,
        %parallel_loop3A_208 = vector.shape_cast %parallel_loop3A_207 : vector<16xf32> to vector<16xf32>
        %parallel_loop3A_209 = arith.addf %parallel_loop3A_201, %parallel_loop3A_208 : vector<16xf32>
        %parallel_loop3A_210 = arith.constant 0.000000e+00 : f32
        %parallel_loop3A_211 = vector.broadcast %parallel_loop3A_210 : f32 to vector<16xf32>
        %parallel_loop3A_212 = arith.maximumf %parallel_loop3A_209, %parallel_loop3A_211 : vector<16xf32>
        %parallel_loop3A_213 = arith.index_cast %parallel_loop3A_169 : i32 to index
        %parallel_loop3A_214 = arith.constant 16 : index
        %parallel_loop3A_215 = tpu.vector_load %arg17[%parallel_loop3A_213, %parallel_loop3A_214] {strides = array<i32>} : memref<128x48xf32, #tpu.memory_space<vmem>>, vector<1x16xf32>,
        %parallel_loop3A_216 = vector.shape_cast %parallel_loop3A_215 : vector<1x16xf32> to vector<16xf32>
        %parallel_loop3A_217 = vector.shape_cast %parallel_loop3A_212 : vector<16xf32> to vector<1x16xf32>
        tpu.vector_store %arg17[%parallel_loop3A_213, %parallel_loop3A_214], %parallel_loop3A_217 {strides = array<i32>} : memref<128x48xf32, #tpu.memory_space<vmem>>, vector<1x16xf32>,
      } {sc.loop_unroll_factor = 4 : i64, sc.parallel_access}
      %add3A_161 = arith.constant 1 : i32
      %add3A_162 = arith.addi %mul3A_83, %add3A_161 : i32
      %dma_start3A_163 = arith.constant 0 : i32
      %dma_start3A_164 = tpu.memref_slice %arg9[%add3A_162, %dma_start3A_163] : memref<104x128xi32, #tpu.memory_space<vmem>> -> memref<1x128xi32, #tpu.memory_space<vmem>>
      %dma_start3A_165 = tpu.memref_squeeze %dma_start3A_164 : memref<1x128xi32, #tpu.memory_space<vmem>> -> memref<128xi32, #tpu.memory_space<vmem>>
      %dma_start3A_166 = arith.constant 0 : i32
      %dma_start3A_167 = arith.constant 0 : i32
      %dma_start3A_168 = tpu.memref_slice %arg19[%dma_start3A_166, %dma_start3A_167] : memref<10240x48xf32, #tpu.memory_space<vmem_shared>> -> memref<10240x48xf32, #tpu.memory_space<vmem_shared>>
      tpu.enqueue_indirect_dma source(%arg17 : memref<128x48xf32, #tpu.memory_space<vmem>>) target(%dma_start3A_168 : memref<10240x48xf32, #tpu.memory_space<vmem_shared>>) offsets(%dma_start3A_165 : memref<128xi32, #tpu.memory_space<vmem>>) semaphore(%arg27 : memref<!tpu.dma_semaphore, #tpu.memory_space<semaphore_mem>>) {add = true}
    }
    %while3A_66 = arith.constant 1 : i32
    scf.for %while3A_81 = %while3A_64 to %while3A_60 step %while3A_66  : i32 {
      %mul3A_82 = arith.constant 2 : i32
      %mul3A_83 = arith.muli %mul3A_82, %while3A_81 : i32
      %add3A_84 = arith.constant 1 : i32
      %add3A_85 = arith.addi %mul3A_83, %add3A_84 : i32
      %add3A_86 = arith.addi %select_n3A, %add3A_85 : i32
      %mul3A_87 = arith.constant 4096 : i32
      %mul3A_88 = arith.muli %add3A_86, %mul3A_87 : i32
      %dma_start3A_89 = tpu.memref_slice %arg4[%mul3A_88] : memref<10485760xf32, #tpu.memory_space<hbm>> -> memref<4096xf32, #tpu.memory_space<hbm>>
      %dma_start3A_90 = tpu.memref_slice %arg4[%mul3A_88] : memref<10485760xf32, #tpu.memory_space<hbm>> -> memref<4096xf32, #tpu.memory_space<hbm>>
      tpu.enqueue_dma source(%dma_start3A_90 : memref<4096xf32, #tpu.memory_space<hbm>>) target(%arg15 : memref<4096xf32, #tpu.memory_space<vmem>>) target_semaphore(%arg25 : memref<!tpu.dma_semaphore, #tpu.memory_space<semaphore_mem>>)
      %dma_start3A_91 = arith.constant 0 : i32
      %dma_start3A_92 = tpu.memref_slice %arg9[%add3A_85, %dma_start3A_91] : memref<104x128xi32, #tpu.memory_space<vmem>> -> memref<1x128xi32, #tpu.memory_space<vmem>>
      %dma_start3A_93 = tpu.memref_squeeze %dma_start3A_92 : memref<1x128xi32, #tpu.memory_space<vmem>> -> memref<128xi32, #tpu.memory_space<vmem>>
      %dma_start3A_94 = arith.constant 0 : i32
      %dma_start3A_95 = arith.constant 0 : i32
      %dma_start3A_96 = tpu.memref_slice %arg2[%dma_start3A_94, %dma_start3A_95] : memref<10240x32xf32, #tpu.memory_space<hbm>> -> memref<10240x32xf32, #tpu.memory_space<hbm>>
      tpu.enqueue_indirect_dma source(%dma_start3A_96 : memref<10240x32xf32, #tpu.memory_space<hbm>>) target(%arg11 : memref<128x32xf32, #tpu.memory_space<vmem>>) offsets(%dma_start3A_93 : memref<128xi32, #tpu.memory_space<vmem>>) semaphore(%arg21 : memref<!tpu.dma_semaphore, #tpu.memory_space<semaphore_mem>>)
      %dma_start3A_97 = arith.constant 0 : i32
      %dma_start3A_98 = tpu.memref_slice %arg8[%add3A_85, %dma_start3A_97] : memref<104x128xi32, #tpu.memory_space<vmem>> -> memref<1x128xi32, #tpu.memory_space<vmem>>
      %dma_start3A_99 = tpu.memref_squeeze %dma_start3A_98 : memref<1x128xi32, #tpu.memory_space<vmem>> -> memref<128xi32, #tpu.memory_space<vmem>>
      %dma_start3A_100 = arith.constant 0 : i32
      %dma_start3A_101 = arith.constant 0 : i32
      %dma_start3A_102 = tpu.memref_slice %arg3[%dma_start3A_100, %dma_start3A_101] : memref<10240x32xf32, #tpu.memory_space<hbm>> -> memref<10240x32xf32, #tpu.memory_space<hbm>>
      tpu.enqueue_indirect_dma source(%dma_start3A_102 : memref<10240x32xf32, #tpu.memory_space<hbm>>) target(%arg13 : memref<128x32xf32, #tpu.memory_space<vmem>>) offsets(%dma_start3A_99 : memref<128xi32, #tpu.memory_space<vmem>>) semaphore(%arg23 : memref<!tpu.dma_semaphore, #tpu.memory_space<semaphore_mem>>)
      %dma_wait3A_103 = arith.constant 0 : i32
      %dma_wait3A_104 = tpu.memref_slice %arg4[%dma_wait3A_103] : memref<10485760xf32, #tpu.memory_space<hbm>> -> memref<4096xf32, #tpu.memory_space<hbm>>
      %dma_wait3A_105 = arith.constant 0 : i32
      %dma_wait3A_106 = tpu.memref_slice %arg4[%dma_wait3A_105] : memref<10485760xf32, #tpu.memory_space<hbm>> -> memref<4096xf32, #tpu.memory_space<hbm>>
      tpu.wait_dma2 semaphore(%arg24 : memref<!tpu.dma_semaphore, #tpu.memory_space<semaphore_mem>>) src(%dma_wait3A_106 : memref<4096xf32, #tpu.memory_space<hbm>>) dst(%arg14 : memref<4096xf32, #tpu.memory_space<vmem>>)
      %dma_wait3A_107 = arith.constant 0 : i32
      %dma_wait3A_108 = arith.constant 0 : i32
      %dma_wait3A_109 = tpu.memref_slice %arg9[%dma_wait3A_107, %dma_wait3A_108] : memref<104x128xi32, #tpu.memory_space<vmem>> -> memref<1x128xi32, #tpu.memory_space<vmem>>
      %dma_wait3A_110 = tpu.memref_squeeze %dma_wait3A_109 : memref<1x128xi32, #tpu.memory_space<vmem>> -> memref<128xi32, #tpu.memory_space<vmem>>
      %dma_wait3A_111 = arith.constant 0 : i32
      %dma_wait3A_112 = arith.constant 0 : i32
      %dma_wait3A_113 = tpu.memref_slice %arg2[%dma_wait3A_111, %dma_wait3A_112] : memref<10240x32xf32, #tpu.memory_space<hbm>> -> memref<10240x32xf32, #tpu.memory_space<hbm>>
      tpu.wait_indirect_dma semaphore(%arg20 : memref<!tpu.dma_semaphore, #tpu.memory_space<semaphore_mem>>) src(%dma_wait3A_113 : memref<10240x32xf32, #tpu.memory_space<hbm>>) dst(%arg10 : memref<128x32xf32, #tpu.memory_space<vmem>>)
      %dma_wait3A_114 = arith.constant 0 : i32
      %dma_wait3A_115 = arith.constant 0 : i32
      %dma_wait3A_116 = tpu.memref_slice %arg8[%dma_wait3A_114, %dma_wait3A_115] : memref<104x128xi32, #tpu.memory_space<vmem>> -> memref<1x128xi32, #tpu.memory_space<vmem>>
      %dma_wait3A_117 = tpu.memref_squeeze %dma_wait3A_116 : memref<1x128xi32, #tpu.memory_space<vmem>> -> memref<128xi32, #tpu.memory_space<vmem>>
      %dma_wait3A_118 = arith.constant 0 : i32
      %dma_wait3A_119 = arith.constant 0 : i32
      %dma_wait3A_120 = tpu.memref_slice %arg3[%dma_wait3A_118, %dma_wait3A_119] : memref<10240x32xf32, #tpu.memory_space<hbm>> -> memref<10240x32xf32, #tpu.memory_space<hbm>>
      tpu.wait_indirect_dma semaphore(%arg22 : memref<!tpu.dma_semaphore, #tpu.memory_space<semaphore_mem>>) src(%dma_wait3A_120 : memref<10240x32xf32, #tpu.memory_space<hbm>>) dst(%arg12 : memref<128x32xf32, #tpu.memory_space<vmem>>)
      %gt3A = arith.constant 0 : i32
      %gt3A_121 = arith.cmpi sgt, %while3A_81, %gt3A : i32
      %convert_element_type3A = arith.extui %gt3A_121 : i1 to i32
      %cond3A = arith.constant 0 : i32
      %cond3A_122 = arith.cmpi ne, %convert_element_type3A, %cond3A : i32
      scf.if %cond3A_122 {
        %dma_wait3A_169 = arith.constant 0 : i32
        %dma_wait3A_170 = arith.constant 0 : i32
        %dma_wait3A_171 = tpu.memref_slice %arg9[%dma_wait3A_169, %dma_wait3A_170] : memref<104x128xi32, #tpu.memory_space<vmem>> -> memref<1x128xi32, #tpu.memory_space<vmem>>
        %dma_wait3A_172 = tpu.memref_squeeze %dma_wait3A_171 : memref<1x128xi32, #tpu.memory_space<vmem>> -> memref<128xi32, #tpu.memory_space<vmem>>
        %dma_wait3A_173 = arith.constant 0 : i32
        %dma_wait3A_174 = arith.constant 0 : i32
        %dma_wait3A_175 = tpu.memref_slice %arg19[%dma_wait3A_173, %dma_wait3A_174] : memref<10240x48xf32, #tpu.memory_space<vmem_shared>> -> memref<10240x48xf32, #tpu.memory_space<vmem_shared>>
        tpu.wait_indirect_dma semaphore(%arg26 : memref<!tpu.dma_semaphore, #tpu.memory_space<semaphore_mem>>) src(%arg16 : memref<128x48xf32, #tpu.memory_space<vmem>>) dst(%dma_wait3A_175 : memref<10240x48xf32, #tpu.memory_space<vmem_shared>>)
      } else {
      }
      %parallel_loop3A = arith.constant 0 : i32
      %parallel_loop3A_123 = arith.constant 128 : i32
      %parallel_loop3A_124 = arith.constant 1 : i32
      scf.for %parallel_loop3A_169 = %parallel_loop3A to %parallel_loop3A_123 step %parallel_loop3A_124  : i32 {
        %parallel_loop3A_170 = arith.index_cast %parallel_loop3A_169 : i32 to index
        %parallel_loop3A_171 = arith.constant 0 : index
        %parallel_loop3A_172 = tpu.vector_load %arg10[%parallel_loop3A_170, %parallel_loop3A_171] {strides = array<i32>} : memref<128x32xf32, #tpu.memory_space<vmem>>, vector<1x16xf32>,
        %parallel_loop3A_173 = vector.shape_cast %parallel_loop3A_172 : vector<1x16xf32> to vector<16xf32>
        %parallel_loop3A_174 = arith.index_cast %parallel_loop3A_169 : i32 to index
        %parallel_loop3A_175 = arith.constant 0 : index
        %parallel_loop3A_176 = tpu.vector_load %arg12[%parallel_loop3A_174, %parallel_loop3A_175] {strides = array<i32>} : memref<128x32xf32, #tpu.memory_space<vmem>>, vector<1x16xf32>,
        %parallel_loop3A_177 = vector.shape_cast %parallel_loop3A_176 : vector<1x16xf32> to vector<16xf32>
        %parallel_loop3A_178 = arith.addf %parallel_loop3A_173, %parallel_loop3A_177 : vector<16xf32>
        %parallel_loop3A_179 = arith.constant 32 : i32
        %parallel_loop3A_180 = arith.muli %parallel_loop3A_179, %parallel_loop3A_169 : i32
        %parallel_loop3A_181 = arith.index_cast %parallel_loop3A_180 : i32 to index
        %parallel_loop3A_182 = tpu.vector_load %arg14[%parallel_loop3A_181] {strides = array<i32>} : memref<4096xf32, #tpu.memory_space<vmem>>, vector<16xf32>,
        %parallel_loop3A_183 = vector.shape_cast %parallel_loop3A_182 : vector<16xf32> to vector<16xf32>
        %parallel_loop3A_184 = arith.addf %parallel_loop3A_178, %parallel_loop3A_183 : vector<16xf32>
        %parallel_loop3A_185 = arith.constant 0.000000e+00 : f32
        %parallel_loop3A_186 = vector.broadcast %parallel_loop3A_185 : f32 to vector<16xf32>
        %parallel_loop3A_187 = arith.maximumf %parallel_loop3A_184, %parallel_loop3A_186 : vector<16xf32>
        %parallel_loop3A_188 = arith.index_cast %parallel_loop3A_169 : i32 to index
        %parallel_loop3A_189 = arith.constant 0 : index
        %parallel_loop3A_190 = tpu.vector_load %arg16[%parallel_loop3A_188, %parallel_loop3A_189] {strides = array<i32>} : memref<128x48xf32, #tpu.memory_space<vmem>>, vector<1x16xf32>,
        %parallel_loop3A_191 = vector.shape_cast %parallel_loop3A_190 : vector<1x16xf32> to vector<16xf32>
        %parallel_loop3A_192 = vector.shape_cast %parallel_loop3A_187 : vector<16xf32> to vector<1x16xf32>
        tpu.vector_store %arg16[%parallel_loop3A_188, %parallel_loop3A_189], %parallel_loop3A_192 {strides = array<i32>} : memref<128x48xf32, #tpu.memory_space<vmem>>, vector<1x16xf32>,
        %parallel_loop3A_193 = arith.index_cast %parallel_loop3A_169 : i32 to index
        %parallel_loop3A_194 = arith.constant 16 : index
        %parallel_loop3A_195 = tpu.vector_load %arg10[%parallel_loop3A_193, %parallel_loop3A_194] {strides = array<i32>} : memref<128x32xf32, #tpu.memory_space<vmem>>, vector<1x16xf32>,
        %parallel_loop3A_196 = vector.shape_cast %parallel_loop3A_195 : vector<1x16xf32> to vector<16xf32>
        %parallel_loop3A_197 = arith.index_cast %parallel_loop3A_169 : i32 to index
        %parallel_loop3A_198 = arith.constant 16 : index
        %parallel_loop3A_199 = tpu.vector_load %arg12[%parallel_loop3A_197, %parallel_loop3A_198] {strides = array<i32>} : memref<128x32xf32, #tpu.memory_space<vmem>>, vector<1x16xf32>,
        %parallel_loop3A_200 = vector.shape_cast %parallel_loop3A_199 : vector<1x16xf32> to vector<16xf32>
        %parallel_loop3A_201 = arith.addf %parallel_loop3A_196, %parallel_loop3A_200 : vector<16xf32>
        %parallel_loop3A_202 = arith.constant 32 : i32
        %parallel_loop3A_203 = arith.muli %parallel_loop3A_202, %parallel_loop3A_169 : i32
        %parallel_loop3A_204 = arith.constant 16 : i32
        %parallel_loop3A_205 = arith.addi %parallel_loop3A_203, %parallel_loop3A_204 : i32
        %parallel_loop3A_206 = arith.index_cast %parallel_loop3A_205 : i32 to index
        %parallel_loop3A_207 = tpu.vector_load %arg14[%parallel_loop3A_206] {strides = array<i32>} : memref<4096xf32, #tpu.memory_space<vmem>>, vector<16xf32>,
        %parallel_loop3A_208 = vector.shape_cast %parallel_loop3A_207 : vector<16xf32> to vector<16xf32>
        %parallel_loop3A_209 = arith.addf %parallel_loop3A_201, %parallel_loop3A_208 : vector<16xf32>
        %parallel_loop3A_210 = arith.constant 0.000000e+00 : f32
        %parallel_loop3A_211 = vector.broadcast %parallel_loop3A_210 : f32 to vector<16xf32>
        %parallel_loop3A_212 = arith.maximumf %parallel_loop3A_209, %parallel_loop3A_211 : vector<16xf32>
        %parallel_loop3A_213 = arith.index_cast %parallel_loop3A_169 : i32 to index
        %parallel_loop3A_214 = arith.constant 16 : index
        %parallel_loop3A_215 = tpu.vector_load %arg16[%parallel_loop3A_213, %parallel_loop3A_214] {strides = array<i32>} : memref<128x48xf32, #tpu.memory_space<vmem>>, vector<1x16xf32>,
        %parallel_loop3A_216 = vector.shape_cast %parallel_loop3A_215 : vector<1x16xf32> to vector<16xf32>
        %parallel_loop3A_217 = vector.shape_cast %parallel_loop3A_212 : vector<16xf32> to vector<1x16xf32>
        tpu.vector_store %arg16[%parallel_loop3A_213, %parallel_loop3A_214], %parallel_loop3A_217 {strides = array<i32>} : memref<128x48xf32, #tpu.memory_space<vmem>>, vector<1x16xf32>,
      } {sc.loop_unroll_factor = 4 : i64, sc.parallel_access}
      %dma_start3A_125 = arith.constant 0 : i32
      %dma_start3A_126 = tpu.memref_slice %arg9[%mul3A_83, %dma_start3A_125] : memref<104x128xi32, #tpu.memory_space<vmem>> -> memref<1x128xi32, #tpu.memory_space<vmem>>
      %dma_start3A_127 = tpu.memref_squeeze %dma_start3A_126 : memref<1x128xi32, #tpu.memory_space<vmem>> -> memref<128xi32, #tpu.memory_space<vmem>>
      %dma_start3A_128 = arith.constant 0 : i32
      %dma_start3A_129 = arith.constant 0 : i32
      %dma_start3A_130 = tpu.memref_slice %arg19[%dma_start3A_128, %dma_start3A_129] : memref<10240x48xf32, #tpu.memory_space<vmem_shared>> -> memref<10240x48xf32, #tpu.memory_space<vmem_shared>>
      tpu.enqueue_indirect_dma source(%arg16 : memref<128x48xf32, #tpu.memory_space<vmem>>) target(%dma_start3A_130 : memref<10240x48xf32, #tpu.memory_space<vmem_shared>>) offsets(%dma_start3A_127 : memref<128xi32, #tpu.memory_space<vmem>>) semaphore(%arg26 : memref<!tpu.dma_semaphore, #tpu.memory_space<semaphore_mem>>) {add = true}
      %sub3A = arith.constant 1 : i32
      %sub3A_131 = arith.subi %select_n3A_10, %sub3A : i32
      %lt3A = arith.cmpi slt, %while3A_81, %sub3A_131 : i32
      %convert_element_type3A_132 = arith.extui %lt3A : i1 to i32
      %cond3A_133 = arith.constant 0 : i32
      %cond3A_134 = arith.cmpi ne, %convert_element_type3A_132, %cond3A_133 : i32
      scf.if %cond3A_134 {
        %add3A_169 = arith.constant 2 : i32
        %add3A_170 = arith.addi %mul3A_83, %add3A_169 : i32
        %add3A_171 = arith.addi %select_n3A, %add3A_170 : i32
        %mul3A_172 = arith.constant 4096 : i32
        %mul3A_173 = arith.muli %add3A_171, %mul3A_172 : i32
        %dma_start3A_174 = tpu.memref_slice %arg4[%mul3A_173] : memref<10485760xf32, #tpu.memory_space<hbm>> -> memref<4096xf32, #tpu.memory_space<hbm>>
        %dma_start3A_175 = tpu.memref_slice %arg4[%mul3A_173] : memref<10485760xf32, #tpu.memory_space<hbm>> -> memref<4096xf32, #tpu.memory_space<hbm>>
        tpu.enqueue_dma source(%dma_start3A_175 : memref<4096xf32, #tpu.memory_space<hbm>>) target(%arg14 : memref<4096xf32, #tpu.memory_space<vmem>>) target_semaphore(%arg24 : memref<!tpu.dma_semaphore, #tpu.memory_space<semaphore_mem>>)
        %dma_start3A_176 = arith.constant 0 : i32
        %dma_start3A_177 = tpu.memref_slice %arg9[%add3A_170, %dma_start3A_176] : memref<104x128xi32, #tpu.memory_space<vmem>> -> memref<1x128xi32, #tpu.memory_space<vmem>>
        %dma_start3A_178 = tpu.memref_squeeze %dma_start3A_177 : memref<1x128xi32, #tpu.memory_space<vmem>> -> memref<128xi32, #tpu.memory_space<vmem>>
        %dma_start3A_179 = arith.constant 0 : i32
        %dma_start3A_180 = arith.constant 0 : i32
        %dma_start3A_181 = tpu.memref_slice %arg2[%dma_start3A_179, %dma_start3A_180] : memref<10240x32xf32, #tpu.memory_space<hbm>> -> memref<10240x32xf32, #tpu.memory_space<hbm>>
        tpu.enqueue_indirect_dma source(%dma_start3A_181 : memref<10240x32xf32, #tpu.memory_space<hbm>>) target(%arg10 : memref<128x32xf32, #tpu.memory_space<vmem>>) offsets(%dma_start3A_178 : memref<128xi32, #tpu.memory_space<vmem>>) semaphore(%arg20 : memref<!tpu.dma_semaphore, #tpu.memory_space<semaphore_mem>>)
        %dma_start3A_182 = arith.constant 0 : i32
        %dma_start3A_183 = tpu.memref_slice %arg8[%add3A_170, %dma_start3A_182] : memref<104x128xi32, #tpu.memory_space<vmem>> -> memref<1x128xi32, #tpu.memory_space<vmem>>
        %dma_start3A_184 = tpu.memref_squeeze %dma_start3A_183 : memref<1x128xi32, #tpu.memory_space<vmem>> -> memref<128xi32, #tpu.memory_space<vmem>>
        %dma_start3A_185 = arith.constant 0 : i32
        %dma_start3A_186 = arith.constant 0 : i32
        %dma_start3A_187 = tpu.memref_slice %arg3[%dma_start3A_185, %dma_start3A_186] : memref<10240x32xf32, #tpu.memory_space<hbm>> -> memref<10240x32xf32, #tpu.memory_space<hbm>>
        tpu.enqueue_indirect_dma source(%dma_start3A_187 : memref<10240x32xf32, #tpu.memory_space<hbm>>) target(%arg12 : memref<128x32xf32, #tpu.memory_space<vmem>>) offsets(%dma_start3A_184 : memref<128xi32, #tpu.memory_space<vmem>>) semaphore(%arg22 : memref<!tpu.dma_semaphore, #tpu.memory_space<semaphore_mem>>)
      } else {
      }
      %dma_wait3A_135 = arith.constant 0 : i32
      %dma_wait3A_136 = tpu.memref_slice %arg4[%dma_wait3A_135] : memref<10485760xf32, #tpu.memory_space<hbm>> -> memref<4096xf32, #tpu.memory_space<hbm>>
      %dma_wait3A_137 = arith.constant 0 : i32
      %dma_wait3A_138 = tpu.memref_slice %arg4[%dma_wait3A_137] : memref<10485760xf32, #tpu.memory_space<hbm>> -> memref<4096xf32, #tpu.memory_space<hbm>>
      tpu.wait_dma2 semaphore(%arg25 : memref<!tpu.dma_semaphore, #tpu.memory_space<semaphore_mem>>) src(%dma_wait3A_138 : memref<4096xf32, #tpu.memory_space<hbm>>) dst(%arg15 : memref<4096xf32, #tpu.memory_space<vmem>>)
      %dma_wait3A_139 = arith.constant 0 : i32
      %dma_wait3A_140 = arith.constant 0 : i32
      %dma_wait3A_141 = tpu.memref_slice %arg9[%dma_wait3A_139, %dma_wait3A_140] : memref<104x128xi32, #tpu.memory_space<vmem>> -> memref<1x128xi32, #tpu.memory_space<vmem>>
      %dma_wait3A_142 = tpu.memref_squeeze %dma_wait3A_141 : memref<1x128xi32, #tpu.memory_space<vmem>> -> memref<128xi32, #tpu.memory_space<vmem>>
      %dma_wait3A_143 = arith.constant 0 : i32
      %dma_wait3A_144 = arith.constant 0 : i32
      %dma_wait3A_145 = tpu.memref_slice %arg2[%dma_wait3A_143, %dma_wait3A_144] : memref<10240x32xf32, #tpu.memory_space<hbm>> -> memref<10240x32xf32, #tpu.memory_space<hbm>>
      tpu.wait_indirect_dma semaphore(%arg21 : memref<!tpu.dma_semaphore, #tpu.memory_space<semaphore_mem>>) src(%dma_wait3A_145 : memref<10240x32xf32, #tpu.memory_space<hbm>>) dst(%arg11 : memref<128x32xf32, #tpu.memory_space<vmem>>)
      %dma_wait3A_146 = arith.constant 0 : i32
      %dma_wait3A_147 = arith.constant 0 : i32
      %dma_wait3A_148 = tpu.memref_slice %arg8[%dma_wait3A_146, %dma_wait3A_147] : memref<104x128xi32, #tpu.memory_space<vmem>> -> memref<1x128xi32, #tpu.memory_space<vmem>>
      %dma_wait3A_149 = tpu.memref_squeeze %dma_wait3A_148 : memref<1x128xi32, #tpu.memory_space<vmem>> -> memref<128xi32, #tpu.memory_space<vmem>>
      %dma_wait3A_150 = arith.constant 0 : i32
      %dma_wait3A_151 = arith.constant 0 : i32
      %dma_wait3A_152 = tpu.memref_slice %arg3[%dma_wait3A_150, %dma_wait3A_151] : memref<10240x32xf32, #tpu.memory_space<hbm>> -> memref<10240x32xf32, #tpu.memory_space<hbm>>
      tpu.wait_indirect_dma semaphore(%arg23 : memref<!tpu.dma_semaphore, #tpu.memory_space<semaphore_mem>>) src(%dma_wait3A_152 : memref<10240x32xf32, #tpu.memory_space<hbm>>) dst(%arg13 : memref<128x32xf32, #tpu.memory_space<vmem>>)
      %gt3A_153 = arith.constant 0 : i32
      %gt3A_154 = arith.cmpi sgt, %while3A_81, %gt3A_153 : i32
      %convert_element_type3A_155 = arith.extui %gt3A_154 : i1 to i32
      %cond3A_156 = arith.constant 0 : i32
      %cond3A_157 = arith.cmpi ne, %convert_element_type3A_155, %cond3A_156 : i32
      scf.if %cond3A_157 {
        %dma_wait3A_169 = arith.constant 0 : i32
        %dma_wait3A_170 = arith.constant 0 : i32
        %dma_wait3A_171 = tpu.memref_slice %arg9[%dma_wait3A_169, %dma_wait3A_170] : memref<104x128xi32, #tpu.memory_space<vmem>> -> memref<1x128xi32, #tpu.memory_space<vmem>>
        %dma_wait3A_172 = tpu.memref_squeeze %dma_wait3A_171 : memref<1x128xi32, #tpu.memory_space<vmem>> -> memref<128xi32, #tpu.memory_space<vmem>>
        %dma_wait3A_173 = arith.constant 0 : i32
        %dma_wait3A_174 = arith.constant 0 : i32
        %dma_wait3A_175 = tpu.memref_slice %arg19[%dma_wait3A_173, %dma_wait3A_174] : memref<10240x48xf32, #tpu.memory_space<vmem_shared>> -> memref<10240x48xf32, #tpu.memory_space<vmem_shared>>
        tpu.wait_indirect_dma semaphore(%arg27 : memref<!tpu.dma_semaphore, #tpu.memory_space<semaphore_mem>>) src(%arg17 : memref<128x48xf32, #tpu.memory_space<vmem>>) dst(%dma_wait3A_175 : memref<10240x48xf32, #tpu.memory_space<vmem_shared>>)
      } else {
      }
      %parallel_loop3A_158 = arith.constant 0 : i32
      %parallel_loop3A_159 = arith.constant 128 : i32
      %parallel_loop3A_160 = arith.constant 1 : i32
      scf.for %parallel_loop3A_169 = %parallel_loop3A_158 to %parallel_loop3A_159 step %parallel_loop3A_160  : i32 {
        %parallel_loop3A_170 = arith.index_cast %parallel_loop3A_169 : i32 to index
        %parallel_loop3A_171 = arith.constant 0 : index
        %parallel_loop3A_172 = tpu.vector_load %arg11[%parallel_loop3A_170, %parallel_loop3A_171] {strides = array<i32>} : memref<128x32xf32, #tpu.memory_space<vmem>>, vector<1x16xf32>,
        %parallel_loop3A_173 = vector.shape_cast %parallel_loop3A_172 : vector<1x16xf32> to vector<16xf32>
        %parallel_loop3A_174 = arith.index_cast %parallel_loop3A_169 : i32 to index
        %parallel_loop3A_175 = arith.constant 0 : index
        %parallel_loop3A_176 = tpu.vector_load %arg13[%parallel_loop3A_174, %parallel_loop3A_175] {strides = array<i32>} : memref<128x32xf32, #tpu.memory_space<vmem>>, vector<1x16xf32>,
        %parallel_loop3A_177 = vector.shape_cast %parallel_loop3A_176 : vector<1x16xf32> to vector<16xf32>
        %parallel_loop3A_178 = arith.addf %parallel_loop3A_173, %parallel_loop3A_177 : vector<16xf32>
        %parallel_loop3A_179 = arith.constant 32 : i32
        %parallel_loop3A_180 = arith.muli %parallel_loop3A_179, %parallel_loop3A_169 : i32
        %parallel_loop3A_181 = arith.index_cast %parallel_loop3A_180 : i32 to index
        %parallel_loop3A_182 = tpu.vector_load %arg15[%parallel_loop3A_181] {strides = array<i32>} : memref<4096xf32, #tpu.memory_space<vmem>>, vector<16xf32>,
        %parallel_loop3A_183 = vector.shape_cast %parallel_loop3A_182 : vector<16xf32> to vector<16xf32>
        %parallel_loop3A_184 = arith.addf %parallel_loop3A_178, %parallel_loop3A_183 : vector<16xf32>
        %parallel_loop3A_185 = arith.constant 0.000000e+00 : f32
        %parallel_loop3A_186 = vector.broadcast %parallel_loop3A_185 : f32 to vector<16xf32>
        %parallel_loop3A_187 = arith.maximumf %parallel_loop3A_184, %parallel_loop3A_186 : vector<16xf32>
        %parallel_loop3A_188 = arith.index_cast %parallel_loop3A_169 : i32 to index
        %parallel_loop3A_189 = arith.constant 0 : index
        %parallel_loop3A_190 = tpu.vector_load %arg17[%parallel_loop3A_188, %parallel_loop3A_189] {strides = array<i32>} : memref<128x48xf32, #tpu.memory_space<vmem>>, vector<1x16xf32>,
        %parallel_loop3A_191 = vector.shape_cast %parallel_loop3A_190 : vector<1x16xf32> to vector<16xf32>
        %parallel_loop3A_192 = vector.shape_cast %parallel_loop3A_187 : vector<16xf32> to vector<1x16xf32>
        tpu.vector_store %arg17[%parallel_loop3A_188, %parallel_loop3A_189], %parallel_loop3A_192 {strides = array<i32>} : memref<128x48xf32, #tpu.memory_space<vmem>>, vector<1x16xf32>,
        %parallel_loop3A_193 = arith.index_cast %parallel_loop3A_169 : i32 to index
        %parallel_loop3A_194 = arith.constant 16 : index
        %parallel_loop3A_195 = tpu.vector_load %arg11[%parallel_loop3A_193, %parallel_loop3A_194] {strides = array<i32>} : memref<128x32xf32, #tpu.memory_space<vmem>>, vector<1x16xf32>,
        %parallel_loop3A_196 = vector.shape_cast %parallel_loop3A_195 : vector<1x16xf32> to vector<16xf32>
        %parallel_loop3A_197 = arith.index_cast %parallel_loop3A_169 : i32 to index
        %parallel_loop3A_198 = arith.constant 16 : index
        %parallel_loop3A_199 = tpu.vector_load %arg13[%parallel_loop3A_197, %parallel_loop3A_198] {strides = array<i32>} : memref<128x32xf32, #tpu.memory_space<vmem>>, vector<1x16xf32>,
        %parallel_loop3A_200 = vector.shape_cast %parallel_loop3A_199 : vector<1x16xf32> to vector<16xf32>
        %parallel_loop3A_201 = arith.addf %parallel_loop3A_196, %parallel_loop3A_200 : vector<16xf32>
        %parallel_loop3A_202 = arith.constant 32 : i32
        %parallel_loop3A_203 = arith.muli %parallel_loop3A_202, %parallel_loop3A_169 : i32
        %parallel_loop3A_204 = arith.constant 16 : i32
        %parallel_loop3A_205 = arith.addi %parallel_loop3A_203, %parallel_loop3A_204 : i32
        %parallel_loop3A_206 = arith.index_cast %parallel_loop3A_205 : i32 to index
        %parallel_loop3A_207 = tpu.vector_load %arg15[%parallel_loop3A_206] {strides = array<i32>} : memref<4096xf32, #tpu.memory_space<vmem>>, vector<16xf32>,
        %parallel_loop3A_208 = vector.shape_cast %parallel_loop3A_207 : vector<16xf32> to vector<16xf32>
        %parallel_loop3A_209 = arith.addf %parallel_loop3A_201, %parallel_loop3A_208 : vector<16xf32>
        %parallel_loop3A_210 = arith.constant 0.000000e+00 : f32
        %parallel_loop3A_211 = vector.broadcast %parallel_loop3A_210 : f32 to vector<16xf32>
        %parallel_loop3A_212 = arith.maximumf %parallel_loop3A_209, %parallel_loop3A_211 : vector<16xf32>
        %parallel_loop3A_213 = arith.index_cast %parallel_loop3A_169 : i32 to index
        %parallel_loop3A_214 = arith.constant 16 : index
        %parallel_loop3A_215 = tpu.vector_load %arg17[%parallel_loop3A_213, %parallel_loop3A_214] {strides = array<i32>} : memref<128x48xf32, #tpu.memory_space<vmem>>, vector<1x16xf32>,
        %parallel_loop3A_216 = vector.shape_cast %parallel_loop3A_215 : vector<1x16xf32> to vector<16xf32>
        %parallel_loop3A_217 = vector.shape_cast %parallel_loop3A_212 : vector<16xf32> to vector<1x16xf32>
        tpu.vector_store %arg17[%parallel_loop3A_213, %parallel_loop3A_214], %parallel_loop3A_217 {strides = array<i32>} : memref<128x48xf32, #tpu.memory_space<vmem>>, vector<1x16xf32>,
      } {sc.loop_unroll_factor = 4 : i64, sc.parallel_access}
      %add3A_161 = arith.constant 1 : i32
      %add3A_162 = arith.addi %mul3A_83, %add3A_161 : i32
      %dma_start3A_163 = arith.constant 0 : i32
      %dma_start3A_164 = tpu.memref_slice %arg9[%add3A_162, %dma_start3A_163] : memref<104x128xi32, #tpu.memory_space<vmem>> -> memref<1x128xi32, #tpu.memory_space<vmem>>
      %dma_start3A_165 = tpu.memref_squeeze %dma_start3A_164 : memref<1x128xi32, #tpu.memory_space<vmem>> -> memref<128xi32, #tpu.memory_space<vmem>>
      %dma_start3A_166 = arith.constant 0 : i32
      %dma_start3A_167 = arith.constant 0 : i32
      %dma_start3A_168 = tpu.memref_slice %arg19[%dma_start3A_166, %dma_start3A_167] : memref<10240x48xf32, #tpu.memory_space<vmem_shared>> -> memref<10240x48xf32, #tpu.memory_space<vmem_shared>>
      tpu.enqueue_indirect_dma source(%arg17 : memref<128x48xf32, #tpu.memory_space<vmem>>) target(%dma_start3A_168 : memref<10240x48xf32, #tpu.memory_space<vmem_shared>>) offsets(%dma_start3A_165 : memref<128xi32, #tpu.memory_space<vmem>>) semaphore(%arg27 : memref<!tpu.dma_semaphore, #tpu.memory_space<semaphore_mem>>) {add = true}
    }
    %dma_wait3A = arith.constant 0 : i32
    %dma_wait3A_67 = arith.constant 0 : i32
    %dma_wait3A_68 = tpu.memref_slice %arg9[%dma_wait3A, %dma_wait3A_67] : memref<104x128xi32, #tpu.memory_space<vmem>> -> memref<1x128xi32, #tpu.memory_space<vmem>>
    %dma_wait3A_69 = tpu.memref_squeeze %dma_wait3A_68 : memref<1x128xi32, #tpu.memory_space<vmem>> -> memref<128xi32, #tpu.memory_space<vmem>>
    %dma_wait3A_70 = arith.constant 0 : i32
    %dma_wait3A_71 = arith.constant 0 : i32
    %dma_wait3A_72 = tpu.memref_slice %arg19[%dma_wait3A_70, %dma_wait3A_71] : memref<10240x48xf32, #tpu.memory_space<vmem_shared>> -> memref<10240x48xf32, #tpu.memory_space<vmem_shared>>
    tpu.wait_indirect_dma semaphore(%arg26 : memref<!tpu.dma_semaphore, #tpu.memory_space<semaphore_mem>>) src(%arg16 : memref<128x48xf32, #tpu.memory_space<vmem>>) dst(%dma_wait3A_72 : memref<10240x48xf32, #tpu.memory_space<vmem_shared>>)
    %dma_wait3A_73 = arith.constant 0 : i32
    %dma_wait3A_74 = arith.constant 0 : i32
    %dma_wait3A_75 = tpu.memref_slice %arg9[%dma_wait3A_73, %dma_wait3A_74] : memref<104x128xi32, #tpu.memory_space<vmem>> -> memref<1x128xi32, #tpu.memory_space<vmem>>
    %dma_wait3A_76 = tpu.memref_squeeze %dma_wait3A_75 : memref<1x128xi32, #tpu.memory_space<vmem>> -> memref<128xi32, #tpu.memory_space<vmem>>
    %dma_wait3A_77 = arith.constant 0 : i32
    %dma_wait3A_78 = arith.constant 0 : i32
    %dma_wait3A_79 = tpu.memref_slice %arg19[%dma_wait3A_77, %dma_wait3A_78] : memref<10240x48xf32, #tpu.memory_space<vmem_shared>> -> memref<10240x48xf32, #tpu.memory_space<vmem_shared>>
    tpu.wait_indirect_dma semaphore(%arg27 : memref<!tpu.dma_semaphore, #tpu.memory_space<semaphore_mem>>) src(%arg17 : memref<128x48xf32, #tpu.memory_space<vmem>>) dst(%dma_wait3A_79 : memref<10240x48xf32, #tpu.memory_space<vmem_shared>>)
    %barrier3A_80 = arith.constant 0 : index
    tpu.barrier barrier_id(%barrier3A_80)
    "tpu.region"() ({
      %run_scoped3A = tpu.sem_alloc : memref<!tpu.dma_semaphore, #tpu.memory_space<semaphore_mem>>
      %dma_start3A_81 = arith.constant 0 : i32
      %dma_start3A_82 = tpu.memref_slice %arg7[%arg0, %mul3A_0, %dma_start3A_81] : memref<2x10240x48xf32, #tpu.memory_space<hbm>> -> memref<1x640x48xf32, #tpu.memory_space<hbm>>
      %dma_start3A_83 = tpu.memref_squeeze %dma_start3A_82 : memref<1x640x48xf32, #tpu.memory_space<hbm>> -> memref<640x48xf32, #tpu.memory_space<hbm>>
      %dma_start3A_84 = arith.constant 0 : i32
      %dma_start3A_85 = tpu.memref_slice %arg19[%mul3A_0, %dma_start3A_84] : memref<10240x48xf32, #tpu.memory_space<vmem_shared>> -> memref<640x48xf32, #tpu.memory_space<vmem_shared>>
      tpu.enqueue_dma source(%dma_start3A_85 : memref<640x48xf32, #tpu.memory_space<vmem_shared>>) target(%dma_start3A_83 : memref<640x48xf32, #tpu.memory_space<hbm>>) target_semaphore(%run_scoped3A : memref<!tpu.dma_semaphore, #tpu.memory_space<semaphore_mem>>)
      %dma_wait3A_86 = arith.constant 0 : i32
      %dma_wait3A_87 = tpu.memref_slice %arg7[%arg0, %mul3A_0, %dma_wait3A_86] : memref<2x10240x48xf32, #tpu.memory_space<hbm>> -> memref<1x640x48xf32, #tpu.memory_space<hbm>>
      %dma_wait3A_88 = tpu.memref_squeeze %dma_wait3A_87 : memref<1x640x48xf32, #tpu.memory_space<hbm>> -> memref<640x48xf32, #tpu.memory_space<hbm>>
      %dma_wait3A_89 = arith.constant 0 : i32
      %dma_wait3A_90 = tpu.memref_slice %arg19[%mul3A_0, %dma_wait3A_89] : memref<10240x48xf32, #tpu.memory_space<vmem_shared>> -> memref<640x48xf32, #tpu.memory_space<vmem_shared>>
      tpu.wait_dma2 semaphore(%run_scoped3A : memref<!tpu.dma_semaphore, #tpu.memory_space<semaphore_mem>>) src(%dma_wait3A_90 : memref<640x48xf32, #tpu.memory_space<vmem_shared>>) dst(%dma_wait3A_88 : memref<640x48xf32, #tpu.memory_space<hbm>>)
      tpu.yield
    }) : () -> ()
    return
  }
}

#map = affine_map<(d0, d1) -> (0, 0)>
#map1 = affine_map<(d0, d1) -> (0)>
#map2 = affine_map<(d0, d1) -> (0, 0, 0)>
module attributes {stable_mosaic.version = 14 : i64} {
  func.func @_sc_body(%arg0: i32, %arg1: i32, %arg2: memref<10240x32xf32, #tpu.memory_space<hbm>>, %arg3: memref<10240x32xf32, #tpu.memory_space<hbm>>, %arg4: memref<10485760xf32, #tpu.memory_space<hbm>>, %arg5: memref<2608x128xi32, #tpu.memory_space<hbm>>, %arg6: memref<2608x128xi32, #tpu.memory_space<hbm>>, %arg7: memref<2x10240x48xf32, #tpu.memory_space<hbm>>, %arg8: memref<104x128xi32, #tpu.memory_space<vmem>>, %arg9: memref<104x128xi32, #tpu.memory_space<vmem>>, %arg10: memref<128x32xf32, #tpu.memory_space<vmem>>, %arg11: memref<128x32xf32, #tpu.memory_space<vmem>>, %arg12: memref<128x32xf32, #tpu.memory_space<vmem>>, %arg13: memref<128x32xf32, #tpu.memory_space<vmem>>, %arg14: memref<4096xf32, #tpu.memory_space<vmem>>, %arg15: memref<4096xf32, #tpu.memory_space<vmem>>, %arg16: memref<128x48xf32, #tpu.memory_space<vmem>>, %arg17: memref<128x48xf32, #tpu.memory_space<vmem>>, %arg18: memref<160x48xf32, #tpu.memory_space<vmem>>, %arg19: memref<10240x48xf32, #tpu.memory_space<vmem_shared>>, %arg20: memref<!tpu.dma_semaphore, #tpu.memory_space<semaphore_mem>>, %arg21: memref<!tpu.dma_semaphore, #tpu.memory_space<semaphore_mem>>, %arg22: memref<!tpu.dma_semaphore, #tpu.memory_space<semaphore_mem>>, %arg23: memref<!tpu.dma_semaphore, #tpu.memory_space<semaphore_mem>>, %arg24: memref<!tpu.dma_semaphore, #tpu.memory_space<semaphore_mem>>, %arg25: memref<!tpu.dma_semaphore, #tpu.memory_space<semaphore_mem>>, %arg26: memref<!tpu.dma_semaphore, #tpu.memory_space<semaphore_mem>>, %arg27: memref<!tpu.dma_semaphore, #tpu.memory_space<semaphore_mem>>) attributes {dimension_semantics = [#tpu.dimension_semantics<core_parallel>, #tpu.dimension_semantics<subcore_parallel>], iteration_bounds = array<i64: 2, 16>, scalar_prefetch = 0 : i64, scratch_operands = 20 : i64, tpu.core_type = #tpu.core_type<sc_vector_subcore>, window_params = [{transform_indices = #map}, {transform_indices = #map}, {transform_indices = #map1}, {transform_indices = #map}, {transform_indices = #map}, {transform_indices = #map2}]} {
    %mul3A = arith.constant 640 : i32
    %mul3A_0 = arith.muli %arg1, %mul3A : i32
    %eq3A = arith.constant 0 : i32
    %eq3A_1 = arith.cmpi eq, %arg0, %eq3A : i32
    %mul3A_2 = arith.constant 104 : i32
    %mul3A_3 = arith.muli %arg1, %mul3A_2 : i32
    %mul3A_4 = arith.constant 56 : i32
    %mul3A_5 = arith.muli %arg1, %mul3A_4 : i32
    %add3A = arith.constant 1664 : i32
    %add3A_6 = arith.addi %add3A, %mul3A_5 : i32
    %select_n3A = arith.select %eq3A_1, %mul3A_3, %add3A_6 : i32
    %eq3A_7 = arith.constant 0 : i32
    %eq3A_8 = arith.cmpi eq, %arg0, %eq3A_7 : i32
    %jit3A = arith.constant 52 : i32
    %jit3A_9 = arith.constant 28 : i32
    %select_n3A_10 = arith.select %eq3A_8, %jit3A, %jit3A_9 : i32
    %broadcast_in_dim3A = arith.constant 0.000000e+00 : f32
    %broadcast_in_dim3A_11 = vector.broadcast %broadcast_in_dim3A : f32 to vector<16xf32>
    %scan3A = arith.constant 0 : i32
    %scan3A_12 = arith.constant 0 : i32
    %scan3A_13 = arith.constant 160 : i32
    %scan3A_14 = arith.addi %scan3A_12, %scan3A_13 : i32
    %scan3A_15 = arith.constant 1 : i32
    scf.for %scan3A_81 = %scan3A_12 to %scan3A_14 step %scan3A_15  : i32 {
      %swap3A = arith.index_cast %scan3A_81 : i32 to index
      %swap3A_82 = arith.constant 0 : index
      %swap3A_83 = tpu.vector_load %arg18[%swap3A, %swap3A_82] {strides = array<i32>} : memref<160x48xf32, #tpu.memory_space<vmem>>, vector<1x16xf32>,
      %swap3A_84 = vector.shape_cast %swap3A_83 : vector<1x16xf32> to vector<16xf32>
      %swap3A_85 = vector.shape_cast %broadcast_in_dim3A_11 : vector<16xf32> to vector<1x16xf32>
      tpu.vector_store %arg18[%swap3A, %swap3A_82], %swap3A_85 {strides = array<i32>} : memref<160x48xf32, #tpu.memory_space<vmem>>, vector<1x16xf32>,
      %swap3A_86 = arith.index_cast %scan3A_81 : i32 to index
      %swap3A_87 = arith.constant 16 : index
      %swap3A_88 = tpu.vector_load %arg18[%swap3A_86, %swap3A_87] {strides = array<i32>} : memref<160x48xf32, #tpu.memory_space<vmem>>, vector<1x16xf32>,
      %swap3A_89 = vector.shape_cast %swap3A_88 : vector<1x16xf32> to vector<16xf32>
      %swap3A_90 = vector.shape_cast %broadcast_in_dim3A_11 : vector<16xf32> to vector<1x16xf32>
      tpu.vector_store %arg18[%swap3A_86, %swap3A_87], %swap3A_90 {strides = array<i32>} : memref<160x48xf32, #tpu.memory_space<vmem>>, vector<1x16xf32>,
      %swap3A_91 = arith.index_cast %scan3A_81 : i32 to index
      %swap3A_92 = arith.constant 32 : index
      %swap3A_93 = tpu.vector_load %arg18[%swap3A_91, %swap3A_92] {strides = array<i32>} : memref<160x48xf32, #tpu.memory_space<vmem>>, vector<1x16xf32>,
      %swap3A_94 = vector.shape_cast %swap3A_93 : vector<1x16xf32> to vector<16xf32>
      %swap3A_95 = vector.shape_cast %broadcast_in_dim3A_11 : vector<16xf32> to vector<1x16xf32>
      tpu.vector_store %arg18[%swap3A_91, %swap3A_92], %swap3A_95 {strides = array<i32>} : memref<160x48xf32, #tpu.memory_space<vmem>>, vector<1x16xf32>,
    }
    %scan3A_16 = arith.constant 160 : i32
    %iota3A = tpu.iota {dimensions = array<i32: 0>} : vector<16xi32>
    %eq3A_17 = arith.constant 0 : i32
    %eq3A_18 = vector.broadcast %eq3A_17 : i32 to vector<16xi32>
    %eq3A_19 = arith.cmpi eq, %iota3A, %eq3A_18 : vector<16xi32>
    %jit3A_20 = arith.constant 1.000000e+00 : f32
    %jit3A_21 = arith.constant 0.000000e+00 : f32
    %broadcast_in_dim3A_22 = vector.broadcast %jit3A_20 : f32 to vector<16xf32>
    %broadcast_in_dim3A_23 = vector.broadcast %jit3A_21 : f32 to vector<16xf32>
    %select_n3A_24 = arith.select %eq3A_19, %broadcast_in_dim3A_22, %broadcast_in_dim3A_23 : vector<16xi1>, vector<16xf32>
    %scan3A_25 = arith.constant 0 : i32
    %scan3A_26 = arith.constant 0 : i32
    %scan3A_27 = arith.constant 128 : i32
    %scan3A_28 = arith.addi %scan3A_26, %scan3A_27 : i32
    %scan3A_29 = arith.constant 1 : i32
    scf.for %scan3A_81 = %scan3A_26 to %scan3A_28 step %scan3A_29  : i32 {
      %swap3A = arith.index_cast %scan3A_81 : i32 to index
      %swap3A_82 = arith.constant 32 : index
      %swap3A_83 = tpu.vector_load %arg16[%swap3A, %swap3A_82] {strides = array<i32>} : memref<128x48xf32, #tpu.memory_space<vmem>>, vector<1x16xf32>,
      %swap3A_84 = vector.shape_cast %swap3A_83 : vector<1x16xf32> to vector<16xf32>
      %swap3A_85 = vector.shape_cast %select_n3A_24 : vector<16xf32> to vector<1x16xf32>
      tpu.vector_store %arg16[%swap3A, %swap3A_82], %swap3A_85 {strides = array<i32>} : memref<128x48xf32, #tpu.memory_space<vmem>>, vector<1x16xf32>,
      %swap3A_86 = arith.index_cast %scan3A_81 : i32 to index
      %swap3A_87 = arith.constant 32 : index
      %swap3A_88 = tpu.vector_load %arg17[%swap3A_86, %swap3A_87] {strides = array<i32>} : memref<128x48xf32, #tpu.memory_space<vmem>>, vector<1x16xf32>,
      %swap3A_89 = vector.shape_cast %swap3A_88 : vector<1x16xf32> to vector<16xf32>
      %swap3A_90 = vector.shape_cast %select_n3A_24 : vector<16xf32> to vector<1x16xf32>
      tpu.vector_store %arg17[%swap3A_86, %swap3A_87], %swap3A_90 {strides = array<i32>} : memref<128x48xf32, #tpu.memory_space<vmem>>, vector<1x16xf32>,
    }
    %scan3A_30 = arith.constant 128 : i32
    "tpu.region"() ({
      %run_scoped3A = tpu.sem_alloc : memref<!tpu.dma_semaphore, #tpu.memory_space<semaphore_mem>>
      %dma_start3A_81 = arith.constant 0 : i32
      %dma_start3A_82 = tpu.memref_slice %arg5[%select_n3A, %dma_start3A_81] : memref<2608x128xi32, #tpu.memory_space<hbm>> -> memref<104x128xi32, #tpu.memory_space<hbm>>
      %dma_start3A_83 = arith.constant 0 : i32
      %dma_start3A_84 = tpu.memref_slice %arg5[%select_n3A, %dma_start3A_83] : memref<2608x128xi32, #tpu.memory_space<hbm>> -> memref<104x128xi32, #tpu.memory_space<hbm>>
      tpu.enqueue_dma source(%dma_start3A_84 : memref<104x128xi32, #tpu.memory_space<hbm>>) target(%arg8 : memref<104x128xi32, #tpu.memory_space<vmem>>) target_semaphore(%run_scoped3A : memref<!tpu.dma_semaphore, #tpu.memory_space<semaphore_mem>>)
      %dma_wait3A_85 = arith.constant 0 : i32
      %dma_wait3A_86 = tpu.memref_slice %arg5[%select_n3A, %dma_wait3A_85] : memref<2608x128xi32, #tpu.memory_space<hbm>> -> memref<104x128xi32, #tpu.memory_space<hbm>>
      %dma_wait3A_87 = arith.constant 0 : i32
      %dma_wait3A_88 = tpu.memref_slice %arg5[%select_n3A, %dma_wait3A_87] : memref<2608x128xi32, #tpu.memory_space<hbm>> -> memref<104x128xi32, #tpu.memory_space<hbm>>
      tpu.wait_dma2 semaphore(%run_scoped3A : memref<!tpu.dma_semaphore, #tpu.memory_space<semaphore_mem>>) src(%dma_wait3A_88 : memref<104x128xi32, #tpu.memory_space<hbm>>) dst(%arg8 : memref<104x128xi32, #tpu.memory_space<vmem>>)
      tpu.yield
    }) : () -> ()
    "tpu.region"() ({
      %run_scoped3A = tpu.sem_alloc : memref<!tpu.dma_semaphore, #tpu.memory_space<semaphore_mem>>
      %dma_start3A_81 = arith.constant 0 : i32
      %dma_start3A_82 = tpu.memref_slice %arg6[%select_n3A, %dma_start3A_81] : memref<2608x128xi32, #tpu.memory_space<hbm>> -> memref<104x128xi32, #tpu.memory_space<hbm>>
      %dma_start3A_83 = arith.constant 0 : i32
      %dma_start3A_84 = tpu.memref_slice %arg6[%select_n3A, %dma_start3A_83] : memref<2608x128xi32, #tpu.memory_space<hbm>> -> memref<104x128xi32, #tpu.memory_space<hbm>>
      tpu.enqueue_dma source(%dma_start3A_84 : memref<104x128xi32, #tpu.memory_space<hbm>>) target(%arg9 : memref<104x128xi32, #tpu.memory_space<vmem>>) target_semaphore(%run_scoped3A : memref<!tpu.dma_semaphore, #tpu.memory_space<semaphore_mem>>)
      %dma_wait3A_85 = arith.constant 0 : i32
      %dma_wait3A_86 = tpu.memref_slice %arg6[%select_n3A, %dma_wait3A_85] : memref<2608x128xi32, #tpu.memory_space<hbm>> -> memref<104x128xi32, #tpu.memory_space<hbm>>
      %dma_wait3A_87 = arith.constant 0 : i32
      %dma_wait3A_88 = tpu.memref_slice %arg6[%select_n3A, %dma_wait3A_87] : memref<2608x128xi32, #tpu.memory_space<hbm>> -> memref<104x128xi32, #tpu.memory_space<hbm>>
      tpu.wait_dma2 semaphore(%run_scoped3A : memref<!tpu.dma_semaphore, #tpu.memory_space<semaphore_mem>>) src(%dma_wait3A_88 : memref<104x128xi32, #tpu.memory_space<hbm>>) dst(%arg9 : memref<104x128xi32, #tpu.memory_space<vmem>>)
      tpu.yield
    }) : () -> ()
    %add3A_31 = arith.constant 0 : i32
    %add3A_32 = arith.addi %mul3A_0, %add3A_31 : i32
    "tpu.region"() ({
      %run_scoped3A = tpu.sem_alloc : memref<!tpu.dma_semaphore, #tpu.memory_space<semaphore_mem>>
      %dma_start3A_81 = arith.constant 0 : i32
      %dma_start3A_82 = tpu.memref_slice %arg19[%add3A_32, %dma_start3A_81] : memref<10240x48xf32, #tpu.memory_space<vmem_shared>> -> memref<160x48xf32, #tpu.memory_space<vmem_shared>>
      %dma_start3A_83 = arith.constant 0 : i32
      %dma_start3A_84 = tpu.memref_slice %arg19[%add3A_32, %dma_start3A_83] : memref<10240x48xf32, #tpu.memory_space<vmem_shared>> -> memref<160x48xf32, #tpu.memory_space<vmem_shared>>
      tpu.enqueue_dma source(%arg18 : memref<160x48xf32, #tpu.memory_space<vmem>>) target(%dma_start3A_84 : memref<160x48xf32, #tpu.memory_space<vmem_shared>>) target_semaphore(%run_scoped3A : memref<!tpu.dma_semaphore, #tpu.memory_space<semaphore_mem>>)
      %dma_wait3A_85 = arith.constant 0 : i32
      %dma_wait3A_86 = tpu.memref_slice %arg19[%add3A_32, %dma_wait3A_85] : memref<10240x48xf32, #tpu.memory_space<vmem_shared>> -> memref<160x48xf32, #tpu.memory_space<vmem_shared>>
      %dma_wait3A_87 = arith.constant 0 : i32
      %dma_wait3A_88 = tpu.memref_slice %arg19[%add3A_32, %dma_wait3A_87] : memref<10240x48xf32, #tpu.memory_space<vmem_shared>> -> memref<160x48xf32, #tpu.memory_space<vmem_shared>>
      tpu.wait_dma2 semaphore(%run_scoped3A : memref<!tpu.dma_semaphore, #tpu.memory_space<semaphore_mem>>) src(%arg18 : memref<160x48xf32, #tpu.memory_space<vmem>>) dst(%dma_wait3A_88 : memref<160x48xf32, #tpu.memory_space<vmem_shared>>)
      tpu.yield
    }) : () -> ()
    %add3A_33 = arith.constant 160 : i32
    %add3A_34 = arith.addi %mul3A_0, %add3A_33 : i32
    "tpu.region"() ({
      %run_scoped3A = tpu.sem_alloc : memref<!tpu.dma_semaphore, #tpu.memory_space<semaphore_mem>>
      %dma_start3A_81 = arith.constant 0 : i32
      %dma_start3A_82 = tpu.memref_slice %arg19[%add3A_34, %dma_start3A_81] : memref<10240x48xf32, #tpu.memory_space<vmem_shared>> -> memref<160x48xf32, #tpu.memory_space<vmem_shared>>
      %dma_start3A_83 = arith.constant 0 : i32
      %dma_start3A_84 = tpu.memref_slice %arg19[%add3A_34, %dma_start3A_83] : memref<10240x48xf32, #tpu.memory_space<vmem_shared>> -> memref<160x48xf32, #tpu.memory_space<vmem_shared>>
      tpu.enqueue_dma source(%arg18 : memref<160x48xf32, #tpu.memory_space<vmem>>) target(%dma_start3A_84 : memref<160x48xf32, #tpu.memory_space<vmem_shared>>) target_semaphore(%run_scoped3A : memref<!tpu.dma_semaphore, #tpu.memory_space<semaphore_mem>>)
      %dma_wait3A_85 = arith.constant 0 : i32
      %dma_wait3A_86 = tpu.memref_slice %arg19[%add3A_34, %dma_wait3A_85] : memref<10240x48xf32, #tpu.memory_space<vmem_shared>> -> memref<160x48xf32, #tpu.memory_space<vmem_shared>>
      %dma_wait3A_87 = arith.constant 0 : i32
      %dma_wait3A_88 = tpu.memref_slice %arg19[%add3A_34, %dma_wait3A_87] : memref<10240x48xf32, #tpu.memory_space<vmem_shared>> -> memref<160x48xf32, #tpu.memory_space<vmem_shared>>
      tpu.wait_dma2 semaphore(%run_scoped3A : memref<!tpu.dma_semaphore, #tpu.memory_space<semaphore_mem>>) src(%arg18 : memref<160x48xf32, #tpu.memory_space<vmem>>) dst(%dma_wait3A_88 : memref<160x48xf32, #tpu.memory_space<vmem_shared>>)
      tpu.yield
    }) : () -> ()
    %add3A_35 = arith.constant 320 : i32
    %add3A_36 = arith.addi %mul3A_0, %add3A_35 : i32
    "tpu.region"() ({
      %run_scoped3A = tpu.sem_alloc : memref<!tpu.dma_semaphore, #tpu.memory_space<semaphore_mem>>
      %dma_start3A_81 = arith.constant 0 : i32
      %dma_start3A_82 = tpu.memref_slice %arg19[%add3A_36, %dma_start3A_81] : memref<10240x48xf32, #tpu.memory_space<vmem_shared>> -> memref<160x48xf32, #tpu.memory_space<vmem_shared>>
      %dma_start3A_83 = arith.constant 0 : i32
      %dma_start3A_84 = tpu.memref_slice %arg19[%add3A_36, %dma_start3A_83] : memref<10240x48xf32, #tpu.memory_space<vmem_shared>> -> memref<160x48xf32, #tpu.memory_space<vmem_shared>>
      tpu.enqueue_dma source(%arg18 : memref<160x48xf32, #tpu.memory_space<vmem>>) target(%dma_start3A_84 : memref<160x48xf32, #tpu.memory_space<vmem_shared>>) target_semaphore(%run_scoped3A : memref<!tpu.dma_semaphore, #tpu.memory_space<semaphore_mem>>)
      %dma_wait3A_85 = arith.constant 0 : i32
      %dma_wait3A_86 = tpu.memref_slice %arg19[%add3A_36, %dma_wait3A_85] : memref<10240x48xf32, #tpu.memory_space<vmem_shared>> -> memref<160x48xf32, #tpu.memory_space<vmem_shared>>
      %dma_wait3A_87 = arith.constant 0 : i32
      %dma_wait3A_88 = tpu.memref_slice %arg19[%add3A_36, %dma_wait3A_87] : memref<10240x48xf32, #tpu.memory_space<vmem_shared>> -> memref<160x48xf32, #tpu.memory_space<vmem_shared>>
      tpu.wait_dma2 semaphore(%run_scoped3A : memref<!tpu.dma_semaphore, #tpu.memory_space<semaphore_mem>>) src(%arg18 : memref<160x48xf32, #tpu.memory_space<vmem>>) dst(%dma_wait3A_88 : memref<160x48xf32, #tpu.memory_space<vmem_shared>>)
      tpu.yield
    }) : () -> ()
    %add3A_37 = arith.constant 480 : i32
    %add3A_38 = arith.addi %mul3A_0, %add3A_37 : i32
    "tpu.region"() ({
      %run_scoped3A = tpu.sem_alloc : memref<!tpu.dma_semaphore, #tpu.memory_space<semaphore_mem>>
      %dma_start3A_81 = arith.constant 0 : i32
      %dma_start3A_82 = tpu.memref_slice %arg19[%add3A_38, %dma_start3A_81] : memref<10240x48xf32, #tpu.memory_space<vmem_shared>> -> memref<160x48xf32, #tpu.memory_space<vmem_shared>>
      %dma_start3A_83 = arith.constant 0 : i32
      %dma_start3A_84 = tpu.memref_slice %arg19[%add3A_38, %dma_start3A_83] : memref<10240x48xf32, #tpu.memory_space<vmem_shared>> -> memref<160x48xf32, #tpu.memory_space<vmem_shared>>
      tpu.enqueue_dma source(%arg18 : memref<160x48xf32, #tpu.memory_space<vmem>>) target(%dma_start3A_84 : memref<160x48xf32, #tpu.memory_space<vmem_shared>>) target_semaphore(%run_scoped3A : memref<!tpu.dma_semaphore, #tpu.memory_space<semaphore_mem>>)
      %dma_wait3A_85 = arith.constant 0 : i32
      %dma_wait3A_86 = tpu.memref_slice %arg19[%add3A_38, %dma_wait3A_85] : memref<10240x48xf32, #tpu.memory_space<vmem_shared>> -> memref<160x48xf32, #tpu.memory_space<vmem_shared>>
      %dma_wait3A_87 = arith.constant 0 : i32
      %dma_wait3A_88 = tpu.memref_slice %arg19[%add3A_38, %dma_wait3A_87] : memref<10240x48xf32, #tpu.memory_space<vmem_shared>> -> memref<160x48xf32, #tpu.memory_space<vmem_shared>>
      tpu.wait_dma2 semaphore(%run_scoped3A : memref<!tpu.dma_semaphore, #tpu.memory_space<semaphore_mem>>) src(%arg18 : memref<160x48xf32, #tpu.memory_space<vmem>>) dst(%dma_wait3A_88 : memref<160x48xf32, #tpu.memory_space<vmem_shared>>)
      tpu.yield
    }) : () -> ()
    %barrier3A = arith.constant 0 : index
    tpu.barrier barrier_id(%barrier3A)
    %add3A_39 = arith.constant 0 : i32
    %add3A_40 = arith.addi %select_n3A, %add3A_39 : i32
    %mul3A_41 = arith.constant 4096 : i32
    %mul3A_42 = arith.muli %add3A_40, %mul3A_41 : i32
    %dma_start3A = tpu.memref_slice %arg4[%mul3A_42] : memref<10485760xf32, #tpu.memory_space<hbm>> -> memref<4096xf32, #tpu.memory_space<hbm>>
    %dma_start3A_43 = tpu.memref_slice %arg4[%mul3A_42] : memref<10485760xf32, #tpu.memory_space<hbm>> -> memref<4096xf32, #tpu.memory_space<hbm>>
    tpu.enqueue_dma source(%dma_start3A_43 : memref<4096xf32, #tpu.memory_space<hbm>>) target(%arg14 : memref<4096xf32, #tpu.memory_space<vmem>>) target_semaphore(%arg24 : memref<!tpu.dma_semaphore, #tpu.memory_space<semaphore_mem>>)
    %dma_start3A_44 = arith.constant 0 : i32
    %dma_start3A_45 = arith.constant 0 : i32
    %dma_start3A_46 = tpu.memref_slice %arg9[%dma_start3A_44, %dma_start3A_45] : memref<104x128xi32, #tpu.memory_space<vmem>> -> memref<1x128xi32, #tpu.memory_space<vmem>>
    %dma_start3A_47 = tpu.memref_squeeze %dma_start3A_46 : memref<1x128xi32, #tpu.memory_space<vmem>> -> memref<128xi32, #tpu.memory_space<vmem>>
    %dma_start3A_48 = arith.constant 0 : i32
    %dma_start3A_49 = arith.constant 0 : i32
    %dma_start3A_50 = tpu.memref_slice %arg2[%dma_start3A_48, %dma_start3A_49] : memref<10240x32xf32, #tpu.memory_space<hbm>> -> memref<10240x32xf32, #tpu.memory_space<hbm>>
    tpu.enqueue_indirect_dma source(%dma_start3A_50 : memref<10240x32xf32, #tpu.memory_space<hbm>>) target(%arg10 : memref<128x32xf32, #tpu.memory_space<vmem>>) offsets(%dma_start3A_47 : memref<128xi32, #tpu.memory_space<vmem>>) semaphore(%arg20 : memref<!tpu.dma_semaphore, #tpu.memory_space<semaphore_mem>>)
    %dma_start3A_51 = arith.constant 0 : i32
    %dma_start3A_52 = arith.constant 0 : i32
    %dma_start3A_53 = tpu.memref_slice %arg8[%dma_start3A_51, %dma_start3A_52] : memref<104x128xi32, #tpu.memory_space<vmem>> -> memref<1x128xi32, #tpu.memory_space<vmem>>
    %dma_start3A_54 = tpu.memref_squeeze %dma_start3A_53 : memref<1x128xi32, #tpu.memory_space<vmem>> -> memref<128xi32, #tpu.memory_space<vmem>>
    %dma_start3A_55 = arith.constant 0 : i32
    %dma_start3A_56 = arith.constant 0 : i32
    %dma_start3A_57 = tpu.memref_slice %arg3[%dma_start3A_55, %dma_start3A_56] : memref<10240x32xf32, #tpu.memory_space<hbm>> -> memref<10240x32xf32, #tpu.memory_space<hbm>>
    tpu.enqueue_indirect_dma source(%dma_start3A_57 : memref<10240x32xf32, #tpu.memory_space<hbm>>) target(%arg12 : memref<128x32xf32, #tpu.memory_space<vmem>>) offsets(%dma_start3A_54 : memref<128xi32, #tpu.memory_space<vmem>>) semaphore(%arg22 : memref<!tpu.dma_semaphore, #tpu.memory_space<semaphore_mem>>)
    %while3A = arith.constant 0 : i32
    %while3A_58 = arith.constant 0 : i32
    %while3A_59 = arith.subi %select_n3A_10, %while3A_58 : i32
    %while3A_60 = arith.addi %while3A_58, %while3A_59 : i32
    %while3A_61 = arith.constant 1 : i32
    %while3A_62 = arith.divsi %while3A_59, %while3A_61 : i32
    %while3A_63 = arith.muli %while3A_62, %while3A_61 : i32
    %while3A_64 = arith.addi %while3A_58, %while3A_63 : i32
    %while3A_65 = arith.constant 1 : i32
    scf.for %while3A_81 = %while3A_58 to %while3A_64 step %while3A_65  : i32 {
      %mul3A_82 = arith.constant 2 : i32
      %mul3A_83 = arith.muli %mul3A_82, %while3A_81 : i32
      %add3A_84 = arith.constant 1 : i32
      %add3A_85 = arith.addi %mul3A_83, %add3A_84 : i32
      %add3A_86 = arith.addi %select_n3A, %add3A_85 : i32
      %mul3A_87 = arith.constant 4096 : i32
      %mul3A_88 = arith.muli %add3A_86, %mul3A_87 : i32
      %dma_start3A_89 = tpu.memref_slice %arg4[%mul3A_88] : memref<10485760xf32, #tpu.memory_space<hbm>> -> memref<4096xf32, #tpu.memory_space<hbm>>
      %dma_start3A_90 = tpu.memref_slice %arg4[%mul3A_88] : memref<10485760xf32, #tpu.memory_space<hbm>> -> memref<4096xf32, #tpu.memory_space<hbm>>
      tpu.enqueue_dma source(%dma_start3A_90 : memref<4096xf32, #tpu.memory_space<hbm>>) target(%arg15 : memref<4096xf32, #tpu.memory_space<vmem>>) target_semaphore(%arg25 : memref<!tpu.dma_semaphore, #tpu.memory_space<semaphore_mem>>)
      %dma_start3A_91 = arith.constant 0 : i32
      %dma_start3A_92 = tpu.memref_slice %arg9[%add3A_85, %dma_start3A_91] : memref<104x128xi32, #tpu.memory_space<vmem>> -> memref<1x128xi32, #tpu.memory_space<vmem>>
      %dma_start3A_93 = tpu.memref_squeeze %dma_start3A_92 : memref<1x128xi32, #tpu.memory_space<vmem>> -> memref<128xi32, #tpu.memory_space<vmem>>
      %dma_start3A_94 = arith.constant 0 : i32
      %dma_start3A_95 = arith.constant 0 : i32
      %dma_start3A_96 = tpu.memref_slice %arg2[%dma_start3A_94, %dma_start3A_95] : memref<10240x32xf32, #tpu.memory_space<hbm>> -> memref<10240x32xf32, #tpu.memory_space<hbm>>
      tpu.enqueue_indirect_dma source(%dma_start3A_96 : memref<10240x32xf32, #tpu.memory_space<hbm>>) target(%arg11 : memref<128x32xf32, #tpu.memory_space<vmem>>) offsets(%dma_start3A_93 : memref<128xi32, #tpu.memory_space<vmem>>) semaphore(%arg21 : memref<!tpu.dma_semaphore, #tpu.memory_space<semaphore_mem>>)
      %dma_start3A_97 = arith.constant 0 : i32
      %dma_start3A_98 = tpu.memref_slice %arg8[%add3A_85, %dma_start3A_97] : memref<104x128xi32, #tpu.memory_space<vmem>> -> memref<1x128xi32, #tpu.memory_space<vmem>>
      %dma_start3A_99 = tpu.memref_squeeze %dma_start3A_98 : memref<1x128xi32, #tpu.memory_space<vmem>> -> memref<128xi32, #tpu.memory_space<vmem>>
      %dma_start3A_100 = arith.constant 0 : i32
      %dma_start3A_101 = arith.constant 0 : i32
      %dma_start3A_102 = tpu.memref_slice %arg3[%dma_start3A_100, %dma_start3A_101] : memref<10240x32xf32, #tpu.memory_space<hbm>> -> memref<10240x32xf32, #tpu.memory_space<hbm>>
      tpu.enqueue_indirect_dma source(%dma_start3A_102 : memref<10240x32xf32, #tpu.memory_space<hbm>>) target(%arg13 : memref<128x32xf32, #tpu.memory_space<vmem>>) offsets(%dma_start3A_99 : memref<128xi32, #tpu.memory_space<vmem>>) semaphore(%arg23 : memref<!tpu.dma_semaphore, #tpu.memory_space<semaphore_mem>>)
      %dma_wait3A_103 = arith.constant 0 : i32
      %dma_wait3A_104 = tpu.memref_slice %arg4[%dma_wait3A_103] : memref<10485760xf32, #tpu.memory_space<hbm>> -> memref<4096xf32, #tpu.memory_space<hbm>>
      %dma_wait3A_105 = arith.constant 0 : i32
      %dma_wait3A_106 = tpu.memref_slice %arg4[%dma_wait3A_105] : memref<10485760xf32, #tpu.memory_space<hbm>> -> memref<4096xf32, #tpu.memory_space<hbm>>
      tpu.wait_dma2 semaphore(%arg24 : memref<!tpu.dma_semaphore, #tpu.memory_space<semaphore_mem>>) src(%dma_wait3A_106 : memref<4096xf32, #tpu.memory_space<hbm>>) dst(%arg14 : memref<4096xf32, #tpu.memory_space<vmem>>)
      %dma_wait3A_107 = arith.constant 0 : i32
      %dma_wait3A_108 = arith.constant 0 : i32
      %dma_wait3A_109 = tpu.memref_slice %arg9[%dma_wait3A_107, %dma_wait3A_108] : memref<104x128xi32, #tpu.memory_space<vmem>> -> memref<1x128xi32, #tpu.memory_space<vmem>>
      %dma_wait3A_110 = tpu.memref_squeeze %dma_wait3A_109 : memref<1x128xi32, #tpu.memory_space<vmem>> -> memref<128xi32, #tpu.memory_space<vmem>>
      %dma_wait3A_111 = arith.constant 0 : i32
      %dma_wait3A_112 = arith.constant 0 : i32
      %dma_wait3A_113 = tpu.memref_slice %arg2[%dma_wait3A_111, %dma_wait3A_112] : memref<10240x32xf32, #tpu.memory_space<hbm>> -> memref<10240x32xf32, #tpu.memory_space<hbm>>
      tpu.wait_indirect_dma semaphore(%arg20 : memref<!tpu.dma_semaphore, #tpu.memory_space<semaphore_mem>>) src(%dma_wait3A_113 : memref<10240x32xf32, #tpu.memory_space<hbm>>) dst(%arg10 : memref<128x32xf32, #tpu.memory_space<vmem>>)
      %dma_wait3A_114 = arith.constant 0 : i32
      %dma_wait3A_115 = arith.constant 0 : i32
      %dma_wait3A_116 = tpu.memref_slice %arg8[%dma_wait3A_114, %dma_wait3A_115] : memref<104x128xi32, #tpu.memory_space<vmem>> -> memref<1x128xi32, #tpu.memory_space<vmem>>
      %dma_wait3A_117 = tpu.memref_squeeze %dma_wait3A_116 : memref<1x128xi32, #tpu.memory_space<vmem>> -> memref<128xi32, #tpu.memory_space<vmem>>
      %dma_wait3A_118 = arith.constant 0 : i32
      %dma_wait3A_119 = arith.constant 0 : i32
      %dma_wait3A_120 = tpu.memref_slice %arg3[%dma_wait3A_118, %dma_wait3A_119] : memref<10240x32xf32, #tpu.memory_space<hbm>> -> memref<10240x32xf32, #tpu.memory_space<hbm>>
      tpu.wait_indirect_dma semaphore(%arg22 : memref<!tpu.dma_semaphore, #tpu.memory_space<semaphore_mem>>) src(%dma_wait3A_120 : memref<10240x32xf32, #tpu.memory_space<hbm>>) dst(%arg12 : memref<128x32xf32, #tpu.memory_space<vmem>>)
      %gt3A = arith.constant 0 : i32
      %gt3A_121 = arith.cmpi sgt, %while3A_81, %gt3A : i32
      %convert_element_type3A = arith.extui %gt3A_121 : i1 to i32
      %cond3A = arith.constant 0 : i32
      %cond3A_122 = arith.cmpi ne, %convert_element_type3A, %cond3A : i32
      scf.if %cond3A_122 {
        %dma_wait3A_169 = arith.constant 0 : i32
        %dma_wait3A_170 = arith.constant 0 : i32
        %dma_wait3A_171 = tpu.memref_slice %arg9[%dma_wait3A_169, %dma_wait3A_170] : memref<104x128xi32, #tpu.memory_space<vmem>> -> memref<1x128xi32, #tpu.memory_space<vmem>>
        %dma_wait3A_172 = tpu.memref_squeeze %dma_wait3A_171 : memref<1x128xi32, #tpu.memory_space<vmem>> -> memref<128xi32, #tpu.memory_space<vmem>>
        %dma_wait3A_173 = arith.constant 0 : i32
        %dma_wait3A_174 = arith.constant 0 : i32
        %dma_wait3A_175 = tpu.memref_slice %arg19[%dma_wait3A_173, %dma_wait3A_174] : memref<10240x48xf32, #tpu.memory_space<vmem_shared>> -> memref<10240x48xf32, #tpu.memory_space<vmem_shared>>
        tpu.wait_indirect_dma semaphore(%arg26 : memref<!tpu.dma_semaphore, #tpu.memory_space<semaphore_mem>>) src(%arg16 : memref<128x48xf32, #tpu.memory_space<vmem>>) dst(%dma_wait3A_175 : memref<10240x48xf32, #tpu.memory_space<vmem_shared>>)
      } else {
      }
      %parallel_loop3A = arith.constant 0 : i32
      %parallel_loop3A_123 = arith.constant 128 : i32
      %parallel_loop3A_124 = arith.constant 1 : i32
      scf.for %parallel_loop3A_169 = %parallel_loop3A to %parallel_loop3A_123 step %parallel_loop3A_124  : i32 {
        %parallel_loop3A_170 = arith.index_cast %parallel_loop3A_169 : i32 to index
        %parallel_loop3A_171 = arith.constant 0 : index
        %parallel_loop3A_172 = tpu.vector_load %arg10[%parallel_loop3A_170, %parallel_loop3A_171] {strides = array<i32>} : memref<128x32xf32, #tpu.memory_space<vmem>>, vector<1x16xf32>,
        %parallel_loop3A_173 = vector.shape_cast %parallel_loop3A_172 : vector<1x16xf32> to vector<16xf32>
        %parallel_loop3A_174 = arith.index_cast %parallel_loop3A_169 : i32 to index
        %parallel_loop3A_175 = arith.constant 0 : index
        %parallel_loop3A_176 = tpu.vector_load %arg12[%parallel_loop3A_174, %parallel_loop3A_175] {strides = array<i32>} : memref<128x32xf32, #tpu.memory_space<vmem>>, vector<1x16xf32>,
        %parallel_loop3A_177 = vector.shape_cast %parallel_loop3A_176 : vector<1x16xf32> to vector<16xf32>
        %parallel_loop3A_178 = arith.addf %parallel_loop3A_173, %parallel_loop3A_177 : vector<16xf32>
        %parallel_loop3A_179 = arith.constant 32 : i32
        %parallel_loop3A_180 = arith.muli %parallel_loop3A_179, %parallel_loop3A_169 : i32
        %parallel_loop3A_181 = arith.index_cast %parallel_loop3A_180 : i32 to index
        %parallel_loop3A_182 = tpu.vector_load %arg14[%parallel_loop3A_181] {strides = array<i32>} : memref<4096xf32, #tpu.memory_space<vmem>>, vector<16xf32>,
        %parallel_loop3A_183 = vector.shape_cast %parallel_loop3A_182 : vector<16xf32> to vector<16xf32>
        %parallel_loop3A_184 = arith.addf %parallel_loop3A_178, %parallel_loop3A_183 : vector<16xf32>
        %parallel_loop3A_185 = arith.constant 0.000000e+00 : f32
        %parallel_loop3A_186 = vector.broadcast %parallel_loop3A_185 : f32 to vector<16xf32>
        %parallel_loop3A_187 = arith.maximumf %parallel_loop3A_184, %parallel_loop3A_186 : vector<16xf32>
        %parallel_loop3A_188 = arith.index_cast %parallel_loop3A_169 : i32 to index
        %parallel_loop3A_189 = arith.constant 0 : index
        %parallel_loop3A_190 = tpu.vector_load %arg16[%parallel_loop3A_188, %parallel_loop3A_189] {strides = array<i32>} : memref<128x48xf32, #tpu.memory_space<vmem>>, vector<1x16xf32>,
        %parallel_loop3A_191 = vector.shape_cast %parallel_loop3A_190 : vector<1x16xf32> to vector<16xf32>
        %parallel_loop3A_192 = vector.shape_cast %parallel_loop3A_187 : vector<16xf32> to vector<1x16xf32>
        tpu.vector_store %arg16[%parallel_loop3A_188, %parallel_loop3A_189], %parallel_loop3A_192 {strides = array<i32>} : memref<128x48xf32, #tpu.memory_space<vmem>>, vector<1x16xf32>,
        %parallel_loop3A_193 = arith.index_cast %parallel_loop3A_169 : i32 to index
        %parallel_loop3A_194 = arith.constant 16 : index
        %parallel_loop3A_195 = tpu.vector_load %arg10[%parallel_loop3A_193, %parallel_loop3A_194] {strides = array<i32>} : memref<128x32xf32, #tpu.memory_space<vmem>>, vector<1x16xf32>,
        %parallel_loop3A_196 = vector.shape_cast %parallel_loop3A_195 : vector<1x16xf32> to vector<16xf32>
        %parallel_loop3A_197 = arith.index_cast %parallel_loop3A_169 : i32 to index
        %parallel_loop3A_198 = arith.constant 16 : index
        %parallel_loop3A_199 = tpu.vector_load %arg12[%parallel_loop3A_197, %parallel_loop3A_198] {strides = array<i32>} : memref<128x32xf32, #tpu.memory_space<vmem>>, vector<1x16xf32>,
        %parallel_loop3A_200 = vector.shape_cast %parallel_loop3A_199 : vector<1x16xf32> to vector<16xf32>
        %parallel_loop3A_201 = arith.addf %parallel_loop3A_196, %parallel_loop3A_200 : vector<16xf32>
        %parallel_loop3A_202 = arith.constant 32 : i32
        %parallel_loop3A_203 = arith.muli %parallel_loop3A_202, %parallel_loop3A_169 : i32
        %parallel_loop3A_204 = arith.constant 16 : i32
        %parallel_loop3A_205 = arith.addi %parallel_loop3A_203, %parallel_loop3A_204 : i32
        %parallel_loop3A_206 = arith.index_cast %parallel_loop3A_205 : i32 to index
        %parallel_loop3A_207 = tpu.vector_load %arg14[%parallel_loop3A_206] {strides = array<i32>} : memref<4096xf32, #tpu.memory_space<vmem>>, vector<16xf32>,
        %parallel_loop3A_208 = vector.shape_cast %parallel_loop3A_207 : vector<16xf32> to vector<16xf32>
        %parallel_loop3A_209 = arith.addf %parallel_loop3A_201, %parallel_loop3A_208 : vector<16xf32>
        %parallel_loop3A_210 = arith.constant 0.000000e+00 : f32
        %parallel_loop3A_211 = vector.broadcast %parallel_loop3A_210 : f32 to vector<16xf32>
        %parallel_loop3A_212 = arith.maximumf %parallel_loop3A_209, %parallel_loop3A_211 : vector<16xf32>
        %parallel_loop3A_213 = arith.index_cast %parallel_loop3A_169 : i32 to index
        %parallel_loop3A_214 = arith.constant 16 : index
        %parallel_loop3A_215 = tpu.vector_load %arg16[%parallel_loop3A_213, %parallel_loop3A_214] {strides = array<i32>} : memref<128x48xf32, #tpu.memory_space<vmem>>, vector<1x16xf32>,
        %parallel_loop3A_216 = vector.shape_cast %parallel_loop3A_215 : vector<1x16xf32> to vector<16xf32>
        %parallel_loop3A_217 = vector.shape_cast %parallel_loop3A_212 : vector<16xf32> to vector<1x16xf32>
        tpu.vector_store %arg16[%parallel_loop3A_213, %parallel_loop3A_214], %parallel_loop3A_217 {strides = array<i32>} : memref<128x48xf32, #tpu.memory_space<vmem>>, vector<1x16xf32>,
      } {sc.loop_unroll_factor = 4 : i64, sc.parallel_access}
      %dma_start3A_125 = arith.constant 0 : i32
      %dma_start3A_126 = tpu.memref_slice %arg9[%mul3A_83, %dma_start3A_125] : memref<104x128xi32, #tpu.memory_space<vmem>> -> memref<1x128xi32, #tpu.memory_space<vmem>>
      %dma_start3A_127 = tpu.memref_squeeze %dma_start3A_126 : memref<1x128xi32, #tpu.memory_space<vmem>> -> memref<128xi32, #tpu.memory_space<vmem>>
      %dma_start3A_128 = arith.constant 0 : i32
      %dma_start3A_129 = arith.constant 0 : i32
      %dma_start3A_130 = tpu.memref_slice %arg19[%dma_start3A_128, %dma_start3A_129] : memref<10240x48xf32, #tpu.memory_space<vmem_shared>> -> memref<10240x48xf32, #tpu.memory_space<vmem_shared>>
      tpu.enqueue_indirect_dma source(%arg16 : memref<128x48xf32, #tpu.memory_space<vmem>>) target(%dma_start3A_130 : memref<10240x48xf32, #tpu.memory_space<vmem_shared>>) offsets(%dma_start3A_127 : memref<128xi32, #tpu.memory_space<vmem>>) semaphore(%arg26 : memref<!tpu.dma_semaphore, #tpu.memory_space<semaphore_mem>>) {add = true}
      %sub3A = arith.constant 1 : i32
      %sub3A_131 = arith.subi %select_n3A_10, %sub3A : i32
      %lt3A = arith.cmpi slt, %while3A_81, %sub3A_131 : i32
      %convert_element_type3A_132 = arith.extui %lt3A : i1 to i32
      %cond3A_133 = arith.constant 0 : i32
      %cond3A_134 = arith.cmpi ne, %convert_element_type3A_132, %cond3A_133 : i32
      scf.if %cond3A_134 {
        %add3A_169 = arith.constant 2 : i32
        %add3A_170 = arith.addi %mul3A_83, %add3A_169 : i32
        %add3A_171 = arith.addi %select_n3A, %add3A_170 : i32
        %mul3A_172 = arith.constant 4096 : i32
        %mul3A_173 = arith.muli %add3A_171, %mul3A_172 : i32
        %dma_start3A_174 = tpu.memref_slice %arg4[%mul3A_173] : memref<10485760xf32, #tpu.memory_space<hbm>> -> memref<4096xf32, #tpu.memory_space<hbm>>
        %dma_start3A_175 = tpu.memref_slice %arg4[%mul3A_173] : memref<10485760xf32, #tpu.memory_space<hbm>> -> memref<4096xf32, #tpu.memory_space<hbm>>
        tpu.enqueue_dma source(%dma_start3A_175 : memref<4096xf32, #tpu.memory_space<hbm>>) target(%arg14 : memref<4096xf32, #tpu.memory_space<vmem>>) target_semaphore(%arg24 : memref<!tpu.dma_semaphore, #tpu.memory_space<semaphore_mem>>)
        %dma_start3A_176 = arith.constant 0 : i32
        %dma_start3A_177 = tpu.memref_slice %arg9[%add3A_170, %dma_start3A_176] : memref<104x128xi32, #tpu.memory_space<vmem>> -> memref<1x128xi32, #tpu.memory_space<vmem>>
        %dma_start3A_178 = tpu.memref_squeeze %dma_start3A_177 : memref<1x128xi32, #tpu.memory_space<vmem>> -> memref<128xi32, #tpu.memory_space<vmem>>
        %dma_start3A_179 = arith.constant 0 : i32
        %dma_start3A_180 = arith.constant 0 : i32
        %dma_start3A_181 = tpu.memref_slice %arg2[%dma_start3A_179, %dma_start3A_180] : memref<10240x32xf32, #tpu.memory_space<hbm>> -> memref<10240x32xf32, #tpu.memory_space<hbm>>
        tpu.enqueue_indirect_dma source(%dma_start3A_181 : memref<10240x32xf32, #tpu.memory_space<hbm>>) target(%arg10 : memref<128x32xf32, #tpu.memory_space<vmem>>) offsets(%dma_start3A_178 : memref<128xi32, #tpu.memory_space<vmem>>) semaphore(%arg20 : memref<!tpu.dma_semaphore, #tpu.memory_space<semaphore_mem>>)
        %dma_start3A_182 = arith.constant 0 : i32
        %dma_start3A_183 = tpu.memref_slice %arg8[%add3A_170, %dma_start3A_182] : memref<104x128xi32, #tpu.memory_space<vmem>> -> memref<1x128xi32, #tpu.memory_space<vmem>>
        %dma_start3A_184 = tpu.memref_squeeze %dma_start3A_183 : memref<1x128xi32, #tpu.memory_space<vmem>> -> memref<128xi32, #tpu.memory_space<vmem>>
        %dma_start3A_185 = arith.constant 0 : i32
        %dma_start3A_186 = arith.constant 0 : i32
        %dma_start3A_187 = tpu.memref_slice %arg3[%dma_start3A_185, %dma_start3A_186] : memref<10240x32xf32, #tpu.memory_space<hbm>> -> memref<10240x32xf32, #tpu.memory_space<hbm>>
        tpu.enqueue_indirect_dma source(%dma_start3A_187 : memref<10240x32xf32, #tpu.memory_space<hbm>>) target(%arg12 : memref<128x32xf32, #tpu.memory_space<vmem>>) offsets(%dma_start3A_184 : memref<128xi32, #tpu.memory_space<vmem>>) semaphore(%arg22 : memref<!tpu.dma_semaphore, #tpu.memory_space<semaphore_mem>>)
      } else {
      }
      %dma_wait3A_135 = arith.constant 0 : i32
      %dma_wait3A_136 = tpu.memref_slice %arg4[%dma_wait3A_135] : memref<10485760xf32, #tpu.memory_space<hbm>> -> memref<4096xf32, #tpu.memory_space<hbm>>
      %dma_wait3A_137 = arith.constant 0 : i32
      %dma_wait3A_138 = tpu.memref_slice %arg4[%dma_wait3A_137] : memref<10485760xf32, #tpu.memory_space<hbm>> -> memref<4096xf32, #tpu.memory_space<hbm>>
      tpu.wait_dma2 semaphore(%arg25 : memref<!tpu.dma_semaphore, #tpu.memory_space<semaphore_mem>>) src(%dma_wait3A_138 : memref<4096xf32, #tpu.memory_space<hbm>>) dst(%arg15 : memref<4096xf32, #tpu.memory_space<vmem>>)
      %dma_wait3A_139 = arith.constant 0 : i32
      %dma_wait3A_140 = arith.constant 0 : i32
      %dma_wait3A_141 = tpu.memref_slice %arg9[%dma_wait3A_139, %dma_wait3A_140] : memref<104x128xi32, #tpu.memory_space<vmem>> -> memref<1x128xi32, #tpu.memory_space<vmem>>
      %dma_wait3A_142 = tpu.memref_squeeze %dma_wait3A_141 : memref<1x128xi32, #tpu.memory_space<vmem>> -> memref<128xi32, #tpu.memory_space<vmem>>
      %dma_wait3A_143 = arith.constant 0 : i32
      %dma_wait3A_144 = arith.constant 0 : i32
      %dma_wait3A_145 = tpu.memref_slice %arg2[%dma_wait3A_143, %dma_wait3A_144] : memref<10240x32xf32, #tpu.memory_space<hbm>> -> memref<10240x32xf32, #tpu.memory_space<hbm>>
      tpu.wait_indirect_dma semaphore(%arg21 : memref<!tpu.dma_semaphore, #tpu.memory_space<semaphore_mem>>) src(%dma_wait3A_145 : memref<10240x32xf32, #tpu.memory_space<hbm>>) dst(%arg11 : memref<128x32xf32, #tpu.memory_space<vmem>>)
      %dma_wait3A_146 = arith.constant 0 : i32
      %dma_wait3A_147 = arith.constant 0 : i32
      %dma_wait3A_148 = tpu.memref_slice %arg8[%dma_wait3A_146, %dma_wait3A_147] : memref<104x128xi32, #tpu.memory_space<vmem>> -> memref<1x128xi32, #tpu.memory_space<vmem>>
      %dma_wait3A_149 = tpu.memref_squeeze %dma_wait3A_148 : memref<1x128xi32, #tpu.memory_space<vmem>> -> memref<128xi32, #tpu.memory_space<vmem>>
      %dma_wait3A_150 = arith.constant 0 : i32
      %dma_wait3A_151 = arith.constant 0 : i32
      %dma_wait3A_152 = tpu.memref_slice %arg3[%dma_wait3A_150, %dma_wait3A_151] : memref<10240x32xf32, #tpu.memory_space<hbm>> -> memref<10240x32xf32, #tpu.memory_space<hbm>>
      tpu.wait_indirect_dma semaphore(%arg23 : memref<!tpu.dma_semaphore, #tpu.memory_space<semaphore_mem>>) src(%dma_wait3A_152 : memref<10240x32xf32, #tpu.memory_space<hbm>>) dst(%arg13 : memref<128x32xf32, #tpu.memory_space<vmem>>)
      %gt3A_153 = arith.constant 0 : i32
      %gt3A_154 = arith.cmpi sgt, %while3A_81, %gt3A_153 : i32
      %convert_element_type3A_155 = arith.extui %gt3A_154 : i1 to i32
      %cond3A_156 = arith.constant 0 : i32
      %cond3A_157 = arith.cmpi ne, %convert_element_type3A_155, %cond3A_156 : i32
      scf.if %cond3A_157 {
        %dma_wait3A_169 = arith.constant 0 : i32
        %dma_wait3A_170 = arith.constant 0 : i32
        %dma_wait3A_171 = tpu.memref_slice %arg9[%dma_wait3A_169, %dma_wait3A_170] : memref<104x128xi32, #tpu.memory_space<vmem>> -> memref<1x128xi32, #tpu.memory_space<vmem>>
        %dma_wait3A_172 = tpu.memref_squeeze %dma_wait3A_171 : memref<1x128xi32, #tpu.memory_space<vmem>> -> memref<128xi32, #tpu.memory_space<vmem>>
        %dma_wait3A_173 = arith.constant 0 : i32
        %dma_wait3A_174 = arith.constant 0 : i32
        %dma_wait3A_175 = tpu.memref_slice %arg19[%dma_wait3A_173, %dma_wait3A_174] : memref<10240x48xf32, #tpu.memory_space<vmem_shared>> -> memref<10240x48xf32, #tpu.memory_space<vmem_shared>>
        tpu.wait_indirect_dma semaphore(%arg27 : memref<!tpu.dma_semaphore, #tpu.memory_space<semaphore_mem>>) src(%arg17 : memref<128x48xf32, #tpu.memory_space<vmem>>) dst(%dma_wait3A_175 : memref<10240x48xf32, #tpu.memory_space<vmem_shared>>)
      } else {
      }
      %parallel_loop3A_158 = arith.constant 0 : i32
      %parallel_loop3A_159 = arith.constant 128 : i32
      %parallel_loop3A_160 = arith.constant 1 : i32
      scf.for %parallel_loop3A_169 = %parallel_loop3A_158 to %parallel_loop3A_159 step %parallel_loop3A_160  : i32 {
        %parallel_loop3A_170 = arith.index_cast %parallel_loop3A_169 : i32 to index
        %parallel_loop3A_171 = arith.constant 0 : index
        %parallel_loop3A_172 = tpu.vector_load %arg11[%parallel_loop3A_170, %parallel_loop3A_171] {strides = array<i32>} : memref<128x32xf32, #tpu.memory_space<vmem>>, vector<1x16xf32>,
        %parallel_loop3A_173 = vector.shape_cast %parallel_loop3A_172 : vector<1x16xf32> to vector<16xf32>
        %parallel_loop3A_174 = arith.index_cast %parallel_loop3A_169 : i32 to index
        %parallel_loop3A_175 = arith.constant 0 : index
        %parallel_loop3A_176 = tpu.vector_load %arg13[%parallel_loop3A_174, %parallel_loop3A_175] {strides = array<i32>} : memref<128x32xf32, #tpu.memory_space<vmem>>, vector<1x16xf32>,
        %parallel_loop3A_177 = vector.shape_cast %parallel_loop3A_176 : vector<1x16xf32> to vector<16xf32>
        %parallel_loop3A_178 = arith.addf %parallel_loop3A_173, %parallel_loop3A_177 : vector<16xf32>
        %parallel_loop3A_179 = arith.constant 32 : i32
        %parallel_loop3A_180 = arith.muli %parallel_loop3A_179, %parallel_loop3A_169 : i32
        %parallel_loop3A_181 = arith.index_cast %parallel_loop3A_180 : i32 to index
        %parallel_loop3A_182 = tpu.vector_load %arg15[%parallel_loop3A_181] {strides = array<i32>} : memref<4096xf32, #tpu.memory_space<vmem>>, vector<16xf32>,
        %parallel_loop3A_183 = vector.shape_cast %parallel_loop3A_182 : vector<16xf32> to vector<16xf32>
        %parallel_loop3A_184 = arith.addf %parallel_loop3A_178, %parallel_loop3A_183 : vector<16xf32>
        %parallel_loop3A_185 = arith.constant 0.000000e+00 : f32
        %parallel_loop3A_186 = vector.broadcast %parallel_loop3A_185 : f32 to vector<16xf32>
        %parallel_loop3A_187 = arith.maximumf %parallel_loop3A_184, %parallel_loop3A_186 : vector<16xf32>
        %parallel_loop3A_188 = arith.index_cast %parallel_loop3A_169 : i32 to index
        %parallel_loop3A_189 = arith.constant 0 : index
        %parallel_loop3A_190 = tpu.vector_load %arg17[%parallel_loop3A_188, %parallel_loop3A_189] {strides = array<i32>} : memref<128x48xf32, #tpu.memory_space<vmem>>, vector<1x16xf32>,
        %parallel_loop3A_191 = vector.shape_cast %parallel_loop3A_190 : vector<1x16xf32> to vector<16xf32>
        %parallel_loop3A_192 = vector.shape_cast %parallel_loop3A_187 : vector<16xf32> to vector<1x16xf32>
        tpu.vector_store %arg17[%parallel_loop3A_188, %parallel_loop3A_189], %parallel_loop3A_192 {strides = array<i32>} : memref<128x48xf32, #tpu.memory_space<vmem>>, vector<1x16xf32>,
        %parallel_loop3A_193 = arith.index_cast %parallel_loop3A_169 : i32 to index
        %parallel_loop3A_194 = arith.constant 16 : index
        %parallel_loop3A_195 = tpu.vector_load %arg11[%parallel_loop3A_193, %parallel_loop3A_194] {strides = array<i32>} : memref<128x32xf32, #tpu.memory_space<vmem>>, vector<1x16xf32>,
        %parallel_loop3A_196 = vector.shape_cast %parallel_loop3A_195 : vector<1x16xf32> to vector<16xf32>
        %parallel_loop3A_197 = arith.index_cast %parallel_loop3A_169 : i32 to index
        %parallel_loop3A_198 = arith.constant 16 : index
        %parallel_loop3A_199 = tpu.vector_load %arg13[%parallel_loop3A_197, %parallel_loop3A_198] {strides = array<i32>} : memref<128x32xf32, #tpu.memory_space<vmem>>, vector<1x16xf32>,
        %parallel_loop3A_200 = vector.shape_cast %parallel_loop3A_199 : vector<1x16xf32> to vector<16xf32>
        %parallel_loop3A_201 = arith.addf %parallel_loop3A_196, %parallel_loop3A_200 : vector<16xf32>
        %parallel_loop3A_202 = arith.constant 32 : i32
        %parallel_loop3A_203 = arith.muli %parallel_loop3A_202, %parallel_loop3A_169 : i32
        %parallel_loop3A_204 = arith.constant 16 : i32
        %parallel_loop3A_205 = arith.addi %parallel_loop3A_203, %parallel_loop3A_204 : i32
        %parallel_loop3A_206 = arith.index_cast %parallel_loop3A_205 : i32 to index
        %parallel_loop3A_207 = tpu.vector_load %arg15[%parallel_loop3A_206] {strides = array<i32>} : memref<4096xf32, #tpu.memory_space<vmem>>, vector<16xf32>,
        %parallel_loop3A_208 = vector.shape_cast %parallel_loop3A_207 : vector<16xf32> to vector<16xf32>
        %parallel_loop3A_209 = arith.addf %parallel_loop3A_201, %parallel_loop3A_208 : vector<16xf32>
        %parallel_loop3A_210 = arith.constant 0.000000e+00 : f32
        %parallel_loop3A_211 = vector.broadcast %parallel_loop3A_210 : f32 to vector<16xf32>
        %parallel_loop3A_212 = arith.maximumf %parallel_loop3A_209, %parallel_loop3A_211 : vector<16xf32>
        %parallel_loop3A_213 = arith.index_cast %parallel_loop3A_169 : i32 to index
        %parallel_loop3A_214 = arith.constant 16 : index
        %parallel_loop3A_215 = tpu.vector_load %arg17[%parallel_loop3A_213, %parallel_loop3A_214] {strides = array<i32>} : memref<128x48xf32, #tpu.memory_space<vmem>>, vector<1x16xf32>,
        %parallel_loop3A_216 = vector.shape_cast %parallel_loop3A_215 : vector<1x16xf32> to vector<16xf32>
        %parallel_loop3A_217 = vector.shape_cast %parallel_loop3A_212 : vector<16xf32> to vector<1x16xf32>
        tpu.vector_store %arg17[%parallel_loop3A_213, %parallel_loop3A_214], %parallel_loop3A_217 {strides = array<i32>} : memref<128x48xf32, #tpu.memory_space<vmem>>, vector<1x16xf32>,
      } {sc.loop_unroll_factor = 4 : i64, sc.parallel_access}
      %add3A_161 = arith.constant 1 : i32
      %add3A_162 = arith.addi %mul3A_83, %add3A_161 : i32
      %dma_start3A_163 = arith.constant 0 : i32
      %dma_start3A_164 = tpu.memref_slice %arg9[%add3A_162, %dma_start3A_163] : memref<104x128xi32, #tpu.memory_space<vmem>> -> memref<1x128xi32, #tpu.memory_space<vmem>>
      %dma_start3A_165 = tpu.memref_squeeze %dma_start3A_164 : memref<1x128xi32, #tpu.memory_space<vmem>> -> memref<128xi32, #tpu.memory_space<vmem>>
      %dma_start3A_166 = arith.constant 0 : i32
      %dma_start3A_167 = arith.constant 0 : i32
      %dma_start3A_168 = tpu.memref_slice %arg19[%dma_start3A_166, %dma_start3A_167] : memref<10240x48xf32, #tpu.memory_space<vmem_shared>> -> memref<10240x48xf32, #tpu.memory_space<vmem_shared>>
      tpu.enqueue_indirect_dma source(%arg17 : memref<128x48xf32, #tpu.memory_space<vmem>>) target(%dma_start3A_168 : memref<10240x48xf32, #tpu.memory_space<vmem_shared>>) offsets(%dma_start3A_165 : memref<128xi32, #tpu.memory_space<vmem>>) semaphore(%arg27 : memref<!tpu.dma_semaphore, #tpu.memory_space<semaphore_mem>>) {add = true}
    }
    %while3A_66 = arith.constant 1 : i32
    scf.for %while3A_81 = %while3A_64 to %while3A_60 step %while3A_66  : i32 {
      %mul3A_82 = arith.constant 2 : i32
      %mul3A_83 = arith.muli %mul3A_82, %while3A_81 : i32
      %add3A_84 = arith.constant 1 : i32
      %add3A_85 = arith.addi %mul3A_83, %add3A_84 : i32
      %add3A_86 = arith.addi %select_n3A, %add3A_85 : i32
      %mul3A_87 = arith.constant 4096 : i32
      %mul3A_88 = arith.muli %add3A_86, %mul3A_87 : i32
      %dma_start3A_89 = tpu.memref_slice %arg4[%mul3A_88] : memref<10485760xf32, #tpu.memory_space<hbm>> -> memref<4096xf32, #tpu.memory_space<hbm>>
      %dma_start3A_90 = tpu.memref_slice %arg4[%mul3A_88] : memref<10485760xf32, #tpu.memory_space<hbm>> -> memref<4096xf32, #tpu.memory_space<hbm>>
      tpu.enqueue_dma source(%dma_start3A_90 : memref<4096xf32, #tpu.memory_space<hbm>>) target(%arg15 : memref<4096xf32, #tpu.memory_space<vmem>>) target_semaphore(%arg25 : memref<!tpu.dma_semaphore, #tpu.memory_space<semaphore_mem>>)
      %dma_start3A_91 = arith.constant 0 : i32
      %dma_start3A_92 = tpu.memref_slice %arg9[%add3A_85, %dma_start3A_91] : memref<104x128xi32, #tpu.memory_space<vmem>> -> memref<1x128xi32, #tpu.memory_space<vmem>>
      %dma_start3A_93 = tpu.memref_squeeze %dma_start3A_92 : memref<1x128xi32, #tpu.memory_space<vmem>> -> memref<128xi32, #tpu.memory_space<vmem>>
      %dma_start3A_94 = arith.constant 0 : i32
      %dma_start3A_95 = arith.constant 0 : i32
      %dma_start3A_96 = tpu.memref_slice %arg2[%dma_start3A_94, %dma_start3A_95] : memref<10240x32xf32, #tpu.memory_space<hbm>> -> memref<10240x32xf32, #tpu.memory_space<hbm>>
      tpu.enqueue_indirect_dma source(%dma_start3A_96 : memref<10240x32xf32, #tpu.memory_space<hbm>>) target(%arg11 : memref<128x32xf32, #tpu.memory_space<vmem>>) offsets(%dma_start3A_93 : memref<128xi32, #tpu.memory_space<vmem>>) semaphore(%arg21 : memref<!tpu.dma_semaphore, #tpu.memory_space<semaphore_mem>>)
      %dma_start3A_97 = arith.constant 0 : i32
      %dma_start3A_98 = tpu.memref_slice %arg8[%add3A_85, %dma_start3A_97] : memref<104x128xi32, #tpu.memory_space<vmem>> -> memref<1x128xi32, #tpu.memory_space<vmem>>
      %dma_start3A_99 = tpu.memref_squeeze %dma_start3A_98 : memref<1x128xi32, #tpu.memory_space<vmem>> -> memref<128xi32, #tpu.memory_space<vmem>>
      %dma_start3A_100 = arith.constant 0 : i32
      %dma_start3A_101 = arith.constant 0 : i32
      %dma_start3A_102 = tpu.memref_slice %arg3[%dma_start3A_100, %dma_start3A_101] : memref<10240x32xf32, #tpu.memory_space<hbm>> -> memref<10240x32xf32, #tpu.memory_space<hbm>>
      tpu.enqueue_indirect_dma source(%dma_start3A_102 : memref<10240x32xf32, #tpu.memory_space<hbm>>) target(%arg13 : memref<128x32xf32, #tpu.memory_space<vmem>>) offsets(%dma_start3A_99 : memref<128xi32, #tpu.memory_space<vmem>>) semaphore(%arg23 : memref<!tpu.dma_semaphore, #tpu.memory_space<semaphore_mem>>)
      %dma_wait3A_103 = arith.constant 0 : i32
      %dma_wait3A_104 = tpu.memref_slice %arg4[%dma_wait3A_103] : memref<10485760xf32, #tpu.memory_space<hbm>> -> memref<4096xf32, #tpu.memory_space<hbm>>
      %dma_wait3A_105 = arith.constant 0 : i32
      %dma_wait3A_106 = tpu.memref_slice %arg4[%dma_wait3A_105] : memref<10485760xf32, #tpu.memory_space<hbm>> -> memref<4096xf32, #tpu.memory_space<hbm>>
      tpu.wait_dma2 semaphore(%arg24 : memref<!tpu.dma_semaphore, #tpu.memory_space<semaphore_mem>>) src(%dma_wait3A_106 : memref<4096xf32, #tpu.memory_space<hbm>>) dst(%arg14 : memref<4096xf32, #tpu.memory_space<vmem>>)
      %dma_wait3A_107 = arith.constant 0 : i32
      %dma_wait3A_108 = arith.constant 0 : i32
      %dma_wait3A_109 = tpu.memref_slice %arg9[%dma_wait3A_107, %dma_wait3A_108] : memref<104x128xi32, #tpu.memory_space<vmem>> -> memref<1x128xi32, #tpu.memory_space<vmem>>
      %dma_wait3A_110 = tpu.memref_squeeze %dma_wait3A_109 : memref<1x128xi32, #tpu.memory_space<vmem>> -> memref<128xi32, #tpu.memory_space<vmem>>
      %dma_wait3A_111 = arith.constant 0 : i32
      %dma_wait3A_112 = arith.constant 0 : i32
      %dma_wait3A_113 = tpu.memref_slice %arg2[%dma_wait3A_111, %dma_wait3A_112] : memref<10240x32xf32, #tpu.memory_space<hbm>> -> memref<10240x32xf32, #tpu.memory_space<hbm>>
      tpu.wait_indirect_dma semaphore(%arg20 : memref<!tpu.dma_semaphore, #tpu.memory_space<semaphore_mem>>) src(%dma_wait3A_113 : memref<10240x32xf32, #tpu.memory_space<hbm>>) dst(%arg10 : memref<128x32xf32, #tpu.memory_space<vmem>>)
      %dma_wait3A_114 = arith.constant 0 : i32
      %dma_wait3A_115 = arith.constant 0 : i32
      %dma_wait3A_116 = tpu.memref_slice %arg8[%dma_wait3A_114, %dma_wait3A_115] : memref<104x128xi32, #tpu.memory_space<vmem>> -> memref<1x128xi32, #tpu.memory_space<vmem>>
      %dma_wait3A_117 = tpu.memref_squeeze %dma_wait3A_116 : memref<1x128xi32, #tpu.memory_space<vmem>> -> memref<128xi32, #tpu.memory_space<vmem>>
      %dma_wait3A_118 = arith.constant 0 : i32
      %dma_wait3A_119 = arith.constant 0 : i32
      %dma_wait3A_120 = tpu.memref_slice %arg3[%dma_wait3A_118, %dma_wait3A_119] : memref<10240x32xf32, #tpu.memory_space<hbm>> -> memref<10240x32xf32, #tpu.memory_space<hbm>>
      tpu.wait_indirect_dma semaphore(%arg22 : memref<!tpu.dma_semaphore, #tpu.memory_space<semaphore_mem>>) src(%dma_wait3A_120 : memref<10240x32xf32, #tpu.memory_space<hbm>>) dst(%arg12 : memref<128x32xf32, #tpu.memory_space<vmem>>)
      %gt3A = arith.constant 0 : i32
      %gt3A_121 = arith.cmpi sgt, %while3A_81, %gt3A : i32
      %convert_element_type3A = arith.extui %gt3A_121 : i1 to i32
      %cond3A = arith.constant 0 : i32
      %cond3A_122 = arith.cmpi ne, %convert_element_type3A, %cond3A : i32
      scf.if %cond3A_122 {
        %dma_wait3A_169 = arith.constant 0 : i32
        %dma_wait3A_170 = arith.constant 0 : i32
        %dma_wait3A_171 = tpu.memref_slice %arg9[%dma_wait3A_169, %dma_wait3A_170] : memref<104x128xi32, #tpu.memory_space<vmem>> -> memref<1x128xi32, #tpu.memory_space<vmem>>
        %dma_wait3A_172 = tpu.memref_squeeze %dma_wait3A_171 : memref<1x128xi32, #tpu.memory_space<vmem>> -> memref<128xi32, #tpu.memory_space<vmem>>
        %dma_wait3A_173 = arith.constant 0 : i32
        %dma_wait3A_174 = arith.constant 0 : i32
        %dma_wait3A_175 = tpu.memref_slice %arg19[%dma_wait3A_173, %dma_wait3A_174] : memref<10240x48xf32, #tpu.memory_space<vmem_shared>> -> memref<10240x48xf32, #tpu.memory_space<vmem_shared>>
        tpu.wait_indirect_dma semaphore(%arg26 : memref<!tpu.dma_semaphore, #tpu.memory_space<semaphore_mem>>) src(%arg16 : memref<128x48xf32, #tpu.memory_space<vmem>>) dst(%dma_wait3A_175 : memref<10240x48xf32, #tpu.memory_space<vmem_shared>>)
      } else {
      }
      %parallel_loop3A = arith.constant 0 : i32
      %parallel_loop3A_123 = arith.constant 128 : i32
      %parallel_loop3A_124 = arith.constant 1 : i32
      scf.for %parallel_loop3A_169 = %parallel_loop3A to %parallel_loop3A_123 step %parallel_loop3A_124  : i32 {
        %parallel_loop3A_170 = arith.index_cast %parallel_loop3A_169 : i32 to index
        %parallel_loop3A_171 = arith.constant 0 : index
        %parallel_loop3A_172 = tpu.vector_load %arg10[%parallel_loop3A_170, %parallel_loop3A_171] {strides = array<i32>} : memref<128x32xf32, #tpu.memory_space<vmem>>, vector<1x16xf32>,
        %parallel_loop3A_173 = vector.shape_cast %parallel_loop3A_172 : vector<1x16xf32> to vector<16xf32>
        %parallel_loop3A_174 = arith.index_cast %parallel_loop3A_169 : i32 to index
        %parallel_loop3A_175 = arith.constant 0 : index
        %parallel_loop3A_176 = tpu.vector_load %arg12[%parallel_loop3A_174, %parallel_loop3A_175] {strides = array<i32>} : memref<128x32xf32, #tpu.memory_space<vmem>>, vector<1x16xf32>,
        %parallel_loop3A_177 = vector.shape_cast %parallel_loop3A_176 : vector<1x16xf32> to vector<16xf32>
        %parallel_loop3A_178 = arith.addf %parallel_loop3A_173, %parallel_loop3A_177 : vector<16xf32>
        %parallel_loop3A_179 = arith.constant 32 : i32
        %parallel_loop3A_180 = arith.muli %parallel_loop3A_179, %parallel_loop3A_169 : i32
        %parallel_loop3A_181 = arith.index_cast %parallel_loop3A_180 : i32 to index
        %parallel_loop3A_182 = tpu.vector_load %arg14[%parallel_loop3A_181] {strides = array<i32>} : memref<4096xf32, #tpu.memory_space<vmem>>, vector<16xf32>,
        %parallel_loop3A_183 = vector.shape_cast %parallel_loop3A_182 : vector<16xf32> to vector<16xf32>
        %parallel_loop3A_184 = arith.addf %parallel_loop3A_178, %parallel_loop3A_183 : vector<16xf32>
        %parallel_loop3A_185 = arith.constant 0.000000e+00 : f32
        %parallel_loop3A_186 = vector.broadcast %parallel_loop3A_185 : f32 to vector<16xf32>
        %parallel_loop3A_187 = arith.maximumf %parallel_loop3A_184, %parallel_loop3A_186 : vector<16xf32>
        %parallel_loop3A_188 = arith.index_cast %parallel_loop3A_169 : i32 to index
        %parallel_loop3A_189 = arith.constant 0 : index
        %parallel_loop3A_190 = tpu.vector_load %arg16[%parallel_loop3A_188, %parallel_loop3A_189] {strides = array<i32>} : memref<128x48xf32, #tpu.memory_space<vmem>>, vector<1x16xf32>,
        %parallel_loop3A_191 = vector.shape_cast %parallel_loop3A_190 : vector<1x16xf32> to vector<16xf32>
        %parallel_loop3A_192 = vector.shape_cast %parallel_loop3A_187 : vector<16xf32> to vector<1x16xf32>
        tpu.vector_store %arg16[%parallel_loop3A_188, %parallel_loop3A_189], %parallel_loop3A_192 {strides = array<i32>} : memref<128x48xf32, #tpu.memory_space<vmem>>, vector<1x16xf32>,
        %parallel_loop3A_193 = arith.index_cast %parallel_loop3A_169 : i32 to index
        %parallel_loop3A_194 = arith.constant 16 : index
        %parallel_loop3A_195 = tpu.vector_load %arg10[%parallel_loop3A_193, %parallel_loop3A_194] {strides = array<i32>} : memref<128x32xf32, #tpu.memory_space<vmem>>, vector<1x16xf32>,
        %parallel_loop3A_196 = vector.shape_cast %parallel_loop3A_195 : vector<1x16xf32> to vector<16xf32>
        %parallel_loop3A_197 = arith.index_cast %parallel_loop3A_169 : i32 to index
        %parallel_loop3A_198 = arith.constant 16 : index
        %parallel_loop3A_199 = tpu.vector_load %arg12[%parallel_loop3A_197, %parallel_loop3A_198] {strides = array<i32>} : memref<128x32xf32, #tpu.memory_space<vmem>>, vector<1x16xf32>,
        %parallel_loop3A_200 = vector.shape_cast %parallel_loop3A_199 : vector<1x16xf32> to vector<16xf32>
        %parallel_loop3A_201 = arith.addf %parallel_loop3A_196, %parallel_loop3A_200 : vector<16xf32>
        %parallel_loop3A_202 = arith.constant 32 : i32
        %parallel_loop3A_203 = arith.muli %parallel_loop3A_202, %parallel_loop3A_169 : i32
        %parallel_loop3A_204 = arith.constant 16 : i32
        %parallel_loop3A_205 = arith.addi %parallel_loop3A_203, %parallel_loop3A_204 : i32
        %parallel_loop3A_206 = arith.index_cast %parallel_loop3A_205 : i32 to index
        %parallel_loop3A_207 = tpu.vector_load %arg14[%parallel_loop3A_206] {strides = array<i32>} : memref<4096xf32, #tpu.memory_space<vmem>>, vector<16xf32>,
        %parallel_loop3A_208 = vector.shape_cast %parallel_loop3A_207 : vector<16xf32> to vector<16xf32>
        %parallel_loop3A_209 = arith.addf %parallel_loop3A_201, %parallel_loop3A_208 : vector<16xf32>
        %parallel_loop3A_210 = arith.constant 0.000000e+00 : f32
        %parallel_loop3A_211 = vector.broadcast %parallel_loop3A_210 : f32 to vector<16xf32>
        %parallel_loop3A_212 = arith.maximumf %parallel_loop3A_209, %parallel_loop3A_211 : vector<16xf32>
        %parallel_loop3A_213 = arith.index_cast %parallel_loop3A_169 : i32 to index
        %parallel_loop3A_214 = arith.constant 16 : index
        %parallel_loop3A_215 = tpu.vector_load %arg16[%parallel_loop3A_213, %parallel_loop3A_214] {strides = array<i32>} : memref<128x48xf32, #tpu.memory_space<vmem>>, vector<1x16xf32>,
        %parallel_loop3A_216 = vector.shape_cast %parallel_loop3A_215 : vector<1x16xf32> to vector<16xf32>
        %parallel_loop3A_217 = vector.shape_cast %parallel_loop3A_212 : vector<16xf32> to vector<1x16xf32>
        tpu.vector_store %arg16[%parallel_loop3A_213, %parallel_loop3A_214], %parallel_loop3A_217 {strides = array<i32>} : memref<128x48xf32, #tpu.memory_space<vmem>>, vector<1x16xf32>,
      } {sc.loop_unroll_factor = 4 : i64, sc.parallel_access}
      %dma_start3A_125 = arith.constant 0 : i32
      %dma_start3A_126 = tpu.memref_slice %arg9[%mul3A_83, %dma_start3A_125] : memref<104x128xi32, #tpu.memory_space<vmem>> -> memref<1x128xi32, #tpu.memory_space<vmem>>
      %dma_start3A_127 = tpu.memref_squeeze %dma_start3A_126 : memref<1x128xi32, #tpu.memory_space<vmem>> -> memref<128xi32, #tpu.memory_space<vmem>>
      %dma_start3A_128 = arith.constant 0 : i32
      %dma_start3A_129 = arith.constant 0 : i32
      %dma_start3A_130 = tpu.memref_slice %arg19[%dma_start3A_128, %dma_start3A_129] : memref<10240x48xf32, #tpu.memory_space<vmem_shared>> -> memref<10240x48xf32, #tpu.memory_space<vmem_shared>>
      tpu.enqueue_indirect_dma source(%arg16 : memref<128x48xf32, #tpu.memory_space<vmem>>) target(%dma_start3A_130 : memref<10240x48xf32, #tpu.memory_space<vmem_shared>>) offsets(%dma_start3A_127 : memref<128xi32, #tpu.memory_space<vmem>>) semaphore(%arg26 : memref<!tpu.dma_semaphore, #tpu.memory_space<semaphore_mem>>) {add = true}
      %sub3A = arith.constant 1 : i32
      %sub3A_131 = arith.subi %select_n3A_10, %sub3A : i32
      %lt3A = arith.cmpi slt, %while3A_81, %sub3A_131 : i32
      %convert_element_type3A_132 = arith.extui %lt3A : i1 to i32
      %cond3A_133 = arith.constant 0 : i32
      %cond3A_134 = arith.cmpi ne, %convert_element_type3A_132, %cond3A_133 : i32
      scf.if %cond3A_134 {
        %add3A_169 = arith.constant 2 : i32
        %add3A_170 = arith.addi %mul3A_83, %add3A_169 : i32
        %add3A_171 = arith.addi %select_n3A, %add3A_170 : i32
        %mul3A_172 = arith.constant 4096 : i32
        %mul3A_173 = arith.muli %add3A_171, %mul3A_172 : i32
        %dma_start3A_174 = tpu.memref_slice %arg4[%mul3A_173] : memref<10485760xf32, #tpu.memory_space<hbm>> -> memref<4096xf32, #tpu.memory_space<hbm>>
        %dma_start3A_175 = tpu.memref_slice %arg4[%mul3A_173] : memref<10485760xf32, #tpu.memory_space<hbm>> -> memref<4096xf32, #tpu.memory_space<hbm>>
        tpu.enqueue_dma source(%dma_start3A_175 : memref<4096xf32, #tpu.memory_space<hbm>>) target(%arg14 : memref<4096xf32, #tpu.memory_space<vmem>>) target_semaphore(%arg24 : memref<!tpu.dma_semaphore, #tpu.memory_space<semaphore_mem>>)
        %dma_start3A_176 = arith.constant 0 : i32
        %dma_start3A_177 = tpu.memref_slice %arg9[%add3A_170, %dma_start3A_176] : memref<104x128xi32, #tpu.memory_space<vmem>> -> memref<1x128xi32, #tpu.memory_space<vmem>>
        %dma_start3A_178 = tpu.memref_squeeze %dma_start3A_177 : memref<1x128xi32, #tpu.memory_space<vmem>> -> memref<128xi32, #tpu.memory_space<vmem>>
        %dma_start3A_179 = arith.constant 0 : i32
        %dma_start3A_180 = arith.constant 0 : i32
        %dma_start3A_181 = tpu.memref_slice %arg2[%dma_start3A_179, %dma_start3A_180] : memref<10240x32xf32, #tpu.memory_space<hbm>> -> memref<10240x32xf32, #tpu.memory_space<hbm>>
        tpu.enqueue_indirect_dma source(%dma_start3A_181 : memref<10240x32xf32, #tpu.memory_space<hbm>>) target(%arg10 : memref<128x32xf32, #tpu.memory_space<vmem>>) offsets(%dma_start3A_178 : memref<128xi32, #tpu.memory_space<vmem>>) semaphore(%arg20 : memref<!tpu.dma_semaphore, #tpu.memory_space<semaphore_mem>>)
        %dma_start3A_182 = arith.constant 0 : i32
        %dma_start3A_183 = tpu.memref_slice %arg8[%add3A_170, %dma_start3A_182] : memref<104x128xi32, #tpu.memory_space<vmem>> -> memref<1x128xi32, #tpu.memory_space<vmem>>
        %dma_start3A_184 = tpu.memref_squeeze %dma_start3A_183 : memref<1x128xi32, #tpu.memory_space<vmem>> -> memref<128xi32, #tpu.memory_space<vmem>>
        %dma_start3A_185 = arith.constant 0 : i32
        %dma_start3A_186 = arith.constant 0 : i32
        %dma_start3A_187 = tpu.memref_slice %arg3[%dma_start3A_185, %dma_start3A_186] : memref<10240x32xf32, #tpu.memory_space<hbm>> -> memref<10240x32xf32, #tpu.memory_space<hbm>>
        tpu.enqueue_indirect_dma source(%dma_start3A_187 : memref<10240x32xf32, #tpu.memory_space<hbm>>) target(%arg12 : memref<128x32xf32, #tpu.memory_space<vmem>>) offsets(%dma_start3A_184 : memref<128xi32, #tpu.memory_space<vmem>>) semaphore(%arg22 : memref<!tpu.dma_semaphore, #tpu.memory_space<semaphore_mem>>)
      } else {
      }
      %dma_wait3A_135 = arith.constant 0 : i32
      %dma_wait3A_136 = tpu.memref_slice %arg4[%dma_wait3A_135] : memref<10485760xf32, #tpu.memory_space<hbm>> -> memref<4096xf32, #tpu.memory_space<hbm>>
      %dma_wait3A_137 = arith.constant 0 : i32
      %dma_wait3A_138 = tpu.memref_slice %arg4[%dma_wait3A_137] : memref<10485760xf32, #tpu.memory_space<hbm>> -> memref<4096xf32, #tpu.memory_space<hbm>>
      tpu.wait_dma2 semaphore(%arg25 : memref<!tpu.dma_semaphore, #tpu.memory_space<semaphore_mem>>) src(%dma_wait3A_138 : memref<4096xf32, #tpu.memory_space<hbm>>) dst(%arg15 : memref<4096xf32, #tpu.memory_space<vmem>>)
      %dma_wait3A_139 = arith.constant 0 : i32
      %dma_wait3A_140 = arith.constant 0 : i32
      %dma_wait3A_141 = tpu.memref_slice %arg9[%dma_wait3A_139, %dma_wait3A_140] : memref<104x128xi32, #tpu.memory_space<vmem>> -> memref<1x128xi32, #tpu.memory_space<vmem>>
      %dma_wait3A_142 = tpu.memref_squeeze %dma_wait3A_141 : memref<1x128xi32, #tpu.memory_space<vmem>> -> memref<128xi32, #tpu.memory_space<vmem>>
      %dma_wait3A_143 = arith.constant 0 : i32
      %dma_wait3A_144 = arith.constant 0 : i32
      %dma_wait3A_145 = tpu.memref_slice %arg2[%dma_wait3A_143, %dma_wait3A_144] : memref<10240x32xf32, #tpu.memory_space<hbm>> -> memref<10240x32xf32, #tpu.memory_space<hbm>>
      tpu.wait_indirect_dma semaphore(%arg21 : memref<!tpu.dma_semaphore, #tpu.memory_space<semaphore_mem>>) src(%dma_wait3A_145 : memref<10240x32xf32, #tpu.memory_space<hbm>>) dst(%arg11 : memref<128x32xf32, #tpu.memory_space<vmem>>)
      %dma_wait3A_146 = arith.constant 0 : i32
      %dma_wait3A_147 = arith.constant 0 : i32
      %dma_wait3A_148 = tpu.memref_slice %arg8[%dma_wait3A_146, %dma_wait3A_147] : memref<104x128xi32, #tpu.memory_space<vmem>> -> memref<1x128xi32, #tpu.memory_space<vmem>>
      %dma_wait3A_149 = tpu.memref_squeeze %dma_wait3A_148 : memref<1x128xi32, #tpu.memory_space<vmem>> -> memref<128xi32, #tpu.memory_space<vmem>>
      %dma_wait3A_150 = arith.constant 0 : i32
      %dma_wait3A_151 = arith.constant 0 : i32
      %dma_wait3A_152 = tpu.memref_slice %arg3[%dma_wait3A_150, %dma_wait3A_151] : memref<10240x32xf32, #tpu.memory_space<hbm>> -> memref<10240x32xf32, #tpu.memory_space<hbm>>
      tpu.wait_indirect_dma semaphore(%arg23 : memref<!tpu.dma_semaphore, #tpu.memory_space<semaphore_mem>>) src(%dma_wait3A_152 : memref<10240x32xf32, #tpu.memory_space<hbm>>) dst(%arg13 : memref<128x32xf32, #tpu.memory_space<vmem>>)
      %gt3A_153 = arith.constant 0 : i32
      %gt3A_154 = arith.cmpi sgt, %while3A_81, %gt3A_153 : i32
      %convert_element_type3A_155 = arith.extui %gt3A_154 : i1 to i32
      %cond3A_156 = arith.constant 0 : i32
      %cond3A_157 = arith.cmpi ne, %convert_element_type3A_155, %cond3A_156 : i32
      scf.if %cond3A_157 {
        %dma_wait3A_169 = arith.constant 0 : i32
        %dma_wait3A_170 = arith.constant 0 : i32
        %dma_wait3A_171 = tpu.memref_slice %arg9[%dma_wait3A_169, %dma_wait3A_170] : memref<104x128xi32, #tpu.memory_space<vmem>> -> memref<1x128xi32, #tpu.memory_space<vmem>>
        %dma_wait3A_172 = tpu.memref_squeeze %dma_wait3A_171 : memref<1x128xi32, #tpu.memory_space<vmem>> -> memref<128xi32, #tpu.memory_space<vmem>>
        %dma_wait3A_173 = arith.constant 0 : i32
        %dma_wait3A_174 = arith.constant 0 : i32
        %dma_wait3A_175 = tpu.memref_slice %arg19[%dma_wait3A_173, %dma_wait3A_174] : memref<10240x48xf32, #tpu.memory_space<vmem_shared>> -> memref<10240x48xf32, #tpu.memory_space<vmem_shared>>
        tpu.wait_indirect_dma semaphore(%arg27 : memref<!tpu.dma_semaphore, #tpu.memory_space<semaphore_mem>>) src(%arg17 : memref<128x48xf32, #tpu.memory_space<vmem>>) dst(%dma_wait3A_175 : memref<10240x48xf32, #tpu.memory_space<vmem_shared>>)
      } else {
      }
      %parallel_loop3A_158 = arith.constant 0 : i32
      %parallel_loop3A_159 = arith.constant 128 : i32
      %parallel_loop3A_160 = arith.constant 1 : i32
      scf.for %parallel_loop3A_169 = %parallel_loop3A_158 to %parallel_loop3A_159 step %parallel_loop3A_160  : i32 {
        %parallel_loop3A_170 = arith.index_cast %parallel_loop3A_169 : i32 to index
        %parallel_loop3A_171 = arith.constant 0 : index
        %parallel_loop3A_172 = tpu.vector_load %arg11[%parallel_loop3A_170, %parallel_loop3A_171] {strides = array<i32>} : memref<128x32xf32, #tpu.memory_space<vmem>>, vector<1x16xf32>,
        %parallel_loop3A_173 = vector.shape_cast %parallel_loop3A_172 : vector<1x16xf32> to vector<16xf32>
        %parallel_loop3A_174 = arith.index_cast %parallel_loop3A_169 : i32 to index
        %parallel_loop3A_175 = arith.constant 0 : index
        %parallel_loop3A_176 = tpu.vector_load %arg13[%parallel_loop3A_174, %parallel_loop3A_175] {strides = array<i32>} : memref<128x32xf32, #tpu.memory_space<vmem>>, vector<1x16xf32>,
        %parallel_loop3A_177 = vector.shape_cast %parallel_loop3A_176 : vector<1x16xf32> to vector<16xf32>
        %parallel_loop3A_178 = arith.addf %parallel_loop3A_173, %parallel_loop3A_177 : vector<16xf32>
        %parallel_loop3A_179 = arith.constant 32 : i32
        %parallel_loop3A_180 = arith.muli %parallel_loop3A_179, %parallel_loop3A_169 : i32
        %parallel_loop3A_181 = arith.index_cast %parallel_loop3A_180 : i32 to index
        %parallel_loop3A_182 = tpu.vector_load %arg15[%parallel_loop3A_181] {strides = array<i32>} : memref<4096xf32, #tpu.memory_space<vmem>>, vector<16xf32>,
        %parallel_loop3A_183 = vector.shape_cast %parallel_loop3A_182 : vector<16xf32> to vector<16xf32>
        %parallel_loop3A_184 = arith.addf %parallel_loop3A_178, %parallel_loop3A_183 : vector<16xf32>
        %parallel_loop3A_185 = arith.constant 0.000000e+00 : f32
        %parallel_loop3A_186 = vector.broadcast %parallel_loop3A_185 : f32 to vector<16xf32>
        %parallel_loop3A_187 = arith.maximumf %parallel_loop3A_184, %parallel_loop3A_186 : vector<16xf32>
        %parallel_loop3A_188 = arith.index_cast %parallel_loop3A_169 : i32 to index
        %parallel_loop3A_189 = arith.constant 0 : index
        %parallel_loop3A_190 = tpu.vector_load %arg17[%parallel_loop3A_188, %parallel_loop3A_189] {strides = array<i32>} : memref<128x48xf32, #tpu.memory_space<vmem>>, vector<1x16xf32>,
        %parallel_loop3A_191 = vector.shape_cast %parallel_loop3A_190 : vector<1x16xf32> to vector<16xf32>
        %parallel_loop3A_192 = vector.shape_cast %parallel_loop3A_187 : vector<16xf32> to vector<1x16xf32>
        tpu.vector_store %arg17[%parallel_loop3A_188, %parallel_loop3A_189], %parallel_loop3A_192 {strides = array<i32>} : memref<128x48xf32, #tpu.memory_space<vmem>>, vector<1x16xf32>,
        %parallel_loop3A_193 = arith.index_cast %parallel_loop3A_169 : i32 to index
        %parallel_loop3A_194 = arith.constant 16 : index
        %parallel_loop3A_195 = tpu.vector_load %arg11[%parallel_loop3A_193, %parallel_loop3A_194] {strides = array<i32>} : memref<128x32xf32, #tpu.memory_space<vmem>>, vector<1x16xf32>,
        %parallel_loop3A_196 = vector.shape_cast %parallel_loop3A_195 : vector<1x16xf32> to vector<16xf32>
        %parallel_loop3A_197 = arith.index_cast %parallel_loop3A_169 : i32 to index
        %parallel_loop3A_198 = arith.constant 16 : index
        %parallel_loop3A_199 = tpu.vector_load %arg13[%parallel_loop3A_197, %parallel_loop3A_198] {strides = array<i32>} : memref<128x32xf32, #tpu.memory_space<vmem>>, vector<1x16xf32>,
        %parallel_loop3A_200 = vector.shape_cast %parallel_loop3A_199 : vector<1x16xf32> to vector<16xf32>
        %parallel_loop3A_201 = arith.addf %parallel_loop3A_196, %parallel_loop3A_200 : vector<16xf32>
        %parallel_loop3A_202 = arith.constant 32 : i32
        %parallel_loop3A_203 = arith.muli %parallel_loop3A_202, %parallel_loop3A_169 : i32
        %parallel_loop3A_204 = arith.constant 16 : i32
        %parallel_loop3A_205 = arith.addi %parallel_loop3A_203, %parallel_loop3A_204 : i32
        %parallel_loop3A_206 = arith.index_cast %parallel_loop3A_205 : i32 to index
        %parallel_loop3A_207 = tpu.vector_load %arg15[%parallel_loop3A_206] {strides = array<i32>} : memref<4096xf32, #tpu.memory_space<vmem>>, vector<16xf32>,
        %parallel_loop3A_208 = vector.shape_cast %parallel_loop3A_207 : vector<16xf32> to vector<16xf32>
        %parallel_loop3A_209 = arith.addf %parallel_loop3A_201, %parallel_loop3A_208 : vector<16xf32>
        %parallel_loop3A_210 = arith.constant 0.000000e+00 : f32
        %parallel_loop3A_211 = vector.broadcast %parallel_loop3A_210 : f32 to vector<16xf32>
        %parallel_loop3A_212 = arith.maximumf %parallel_loop3A_209, %parallel_loop3A_211 : vector<16xf32>
        %parallel_loop3A_213 = arith.index_cast %parallel_loop3A_169 : i32 to index
        %parallel_loop3A_214 = arith.constant 16 : index
        %parallel_loop3A_215 = tpu.vector_load %arg17[%parallel_loop3A_213, %parallel_loop3A_214] {strides = array<i32>} : memref<128x48xf32, #tpu.memory_space<vmem>>, vector<1x16xf32>,
        %parallel_loop3A_216 = vector.shape_cast %parallel_loop3A_215 : vector<1x16xf32> to vector<16xf32>
        %parallel_loop3A_217 = vector.shape_cast %parallel_loop3A_212 : vector<16xf32> to vector<1x16xf32>
        tpu.vector_store %arg17[%parallel_loop3A_213, %parallel_loop3A_214], %parallel_loop3A_217 {strides = array<i32>} : memref<128x48xf32, #tpu.memory_space<vmem>>, vector<1x16xf32>,
      } {sc.loop_unroll_factor = 4 : i64, sc.parallel_access}
      %add3A_161 = arith.constant 1 : i32
      %add3A_162 = arith.addi %mul3A_83, %add3A_161 : i32
      %dma_start3A_163 = arith.constant 0 : i32
      %dma_start3A_164 = tpu.memref_slice %arg9[%add3A_162, %dma_start3A_163] : memref<104x128xi32, #tpu.memory_space<vmem>> -> memref<1x128xi32, #tpu.memory_space<vmem>>
      %dma_start3A_165 = tpu.memref_squeeze %dma_start3A_164 : memref<1x128xi32, #tpu.memory_space<vmem>> -> memref<128xi32, #tpu.memory_space<vmem>>
      %dma_start3A_166 = arith.constant 0 : i32
      %dma_start3A_167 = arith.constant 0 : i32
      %dma_start3A_168 = tpu.memref_slice %arg19[%dma_start3A_166, %dma_start3A_167] : memref<10240x48xf32, #tpu.memory_space<vmem_shared>> -> memref<10240x48xf32, #tpu.memory_space<vmem_shared>>
      tpu.enqueue_indirect_dma source(%arg17 : memref<128x48xf32, #tpu.memory_space<vmem>>) target(%dma_start3A_168 : memref<10240x48xf32, #tpu.memory_space<vmem_shared>>) offsets(%dma_start3A_165 : memref<128xi32, #tpu.memory_space<vmem>>) semaphore(%arg27 : memref<!tpu.dma_semaphore, #tpu.memory_space<semaphore_mem>>) {add = true}
    }
    %dma_wait3A = arith.constant 0 : i32
    %dma_wait3A_67 = arith.constant 0 : i32
    %dma_wait3A_68 = tpu.memref_slice %arg9[%dma_wait3A, %dma_wait3A_67] : memref<104x128xi32, #tpu.memory_space<vmem>> -> memref<1x128xi32, #tpu.memory_space<vmem>>
    %dma_wait3A_69 = tpu.memref_squeeze %dma_wait3A_68 : memref<1x128xi32, #tpu.memory_space<vmem>> -> memref<128xi32, #tpu.memory_space<vmem>>
    %dma_wait3A_70 = arith.constant 0 : i32
    %dma_wait3A_71 = arith.constant 0 : i32
    %dma_wait3A_72 = tpu.memref_slice %arg19[%dma_wait3A_70, %dma_wait3A_71] : memref<10240x48xf32, #tpu.memory_space<vmem_shared>> -> memref<10240x48xf32, #tpu.memory_space<vmem_shared>>
    tpu.wait_indirect_dma semaphore(%arg26 : memref<!tpu.dma_semaphore, #tpu.memory_space<semaphore_mem>>) src(%arg16 : memref<128x48xf32, #tpu.memory_space<vmem>>) dst(%dma_wait3A_72 : memref<10240x48xf32, #tpu.memory_space<vmem_shared>>)
    %dma_wait3A_73 = arith.constant 0 : i32
    %dma_wait3A_74 = arith.constant 0 : i32
    %dma_wait3A_75 = tpu.memref_slice %arg9[%dma_wait3A_73, %dma_wait3A_74] : memref<104x128xi32, #tpu.memory_space<vmem>> -> memref<1x128xi32, #tpu.memory_space<vmem>>
    %dma_wait3A_76 = tpu.memref_squeeze %dma_wait3A_75 : memref<1x128xi32, #tpu.memory_space<vmem>> -> memref<128xi32, #tpu.memory_space<vmem>>
    %dma_wait3A_77 = arith.constant 0 : i32
    %dma_wait3A_78 = arith.constant 0 : i32
    %dma_wait3A_79 = tpu.memref_slice %arg19[%dma_wait3A_77, %dma_wait3A_78] : memref<10240x48xf32, #tpu.memory_space<vmem_shared>> -> memref<10240x48xf32, #tpu.memory_space<vmem_shared>>
    tpu.wait_indirect_dma semaphore(%arg27 : memref<!tpu.dma_semaphore, #tpu.memory_space<semaphore_mem>>) src(%arg17 : memref<128x48xf32, #tpu.memory_space<vmem>>) dst(%dma_wait3A_79 : memref<10240x48xf32, #tpu.memory_space<vmem_shared>>)
    %barrier3A_80 = arith.constant 0 : index
    tpu.barrier barrier_id(%barrier3A_80)
    "tpu.region"() ({
      %run_scoped3A = tpu.sem_alloc : memref<!tpu.dma_semaphore, #tpu.memory_space<semaphore_mem>>
      %dma_start3A_81 = arith.constant 0 : i32
      %dma_start3A_82 = tpu.memref_slice %arg7[%arg0, %mul3A_0, %dma_start3A_81] : memref<2x10240x48xf32, #tpu.memory_space<hbm>> -> memref<1x640x48xf32, #tpu.memory_space<hbm>>
      %dma_start3A_83 = tpu.memref_squeeze %dma_start3A_82 : memref<1x640x48xf32, #tpu.memory_space<hbm>> -> memref<640x48xf32, #tpu.memory_space<hbm>>
      %dma_start3A_84 = arith.constant 0 : i32
      %dma_start3A_85 = tpu.memref_slice %arg19[%mul3A_0, %dma_start3A_84] : memref<10240x48xf32, #tpu.memory_space<vmem_shared>> -> memref<640x48xf32, #tpu.memory_space<vmem_shared>>
      tpu.enqueue_dma source(%dma_start3A_85 : memref<640x48xf32, #tpu.memory_space<vmem_shared>>) target(%dma_start3A_83 : memref<640x48xf32, #tpu.memory_space<hbm>>) target_semaphore(%run_scoped3A : memref<!tpu.dma_semaphore, #tpu.memory_space<semaphore_mem>>)
      %dma_wait3A_86 = arith.constant 0 : i32
      %dma_wait3A_87 = tpu.memref_slice %arg7[%arg0, %mul3A_0, %dma_wait3A_86] : memref<2x10240x48xf32, #tpu.memory_space<hbm>> -> memref<1x640x48xf32, #tpu.memory_space<hbm>>
      %dma_wait3A_88 = tpu.memref_squeeze %dma_wait3A_87 : memref<1x640x48xf32, #tpu.memory_space<hbm>> -> memref<640x48xf32, #tpu.memory_space<hbm>>
      %dma_wait3A_89 = arith.constant 0 : i32
      %dma_wait3A_90 = tpu.memref_slice %arg19[%mul3A_0, %dma_wait3A_89] : memref<10240x48xf32, #tpu.memory_space<vmem_shared>> -> memref<640x48xf32, #tpu.memory_space<vmem_shared>>
      tpu.wait_dma2 semaphore(%run_scoped3A : memref<!tpu.dma_semaphore, #tpu.memory_space<semaphore_mem>>) src(%dma_wait3A_90 : memref<640x48xf32, #tpu.memory_space<vmem_shared>>) dst(%dma_wait3A_88 : memref<640x48xf32, #tpu.memory_space<hbm>>)
      tpu.yield
    }) : () -> ()
    return
  }
}

module attributes {stable_mosaic.version = 14 : i64} {
  func.func @_edge_body(%arg0: i32, %arg1: memref<512x128xf32, #tpu.memory_space<vmem>>, %arg2: memref<128x256xf32, #tpu.memory_space<vmem>>, %arg3: memref<1x256xf32, #tpu.memory_space<vmem>>, %arg4: memref<256x256xf32, #tpu.memory_space<vmem>>, %arg5: memref<1x256xf32, #tpu.memory_space<vmem>>, %arg6: memref<256x256xf32, #tpu.memory_space<vmem>>, %arg7: memref<1x256xf32, #tpu.memory_space<vmem>>, %arg8: memref<512x256xf32, #tpu.memory_space<vmem>>, %arg9: memref<512x256xf32, #tpu.memory_space<vmem>>) attributes {dimension_semantics = [#tpu.dimension_semantics<arbitrary>], iteration_bounds = array<i64: 80>, scalar_prefetch = 0 : i64, scratch_operands = 0 : i64, tpu.core_type = #tpu.core_type<tc>, window_params = [{transform_indices = @transform_0, window_bounds = array<i64: 512, 128>}, {pipeline_mode = #tpu.pipeline_mode<synchronous>, transform_indices = @transform_1, window_bounds = array<i64: 128, 256>}, {pipeline_mode = #tpu.pipeline_mode<synchronous>, transform_indices = @transform_2, window_bounds = array<i64: 1, 256>}, {pipeline_mode = #tpu.pipeline_mode<synchronous>, transform_indices = @transform_3, window_bounds = array<i64: 256, 256>}, {pipeline_mode = #tpu.pipeline_mode<synchronous>, transform_indices = @transform_4, window_bounds = array<i64: 1, 256>}, {pipeline_mode = #tpu.pipeline_mode<synchronous>, transform_indices = @transform_5, window_bounds = array<i64: 256, 256>}, {pipeline_mode = #tpu.pipeline_mode<synchronous>, transform_indices = @transform_6, window_bounds = array<i64: 1, 256>}, {transform_indices = @transform_7, window_bounds = array<i64: 512, 256>}, {transform_indices = @transform_8, window_bounds = array<i64: 512, 256>}]} {
    %get3A = arith.constant 0 : index
    %get3A_0 = arith.constant 0 : index
    %get3A_1 = vector.load %arg1[%get3A, %get3A_0] : memref<512x128xf32, #tpu.memory_space<vmem>>, vector<512x128xf32>
    %get3A_2 = arith.constant 0 : index
    %get3A_3 = arith.constant 0 : index
    %get3A_4 = vector.load %arg2[%get3A_2, %get3A_3] : memref<128x256xf32, #tpu.memory_space<vmem>>, vector<128x256xf32>
    %dot_general3A = arith.constant dense<0.000000e+00> : vector<512x256xf32>
    %dot_general3A_5 = tpu.matmul %get3A_1, %get3A_4, %dot_general3A {dimension_numbers = #tpu.dot_dimension_numbers<[1], [0], [0], [1], [0, 0, 1, 1], [], []>, transpose_lhs_hint = false} : vector<512x128xf32>, vector<128x256xf32>, vector<512x256xf32> -> vector<512x256xf32>
    %get3A_6 = arith.constant 0 : index
    %get3A_7 = arith.constant 0 : index
    %get3A_8 = vector.load %arg3[%get3A_6, %get3A_7] : memref<1x256xf32, #tpu.memory_space<vmem>>, vector<1x256xf32>
    %add3A = vector.broadcast %get3A_8 : vector<1x256xf32> to vector<512x256xf32>
    %add3A_9 = arith.addf %dot_general3A_5, %add3A : vector<512x256xf32>
    %max3A = arith.constant 0.000000e+00 : f32
    %max3A_10 = vector.broadcast %max3A : f32 to vector<512x256xf32>
    %max3A_11 = arith.maximumf %add3A_9, %max3A_10 : vector<512x256xf32>
    %get3A_12 = arith.constant 0 : index
    %get3A_13 = arith.constant 0 : index
    %get3A_14 = vector.load %arg4[%get3A_12, %get3A_13] : memref<256x256xf32, #tpu.memory_space<vmem>>, vector<256x256xf32>
    %dot_general3A_15 = arith.constant dense<0.000000e+00> : vector<512x256xf32>
    %dot_general3A_16 = tpu.matmul %max3A_11, %get3A_14, %dot_general3A_15 {dimension_numbers = #tpu.dot_dimension_numbers<[1], [0], [0], [1], [0, 0, 1, 1], [], []>, transpose_lhs_hint = false} : vector<512x256xf32>, vector<256x256xf32>, vector<512x256xf32> -> vector<512x256xf32>
    %get3A_17 = arith.constant 0 : index
    %get3A_18 = arith.constant 0 : index
    %get3A_19 = vector.load %arg5[%get3A_17, %get3A_18] : memref<1x256xf32, #tpu.memory_space<vmem>>, vector<1x256xf32>
    %add3A_20 = vector.broadcast %get3A_19 : vector<1x256xf32> to vector<512x256xf32>
    %add3A_21 = arith.addf %dot_general3A_16, %add3A_20 : vector<512x256xf32>
    %swap3A = arith.constant 0 : index
    %swap3A_22 = arith.constant 0 : index
    %swap3A_23 = vector.load %arg8[%swap3A, %swap3A_22] : memref<512x256xf32, #tpu.memory_space<vmem>>, vector<512x256xf32>
    tpu.vector_store %arg8[%swap3A, %swap3A_22], %add3A_21 {strides = array<i32>} : memref<512x256xf32, #tpu.memory_space<vmem>>, vector<512x256xf32>,
    %get3A_24 = arith.constant 0 : index
    %get3A_25 = arith.constant 0 : index
    %get3A_26 = vector.load %arg6[%get3A_24, %get3A_25] : memref<256x256xf32, #tpu.memory_space<vmem>>, vector<256x256xf32>
    %dot_general3A_27 = arith.constant dense<0.000000e+00> : vector<512x256xf32>
    %dot_general3A_28 = tpu.matmul %max3A_11, %get3A_26, %dot_general3A_27 {dimension_numbers = #tpu.dot_dimension_numbers<[1], [0], [0], [1], [0, 0, 1, 1], [], []>, transpose_lhs_hint = false} : vector<512x256xf32>, vector<256x256xf32>, vector<512x256xf32> -> vector<512x256xf32>
    %get3A_29 = arith.constant 0 : index
    %get3A_30 = arith.constant 0 : index
    %get3A_31 = vector.load %arg7[%get3A_29, %get3A_30] : memref<1x256xf32, #tpu.memory_space<vmem>>, vector<1x256xf32>
    %add3A_32 = vector.broadcast %get3A_31 : vector<1x256xf32> to vector<512x256xf32>
    %add3A_33 = arith.addf %dot_general3A_28, %add3A_32 : vector<512x256xf32>
    %swap3A_34 = arith.constant 0 : index
    %swap3A_35 = arith.constant 0 : index
    %swap3A_36 = vector.load %arg9[%swap3A_34, %swap3A_35] : memref<512x256xf32, #tpu.memory_space<vmem>>, vector<512x256xf32>
    tpu.vector_store %arg9[%swap3A_34, %swap3A_35], %add3A_33 {strides = array<i32>} : memref<512x256xf32, #tpu.memory_space<vmem>>, vector<512x256xf32>,
    return
  }
  func.func @transform_0(%arg0: i32) -> (i32, i32) {
    %min3A = arith.constant 78 : i32
    %min3A_0 = arith.minsi %arg0, %min3A : i32
    %c0_i32 = arith.constant 0 : i32
    %c0_i32_1 = arith.constant 0 : i32
    return %min3A_0, %c0_i32 : i32, i32
  }
  func.func @transform_1(%arg0: i32) -> (i32, i32) {
    %c0_i32 = arith.constant 0 : i32
    %c0_i32_0 = arith.constant 0 : i32
    %c0_i32_1 = arith.constant 0 : i32
    return %c0_i32, %c0_i32_0 : i32, i32
  }
  func.func @transform_2(%arg0: i32) -> (i32, i32) {
    %c0_i32 = arith.constant 0 : i32
    %c0_i32_0 = arith.constant 0 : i32
    %c0_i32_1 = arith.constant 0 : i32
    return %c0_i32, %c0_i32_0 : i32, i32
  }
  func.func @transform_3(%arg0: i32) -> (i32, i32) {
    %c0_i32 = arith.constant 0 : i32
    %c0_i32_0 = arith.constant 0 : i32
    %c0_i32_1 = arith.constant 0 : i32
    return %c0_i32, %c0_i32_0 : i32, i32
  }
  func.func @transform_4(%arg0: i32) -> (i32, i32) {
    %c0_i32 = arith.constant 0 : i32
    %c0_i32_0 = arith.constant 0 : i32
    %c0_i32_1 = arith.constant 0 : i32
    return %c0_i32, %c0_i32_0 : i32, i32
  }
  func.func @transform_5(%arg0: i32) -> (i32, i32) {
    %c0_i32 = arith.constant 0 : i32
    %c0_i32_0 = arith.constant 0 : i32
    %c0_i32_1 = arith.constant 0 : i32
    return %c0_i32, %c0_i32_0 : i32, i32
  }
  func.func @transform_6(%arg0: i32) -> (i32, i32) {
    %c0_i32 = arith.constant 0 : i32
    %c0_i32_0 = arith.constant 0 : i32
    %c0_i32_1 = arith.constant 0 : i32
    return %c0_i32, %c0_i32_0 : i32, i32
  }
  func.func @transform_7(%arg0: i32) -> (i32, i32) {
    %c0_i32 = arith.constant 0 : i32
    %c0_i32_0 = arith.constant 0 : i32
    return %arg0, %c0_i32 : i32, i32
  }
  func.func @transform_8(%arg0: i32) -> (i32, i32) {
    %c0_i32 = arith.constant 0 : i32
    %c0_i32_0 = arith.constant 0 : i32
    return %arg0, %c0_i32 : i32, i32
  }
}

module attributes {stable_mosaic.version = 14 : i64} {
  func.func @_node_body(%arg0: i32, %arg1: memref<512x128xf32, #tpu.memory_space<vmem>>, %arg2: memref<128x32xf32, #tpu.memory_space<vmem>>, %arg3: memref<1x32xf32, #tpu.memory_space<vmem>>, %arg4: memref<32x32xf32, #tpu.memory_space<vmem>>, %arg5: memref<1x32xf32, #tpu.memory_space<vmem>>, %arg6: memref<32x32xf32, #tpu.memory_space<vmem>>, %arg7: memref<32x32xf32, #tpu.memory_space<vmem>>, %arg8: memref<1x32xf32, #tpu.memory_space<vmem>>, %arg9: memref<512x32xf32, #tpu.memory_space<vmem>>, %arg10: memref<512x32xf32, #tpu.memory_space<vmem>>, %arg11: memref<512x32xf32, #tpu.memory_space<vmem>>) attributes {dimension_semantics = [#tpu.dimension_semantics<arbitrary>], iteration_bounds = array<i64: 20>, scalar_prefetch = 0 : i64, scratch_operands = 0 : i64, tpu.core_type = #tpu.core_type<tc>, window_params = [{transform_indices = @transform_0, window_bounds = array<i64: 512, 128>}, {pipeline_mode = #tpu.pipeline_mode<synchronous>, transform_indices = @transform_1, window_bounds = array<i64: 128, 32>}, {pipeline_mode = #tpu.pipeline_mode<synchronous>, transform_indices = @transform_2, window_bounds = array<i64: 1, 32>}, {pipeline_mode = #tpu.pipeline_mode<synchronous>, transform_indices = @transform_3, window_bounds = array<i64: 32, 32>}, {pipeline_mode = #tpu.pipeline_mode<synchronous>, transform_indices = @transform_4, window_bounds = array<i64: 1, 32>}, {pipeline_mode = #tpu.pipeline_mode<synchronous>, transform_indices = @transform_5, window_bounds = array<i64: 32, 32>}, {pipeline_mode = #tpu.pipeline_mode<synchronous>, transform_indices = @transform_6, window_bounds = array<i64: 32, 32>}, {pipeline_mode = #tpu.pipeline_mode<synchronous>, transform_indices = @transform_7, window_bounds = array<i64: 1, 32>}, {transform_indices = @transform_8, window_bounds = array<i64: 512, 32>}, {transform_indices = @transform_9, window_bounds = array<i64: 512, 32>}, {transform_indices = @transform_10, window_bounds = array<i64: 512, 32>}]} {
    %get3A = arith.constant 0 : index
    %get3A_0 = arith.constant 0 : index
    %get3A_1 = vector.load %arg1[%get3A, %get3A_0] : memref<512x128xf32, #tpu.memory_space<vmem>>, vector<512x128xf32>
    %get3A_2 = arith.constant 0 : index
    %get3A_3 = arith.constant 0 : index
    %get3A_4 = vector.load %arg2[%get3A_2, %get3A_3] : memref<128x32xf32, #tpu.memory_space<vmem>>, vector<128x32xf32>
    %dot_general3A = arith.constant dense<0.000000e+00> : vector<512x32xf32>
    %dot_general3A_5 = tpu.matmul %get3A_1, %get3A_4, %dot_general3A {dimension_numbers = #tpu.dot_dimension_numbers<[1], [0], [0], [1], [0, 0, 1, 1], [], []>, transpose_lhs_hint = false} : vector<512x128xf32>, vector<128x32xf32>, vector<512x32xf32> -> vector<512x32xf32>
    %get3A_6 = arith.constant 0 : index
    %get3A_7 = arith.constant 0 : index
    %get3A_8 = vector.load %arg3[%get3A_6, %get3A_7] : memref<1x32xf32, #tpu.memory_space<vmem>>, vector<1x32xf32>
    %add3A = vector.broadcast %get3A_8 : vector<1x32xf32> to vector<512x32xf32>
    %add3A_9 = arith.addf %dot_general3A_5, %add3A : vector<512x32xf32>
    %max3A = arith.constant 0.000000e+00 : f32
    %max3A_10 = vector.broadcast %max3A : f32 to vector<512x32xf32>
    %max3A_11 = arith.maximumf %add3A_9, %max3A_10 : vector<512x32xf32>
    %get3A_12 = arith.constant 0 : index
    %get3A_13 = arith.constant 0 : index
    %get3A_14 = vector.load %arg4[%get3A_12, %get3A_13] : memref<32x32xf32, #tpu.memory_space<vmem>>, vector<32x32xf32>
    %dot_general3A_15 = arith.constant dense<0.000000e+00> : vector<512x32xf32>
    %dot_general3A_16 = tpu.matmul %max3A_11, %get3A_14, %dot_general3A_15 {dimension_numbers = #tpu.dot_dimension_numbers<[1], [0], [0], [1], [0, 0, 1, 1], [], []>, transpose_lhs_hint = false} : vector<512x32xf32>, vector<32x32xf32>, vector<512x32xf32> -> vector<512x32xf32>
    %get3A_17 = arith.constant 0 : index
    %get3A_18 = arith.constant 0 : index
    %get3A_19 = vector.load %arg5[%get3A_17, %get3A_18] : memref<1x32xf32, #tpu.memory_space<vmem>>, vector<1x32xf32>
    %add3A_20 = vector.broadcast %get3A_19 : vector<1x32xf32> to vector<512x32xf32>
    %add3A_21 = arith.addf %dot_general3A_16, %add3A_20 : vector<512x32xf32>
    %swap3A = arith.constant 0 : index
    %swap3A_22 = arith.constant 0 : index
    %swap3A_23 = vector.load %arg9[%swap3A, %swap3A_22] : memref<512x32xf32, #tpu.memory_space<vmem>>, vector<512x32xf32>
    tpu.vector_store %arg9[%swap3A, %swap3A_22], %add3A_21 {strides = array<i32>} : memref<512x32xf32, #tpu.memory_space<vmem>>, vector<512x32xf32>,
    %get3A_24 = arith.constant 0 : index
    %get3A_25 = arith.constant 0 : index
    %get3A_26 = vector.load %arg6[%get3A_24, %get3A_25] : memref<32x32xf32, #tpu.memory_space<vmem>>, vector<32x32xf32>
    %dot_general3A_27 = arith.constant dense<0.000000e+00> : vector<512x32xf32>
    %dot_general3A_28 = tpu.matmul %add3A_21, %get3A_26, %dot_general3A_27 {dimension_numbers = #tpu.dot_dimension_numbers<[1], [0], [0], [1], [0, 0, 1, 1], [], []>, transpose_lhs_hint = false} : vector<512x32xf32>, vector<32x32xf32>, vector<512x32xf32> -> vector<512x32xf32>
    %get3A_29 = arith.constant 0 : index
    %get3A_30 = arith.constant 0 : index
    %get3A_31 = vector.load %arg8[%get3A_29, %get3A_30] : memref<1x32xf32, #tpu.memory_space<vmem>>, vector<1x32xf32>
    %add3A_32 = vector.broadcast %get3A_31 : vector<1x32xf32> to vector<512x32xf32>
    %add3A_33 = arith.addf %dot_general3A_28, %add3A_32 : vector<512x32xf32>
    %swap3A_34 = arith.constant 0 : index
    %swap3A_35 = arith.constant 0 : index
    %swap3A_36 = vector.load %arg10[%swap3A_34, %swap3A_35] : memref<512x32xf32, #tpu.memory_space<vmem>>, vector<512x32xf32>
    tpu.vector_store %arg10[%swap3A_34, %swap3A_35], %add3A_33 {strides = array<i32>} : memref<512x32xf32, #tpu.memory_space<vmem>>, vector<512x32xf32>,
    %get3A_37 = arith.constant 0 : index
    %get3A_38 = arith.constant 0 : index
    %get3A_39 = vector.load %arg7[%get3A_37, %get3A_38] : memref<32x32xf32, #tpu.memory_space<vmem>>, vector<32x32xf32>
    %dot_general3A_40 = arith.constant dense<0.000000e+00> : vector<512x32xf32>
    %dot_general3A_41 = tpu.matmul %add3A_21, %get3A_39, %dot_general3A_40 {dimension_numbers = #tpu.dot_dimension_numbers<[1], [0], [0], [1], [0, 0, 1, 1], [], []>, transpose_lhs_hint = false} : vector<512x32xf32>, vector<32x32xf32>, vector<512x32xf32> -> vector<512x32xf32>
    %swap3A_42 = arith.constant 0 : index
    %swap3A_43 = arith.constant 0 : index
    %swap3A_44 = vector.load %arg11[%swap3A_42, %swap3A_43] : memref<512x32xf32, #tpu.memory_space<vmem>>, vector<512x32xf32>
    tpu.vector_store %arg11[%swap3A_42, %swap3A_43], %dot_general3A_41 {strides = array<i32>} : memref<512x32xf32, #tpu.memory_space<vmem>>, vector<512x32xf32>,
    return
  }
  func.func @transform_0(%arg0: i32) -> (i32, i32) {
    %c0_i32 = arith.constant 0 : i32
    %c0_i32_0 = arith.constant 0 : i32
    return %arg0, %c0_i32 : i32, i32
  }
  func.func @transform_1(%arg0: i32) -> (i32, i32) {
    %c0_i32 = arith.constant 0 : i32
    %c0_i32_0 = arith.constant 0 : i32
    %c0_i32_1 = arith.constant 0 : i32
    return %c0_i32, %c0_i32_0 : i32, i32
  }
  func.func @transform_2(%arg0: i32) -> (i32, i32) {
    %c0_i32 = arith.constant 0 : i32
    %c0_i32_0 = arith.constant 0 : i32
    %c0_i32_1 = arith.constant 0 : i32
    return %c0_i32, %c0_i32_0 : i32, i32
  }
  func.func @transform_3(%arg0: i32) -> (i32, i32) {
    %c0_i32 = arith.constant 0 : i32
    %c0_i32_0 = arith.constant 0 : i32
    %c0_i32_1 = arith.constant 0 : i32
    return %c0_i32, %c0_i32_0 : i32, i32
  }
  func.func @transform_4(%arg0: i32) -> (i32, i32) {
    %c0_i32 = arith.constant 0 : i32
    %c0_i32_0 = arith.constant 0 : i32
    %c0_i32_1 = arith.constant 0 : i32
    return %c0_i32, %c0_i32_0 : i32, i32
  }
  func.func @transform_5(%arg0: i32) -> (i32, i32) {
    %c0_i32 = arith.constant 0 : i32
    %c0_i32_0 = arith.constant 0 : i32
    %c0_i32_1 = arith.constant 0 : i32
    return %c0_i32, %c0_i32_0 : i32, i32
  }
  func.func @transform_6(%arg0: i32) -> (i32, i32) {
    %c0_i32 = arith.constant 0 : i32
    %c0_i32_0 = arith.constant 0 : i32
    %c0_i32_1 = arith.constant 0 : i32
    return %c0_i32, %c0_i32_0 : i32, i32
  }
  func.func @transform_7(%arg0: i32) -> (i32, i32) {
    %c0_i32 = arith.constant 0 : i32
    %c0_i32_0 = arith.constant 0 : i32
    %c0_i32_1 = arith.constant 0 : i32
    return %c0_i32, %c0_i32_0 : i32, i32
  }
  func.func @transform_8(%arg0: i32) -> (i32, i32) {
    %c0_i32 = arith.constant 0 : i32
    %c0_i32_0 = arith.constant 0 : i32
    return %arg0, %c0_i32 : i32, i32
  }
  func.func @transform_9(%arg0: i32) -> (i32, i32) {
    %c0_i32 = arith.constant 0 : i32
    %c0_i32_0 = arith.constant 0 : i32
    return %arg0, %c0_i32 : i32, i32
  }
  func.func @transform_10(%arg0: i32) -> (i32, i32) {
    %c0_i32 = arith.constant 0 : i32
    %c0_i32_0 = arith.constant 0 : i32
    return %arg0, %c0_i32 : i32, i32
  }
}

module attributes {stable_mosaic.version = 14 : i64} {
  func.func @_update_body(%arg0: i32, %arg1: memref<2x512x48xf32, #tpu.memory_space<vmem>>, %arg2: memref<512x32xf32, #tpu.memory_space<vmem>>, %arg3: memref<48x32xf32, #tpu.memory_space<vmem>>, %arg4: memref<32x32xf32, #tpu.memory_space<vmem>>, %arg5: memref<32x32xf32, #tpu.memory_space<vmem>>, %arg6: memref<1x32xf32, #tpu.memory_space<vmem>>, %arg7: memref<512x32xf32, #tpu.memory_space<vmem>>, %arg8: memref<512x32xf32, #tpu.memory_space<vmem>>) attributes {dimension_semantics = [#tpu.dimension_semantics<arbitrary>], iteration_bounds = array<i64: 20>, scalar_prefetch = 0 : i64, scratch_operands = 0 : i64, tpu.core_type = #tpu.core_type<tc>, window_params = [{transform_indices = @transform_0, window_bounds = array<i64: 2, 512, 48>}, {transform_indices = @transform_1, window_bounds = array<i64: 512, 32>}, {pipeline_mode = #tpu.pipeline_mode<synchronous>, transform_indices = @transform_2, window_bounds = array<i64: 48, 32>}, {pipeline_mode = #tpu.pipeline_mode<synchronous>, transform_indices = @transform_3, window_bounds = array<i64: 32, 32>}, {pipeline_mode = #tpu.pipeline_mode<synchronous>, transform_indices = @transform_4, window_bounds = array<i64: 32, 32>}, {pipeline_mode = #tpu.pipeline_mode<synchronous>, transform_indices = @transform_5, window_bounds = array<i64: 1, 32>}, {transform_indices = @transform_6, window_bounds = array<i64: 512, 32>}, {transform_indices = @transform_7, window_bounds = array<i64: 512, 32>}]} {
    %get3A = arith.constant 0 : index
    %get3A_0 = arith.constant 0 : index
    %get3A_1 = arith.constant 0 : index
    %get3A_2 = vector.load %arg1[%get3A, %get3A_0, %get3A_1] : memref<2x512x48xf32, #tpu.memory_space<vmem>>, vector<1x512x48xf32>
    %get3A_3 = vector.shape_cast %get3A_2 : vector<1x512x48xf32> to vector<512x48xf32>
    %get3A_4 = arith.constant 1 : index
    %get3A_5 = arith.constant 0 : index
    %get3A_6 = arith.constant 0 : index
    %get3A_7 = vector.load %arg1[%get3A_4, %get3A_5, %get3A_6] : memref<2x512x48xf32, #tpu.memory_space<vmem>>, vector<1x512x48xf32>
    %get3A_8 = vector.shape_cast %get3A_7 : vector<1x512x48xf32> to vector<512x48xf32>
    %add3A = arith.addf %get3A_3, %get3A_8 : vector<512x48xf32>
    %get3A_9 = arith.constant 0 : index
    %get3A_10 = arith.constant 0 : index
    %get3A_11 = vector.load %arg3[%get3A_9, %get3A_10] : memref<48x32xf32, #tpu.memory_space<vmem>>, vector<48x32xf32>
    %dot_general3A = arith.constant dense<0.000000e+00> : vector<512x32xf32>
    %dot_general3A_12 = tpu.matmul %add3A, %get3A_11, %dot_general3A {dimension_numbers = #tpu.dot_dimension_numbers<[1], [0], [0], [1], [0, 0, 1, 1], [], []>, transpose_lhs_hint = false} : vector<512x48xf32>, vector<48x32xf32>, vector<512x32xf32> -> vector<512x32xf32>
    %get3A_13 = arith.constant 0 : index
    %get3A_14 = arith.constant 0 : index
    %get3A_15 = vector.load %arg2[%get3A_13, %get3A_14] : memref<512x32xf32, #tpu.memory_space<vmem>>, vector<512x32xf32>
    %add3A_16 = arith.addf %get3A_15, %dot_general3A_12 : vector<512x32xf32>
    %max3A = arith.constant 0.000000e+00 : f32
    %max3A_17 = vector.broadcast %max3A : f32 to vector<512x32xf32>
    %max3A_18 = arith.maximumf %add3A_16, %max3A_17 : vector<512x32xf32>
    %get3A_19 = arith.constant 0 : index
    %get3A_20 = arith.constant 0 : index
    %get3A_21 = vector.load %arg4[%get3A_19, %get3A_20] : memref<32x32xf32, #tpu.memory_space<vmem>>, vector<32x32xf32>
    %dot_general3A_22 = arith.constant dense<0.000000e+00> : vector<512x32xf32>
    %dot_general3A_23 = tpu.matmul %max3A_18, %get3A_21, %dot_general3A_22 {dimension_numbers = #tpu.dot_dimension_numbers<[1], [0], [0], [1], [0, 0, 1, 1], [], []>, transpose_lhs_hint = false} : vector<512x32xf32>, vector<32x32xf32>, vector<512x32xf32> -> vector<512x32xf32>
    %get3A_24 = arith.constant 0 : index
    %get3A_25 = arith.constant 0 : index
    %get3A_26 = vector.load %arg6[%get3A_24, %get3A_25] : memref<1x32xf32, #tpu.memory_space<vmem>>, vector<1x32xf32>
    %add3A_27 = vector.broadcast %get3A_26 : vector<1x32xf32> to vector<512x32xf32>
    %add3A_28 = arith.addf %dot_general3A_23, %add3A_27 : vector<512x32xf32>
    %swap3A = arith.constant 0 : index
    %swap3A_29 = arith.constant 0 : index
    %swap3A_30 = vector.load %arg7[%swap3A, %swap3A_29] : memref<512x32xf32, #tpu.memory_space<vmem>>, vector<512x32xf32>
    tpu.vector_store %arg7[%swap3A, %swap3A_29], %add3A_28 {strides = array<i32>} : memref<512x32xf32, #tpu.memory_space<vmem>>, vector<512x32xf32>,
    %get3A_31 = arith.constant 0 : index
    %get3A_32 = arith.constant 0 : index
    %get3A_33 = vector.load %arg5[%get3A_31, %get3A_32] : memref<32x32xf32, #tpu.memory_space<vmem>>, vector<32x32xf32>
    %dot_general3A_34 = arith.constant dense<0.000000e+00> : vector<512x32xf32>
    %dot_general3A_35 = tpu.matmul %max3A_18, %get3A_33, %dot_general3A_34 {dimension_numbers = #tpu.dot_dimension_numbers<[1], [0], [0], [1], [0, 0, 1, 1], [], []>, transpose_lhs_hint = false} : vector<512x32xf32>, vector<32x32xf32>, vector<512x32xf32> -> vector<512x32xf32>
    %swap3A_36 = arith.constant 0 : index
    %swap3A_37 = arith.constant 0 : index
    %swap3A_38 = vector.load %arg8[%swap3A_36, %swap3A_37] : memref<512x32xf32, #tpu.memory_space<vmem>>, vector<512x32xf32>
    tpu.vector_store %arg8[%swap3A_36, %swap3A_37], %dot_general3A_35 {strides = array<i32>} : memref<512x32xf32, #tpu.memory_space<vmem>>, vector<512x32xf32>,
    return
  }
  func.func @transform_0(%arg0: i32) -> (i32, i32, i32) {
    %c0_i32 = arith.constant 0 : i32
    %c0_i32_0 = arith.constant 0 : i32
    %c0_i32_1 = arith.constant 0 : i32
    return %c0_i32, %arg0, %c0_i32_0 : i32, i32, i32
  }
  func.func @transform_1(%arg0: i32) -> (i32, i32) {
    %c0_i32 = arith.constant 0 : i32
    %c0_i32_0 = arith.constant 0 : i32
    return %arg0, %c0_i32 : i32, i32
  }
  func.func @transform_2(%arg0: i32) -> (i32, i32) {
    %c0_i32 = arith.constant 0 : i32
    %c0_i32_0 = arith.constant 0 : i32
    %c0_i32_1 = arith.constant 0 : i32
    return %c0_i32, %c0_i32_0 : i32, i32
  }
  func.func @transform_3(%arg0: i32) -> (i32, i32) {
    %c0_i32 = arith.constant 0 : i32
    %c0_i32_0 = arith.constant 0 : i32
    %c0_i32_1 = arith.constant 0 : i32
    return %c0_i32, %c0_i32_0 : i32, i32
  }
  func.func @transform_4(%arg0: i32) -> (i32, i32) {
    %c0_i32 = arith.constant 0 : i32
    %c0_i32_0 = arith.constant 0 : i32
    %c0_i32_1 = arith.constant 0 : i32
    return %c0_i32, %c0_i32_0 : i32, i32
  }
  func.func @transform_5(%arg0: i32) -> (i32, i32) {
    %c0_i32 = arith.constant 0 : i32
    %c0_i32_0 = arith.constant 0 : i32
    %c0_i32_1 = arith.constant 0 : i32
    return %c0_i32, %c0_i32_0 : i32, i32
  }
  func.func @transform_6(%arg0: i32) -> (i32, i32) {
    %c0_i32 = arith.constant 0 : i32
    %c0_i32_0 = arith.constant 0 : i32
    return %arg0, %c0_i32 : i32, i32
  }
  func.func @transform_7(%arg0: i32) -> (i32, i32) {
    %c0_i32 = arith.constant 0 : i32
    %c0_i32_0 = arith.constant 0 : i32
    return %arg0, %c0_i32 : i32, i32
  }
}

module attributes {stable_mosaic.version = 14 : i64} {
  func.func @_pool_body(%arg0: i32, %arg1: memref<2x512x48xf32, #tpu.memory_space<vmem>>, %arg2: memref<48x32xf32, #tpu.memory_space<vmem>>, %arg3: memref<1x1x512xi32, #tpu.memory_space<vmem>>, %arg4: memref<64x32xf32, #tpu.memory_space<vmem>>) attributes {dimension_semantics = [#tpu.dimension_semantics<arbitrary>], iteration_bounds = array<i64: 20>, scalar_prefetch = 0 : i64, scratch_operands = 0 : i64, tpu.core_type = #tpu.core_type<tc>, window_params = [{transform_indices = @transform_0, window_bounds = array<i64: 2, 512, 48>}, {pipeline_mode = #tpu.pipeline_mode<synchronous>, transform_indices = @transform_1, window_bounds = array<i64: 48, 32>}, {transform_indices = @transform_2, window_bounds = array<i64: 1, 1, 512>}, {pipeline_mode = #tpu.pipeline_mode<synchronous>, transform_indices = @transform_3, window_bounds = array<i64: 64, 32>}]} {
    %get3A = arith.constant 0 : index
    %get3A_0 = arith.constant 0 : index
    %get3A_1 = arith.constant 0 : index
    %get3A_2 = vector.load %arg1[%get3A, %get3A_0, %get3A_1] : memref<2x512x48xf32, #tpu.memory_space<vmem>>, vector<1x512x48xf32>
    %get3A_3 = vector.shape_cast %get3A_2 : vector<1x512x48xf32> to vector<512x48xf32>
    %get3A_4 = arith.constant 1 : index
    %get3A_5 = arith.constant 0 : index
    %get3A_6 = arith.constant 0 : index
    %get3A_7 = vector.load %arg1[%get3A_4, %get3A_5, %get3A_6] : memref<2x512x48xf32, #tpu.memory_space<vmem>>, vector<1x512x48xf32>
    %get3A_8 = vector.shape_cast %get3A_7 : vector<1x512x48xf32> to vector<512x48xf32>
    %add3A = arith.addf %get3A_3, %get3A_8 : vector<512x48xf32>
    %get3A_9 = arith.constant 0 : index
    %get3A_10 = arith.constant 0 : index
    %get3A_11 = vector.load %arg2[%get3A_9, %get3A_10] : memref<48x32xf32, #tpu.memory_space<vmem>>, vector<48x32xf32>
    %dot_general3A = arith.constant dense<0.000000e+00> : vector<512x32xf32>
    %dot_general3A_12 = tpu.matmul %add3A, %get3A_11, %dot_general3A {dimension_numbers = #tpu.dot_dimension_numbers<[1], [0], [0], [1], [0, 0, 1, 1], [], []>, transpose_lhs_hint = false} : vector<512x48xf32>, vector<48x32xf32>, vector<512x32xf32> -> vector<512x32xf32>
    %iota3A = tpu.iota {dimensions = array<i32: 0>} : vector<512x1xi32>
    %mul3A = arith.constant 512 : i32
    %mul3A_13 = arith.muli %arg0, %mul3A : i32
    %add3A_14 = vector.broadcast %mul3A_13 : i32 to vector<512x1xi32>
    %add3A_15 = arith.addi %iota3A, %add3A_14 : vector<512x1xi32>
    %lt3A = arith.constant 10000 : i32
    %lt3A_16 = vector.broadcast %lt3A : i32 to vector<512x1xi32>
    %lt3A_17 = arith.cmpi slt, %add3A_15, %lt3A_16 : vector<512x1xi32>
    %jit3A = arith.constant 0.000000e+00 : f32
    %broadcast_in_dim3A = vector.shape_cast %lt3A_17 : vector<512x1xi1> to vector<512x1xi1>
    %broadcast_in_dim3A_18 = vector.broadcast %broadcast_in_dim3A : vector<512x1xi1> to vector<512x32xi1>
    %broadcast_in_dim3A_19 = vector.broadcast %jit3A : f32 to vector<512x32xf32>
    %select_n3A = arith.select %broadcast_in_dim3A_18, %dot_general3A_12, %broadcast_in_dim3A_19 : vector<512x32xi1>, vector<512x32xf32>
    %get3A_20 = arith.constant 0 : index
    %get3A_21 = arith.constant 0 : index
    %get3A_22 = arith.constant 0 : index
    %get3A_23 = vector.load %arg3[%get3A_20, %get3A_21, %get3A_22] : memref<1x1x512xi32, #tpu.memory_space<vmem>>, vector<1x1x512xi32>
    %get3A_24 = vector.shape_cast %get3A_23 : vector<1x1x512xi32> to vector<1x512xi32>
    %iota3A_25 = tpu.iota {dimensions = array<i32: 0>} : vector<64x512xi32>
    %iota3A_26 = tpu.iota {dimensions = array<i32: 1>} : vector<64x512xi32>
    %mul3A_27 = arith.constant 512 : i32
    %mul3A_28 = arith.muli %arg0, %mul3A_27 : i32
    %add3A_29 = vector.broadcast %mul3A_28 : i32 to vector<64x512xi32>
    %add3A_30 = arith.addi %iota3A_26, %add3A_29 : vector<64x512xi32>
    %eq3A = vector.broadcast %get3A_24 : vector<1x512xi32> to vector<64x512xi32>
    %eq3A_31 = arith.cmpi eq, %iota3A_25, %eq3A : vector<64x512xi32>
    %lt3A_32 = arith.constant 10000 : i32
    %lt3A_33 = vector.broadcast %lt3A_32 : i32 to vector<64x512xi32>
    %lt3A_34 = arith.cmpi slt, %add3A_30, %lt3A_33 : vector<64x512xi32>
    %and3A = arith.andi %eq3A_31, %lt3A_34 : vector<64x512xi1>
    %jit3A_35 = arith.constant 1.000000e+00 : f32
    %jit3A_36 = arith.constant 0.000000e+00 : f32
    %broadcast_in_dim3A_37 = vector.broadcast %jit3A_35 : f32 to vector<64x512xf32>
    %broadcast_in_dim3A_38 = vector.broadcast %jit3A_36 : f32 to vector<64x512xf32>
    %select_n3A_39 = arith.select %and3A, %broadcast_in_dim3A_37, %broadcast_in_dim3A_38 : vector<64x512xi1>, vector<64x512xf32>
    %dot_general3A_40 = arith.constant dense<0.000000e+00> : vector<64x32xf32>
    %dot_general3A_41 = tpu.matmul %select_n3A_39, %select_n3A, %dot_general3A_40 {dimension_numbers = #tpu.dot_dimension_numbers<[1], [0], [0], [1], [0, 0, 1, 1], [], []>, transpose_lhs_hint = false} : vector<64x512xf32>, vector<512x32xf32>, vector<64x32xf32> -> vector<64x32xf32>
    %eq3A_42 = arith.constant 0 : i32
    %eq3A_43 = arith.cmpi eq, %arg0, %eq3A_42 : i32
    %convert_element_type3A = arith.extui %eq3A_43 : i1 to i32
    %cond3A = arith.constant 0 : i32
    %cond3A_44 = arith.cmpi ne, %convert_element_type3A, %cond3A : i32
    scf.if %cond3A_44 {
      %broadcast_in_dim3A_51 = arith.constant 0.000000e+00 : f32
      %broadcast_in_dim3A_52 = vector.broadcast %broadcast_in_dim3A_51 : f32 to vector<64x32xf32>
      %swap3A_53 = arith.constant 0 : index
      %swap3A_54 = arith.constant 0 : index
      %swap3A_55 = vector.load %arg4[%swap3A_53, %swap3A_54] : memref<64x32xf32, #tpu.memory_space<vmem>>, vector<64x32xf32>
      tpu.vector_store %arg4[%swap3A_53, %swap3A_54], %broadcast_in_dim3A_52 {strides = array<i32>} : memref<64x32xf32, #tpu.memory_space<vmem>>, vector<64x32xf32>,
    } else {
    }
    %get3A_45 = arith.constant 0 : index
    %get3A_46 = arith.constant 0 : index
    %get3A_47 = vector.load %arg4[%get3A_45, %get3A_46] : memref<64x32xf32, #tpu.memory_space<vmem>>, vector<64x32xf32>
    %add3A_48 = arith.addf %get3A_47, %dot_general3A_41 : vector<64x32xf32>
    %swap3A = arith.constant 0 : index
    %swap3A_49 = arith.constant 0 : index
    %swap3A_50 = vector.load %arg4[%swap3A, %swap3A_49] : memref<64x32xf32, #tpu.memory_space<vmem>>, vector<64x32xf32>
    tpu.vector_store %arg4[%swap3A, %swap3A_49], %add3A_48 {strides = array<i32>} : memref<64x32xf32, #tpu.memory_space<vmem>>, vector<64x32xf32>,
    return
  }
  func.func @transform_0(%arg0: i32) -> (i32, i32, i32) {
    %c0_i32 = arith.constant 0 : i32
    %c0_i32_0 = arith.constant 0 : i32
    %c0_i32_1 = arith.constant 0 : i32
    return %c0_i32, %arg0, %c0_i32_0 : i32, i32, i32
  }
  func.func @transform_1(%arg0: i32) -> (i32, i32) {
    %c0_i32 = arith.constant 0 : i32
    %c0_i32_0 = arith.constant 0 : i32
    %c0_i32_1 = arith.constant 0 : i32
    return %c0_i32, %c0_i32_0 : i32, i32
  }
  func.func @transform_2(%arg0: i32) -> (i32, i32, i32) {
    %c0_i32 = arith.constant 0 : i32
    %c0_i32_0 = arith.constant 0 : i32
    %c0_i32_1 = arith.constant 0 : i32
    return %arg0, %c0_i32, %c0_i32_0 : i32, i32, i32
  }
  func.func @transform_3(%arg0: i32) -> (i32, i32) {
    %c0_i32 = arith.constant 0 : i32
    %c0_i32_0 = arith.constant 0 : i32
    %c0_i32_1 = arith.constant 0 : i32
    return %c0_i32, %c0_i32_0 : i32, i32
  }
}

</mosaic_0001>

<sc_bundles>
// kernel: kernel.11.cloned.1.call-start
scs
__scs_entry_jumppad:
0x0: {  	(pc) =	sbr.rel $0x88, $3  }
0x1: {  	(tag) =	ssettag $0x0;
	lr =	simm.s32 $0x1  }
0x2: {  	[smem:$0x3F8D] =	sst lr;
	_ =	strace $0xD0000000  }
0x3: {  	_ = 	snop  }
0x4: {  	_ = 	snop  }
0x5: {  	_ = 	snop  }
0x6: {  	_ = 	snop  }
0x7: {  	_ = 	snop  }
__scs_overlays_trampoline_lowered:
0x8: {  	[smem:$0x3F9C] =	sst s0  }
0x9: {  	[smem:$0x3F9D] =	sst s1  }
0xa: {  	[smem:$0x3F9E] =	sst s2  }
0xb: {  	[smem:$0x3F9F] =	sst s3  }
0xc: {  	[smem:$0x3FA0] =	sst s4  }
0xd: {  	[smem:$0x3FA1] =	sst s5  }
0xe: {  	[smem:$0x3FA2] =	sst s6  }
0xf: {  	[smem:$0x3FA3] =	sst s7  }
0x10: {  	[smem:$0x3FA4] =	sst s8  }
0x11: {  	[smem:$0x3FA5] =	sst s9;
	s0 =	simm.s32 @!p0 $0x0  }
0x12: {  	s1 =	sld [smem:$0x3F8B];
	s0 =	simm.s32 @p0 $0x1  }
0x13: {  	[smem:$0x3FA6] =	sst s0;
	s0 =	simm.s32 @!p1 $0x0  }
0x14: {  	s2 =	sld [smem:$0x3F8A];
	s0 =	simm.s32 @p1 $0x1  }
0x15: {  	[smem:$0x3FA7] =	sst s0;
	s0 =	simm.s32 @!p2 $0x0  }
0x16: {  	s3 =	sld [smem:$0x3FDB];
	s0 =	simm.s32 @p2 $0x1  }
0x17: {  	s4 =	simm.s32 $0x1BF5;
	[smem:$0x3FA9] =	sst s0  }
0x18: {  	s0 =	sld [smem:$0x3F8C];
	_ =	swait.ge [sflag:s4], $0x0  }
0x19: {  	s7 =	sld [smem:$0x3F8D]  }
0x1a: {  	s8 =	sadd.s32 $0xFFFFE003, lr  }
0x1b: {  	s9 =	sadd.s32 $0xFFFFFEF7, lr;
	s5 =	simm.s32 $0xFFFFFFFF;
	p2 =	slt.u32 s8, $0xFFFFF086  }
0x1c: {  	p1 =	slt.u32 s9, $0xF7A;
	s5 =	simm.s32 @!p2 $0x0  }
0x1d: {  	s5 =	simm.s32 @p1 $0x1;
	p0 =	seq.s32 s7, s2  }
0x1e: {  	s7 =	smul.u32 @!p0 $0xF7A, s2;
	p2 =	seq.s32 @!p0 s5, $0x0  }
0x1f: {  	s9 =	smul.u32 $0xF7A, s1;
	s8 =	simm.s32 @!p0 $0x1BF5;
	p2 =	por !p2, p0  }
0x20: {  	[sflag:s8] =	ssyncset.s32 @!p0 $0xFFFFF086;
	s6 =	sadd.s32 @!p0 s3, s7;
	s7 =	simm.s32 @!p0 $0x108  }
0x21: {  	s3 =	sadd.s32 s3, s9;
	s6 =	sadd.s32 @!p0 $0x88, s6;
	s7 =	simm.s32 @p2 $0x1082  }
0x22: {  	[simem:s7], [sflag:s8] =	dma.local @!p0 [hbm:s6], $0xF7A  }
0x23: {  	s9 =	sor.u32 $0xD0000000, s2;
	s6 =	simm.s32 $0x108;
	_ =	swait.ge @!p0 [sflag:s8], $0x0  }
0x24: {  	s3 =	sadd.s32 $0x88, s3;
	s6 =	simm.s32 @!p1 $0x1082;
	[sflag:s4] =	ssyncset.s32 $0xFFFFF086  }
0x25: {  	[simem:s6], [sflag:s4] =	dma.local [hbm:s3], $0xF7A  }
0x26: {  	[smem:$0x3F8D] =	sst s1;
	(tag) =	ssettag s2;
	_ =	strace s9  }
0x27: {  	s1 =	sld [smem:$0x3F9D]  }
0x28: {  	s2 =	sld [smem:$0x3F9E]  }
0x29: {  	s4 =	sld [smem:$0x3FA0]  }
0x2a: {  	p0 =	seq.s32 s5, $0x0;
	s5 =	sld [smem:$0x3FA1]  }
0x2b: {  	s6 =	sld [smem:$0x3FA2]  }
0x2c: {  	s7 =	sld [smem:$0x3FA3]  }
0x2d: {  	s3 =	simm.s32 $0x108;
	s8 =	sld [smem:$0x3FA4]  }
0x2e: {  	s3 =	simm.s32 @!p0 $0x1082;
	s9 =	sld [smem:$0x3FA5]  }
0x2f: {  	lr =	sadd.s32 s0, s3;
	s0 =	sld [smem:$0x3F9C]  }
0x30: {  	s3 =	sld [smem:$0x3F9F]  }
0x31: {  	[smem:$0x3FA8] =	sst s10  }
0x32: {  	s10 =	sld [smem:$0x3FA6];
	_ =	sdelay $0x3  }
0x33: {  	p0 =	seq.s32 s10, $0x1;
	s10 =	sld [smem:$0x3FA8];
	_ =	sdelay $0x3  }
0x34: {  	[smem:$0x3FA8] =	sst s10  }
0x35: {  	s10 =	sld [smem:$0x3FA7];
	_ =	sdelay $0x3  }
0x36: {  	p1 =	seq.s32 s10, $0x1;
	s10 =	sld [smem:$0x3FA8];
	_ =	sdelay $0x3  }
0x37: {  	[smem:$0x3FA8] =	sst s10  }
0x38: {  	s10 =	sld [smem:$0x3FA9]  }
0x39: {  	_ = 	snop;
	(pc) =	sbr.ind lr, $3  }
0x3a: {  	_ = 	snop  }
0x3b: {  	_ = 	snop  }
0x3c: {  	p2 =	seq.s32 s10, $0x1;
	s10 =	sld [smem:$0x3FA8]  }
0x3d: {  	_ =	shalt  }
0x3e: {  	_ =	shalt  }
0x3f: {  	_ =	shalt  }
0x40: {  	_ =	shalt  }
0x41: {  	_ =	shalt  }
0x42: {  	_ =	shalt  }
0x43: {  	_ =	shalt  }
0x44: {  	_ =	shalt  }
0x45: {  	_ =	shalt  }
0x46: {  	_ =	shalt  }
0x47: {  	_ =	shalt  }
0x48: {  	_ =	shalt  }
0x49: {  	_ =	shalt  }
0x4a: {  	_ =	shalt  }
0x4b: {  	_ =	shalt  }
0x4c: {  	_ =	shalt  }
0x4d: {  	_ =	shalt  }
0x4e: {  	_ =	shalt  }
0x4f: {  	_ =	shalt  }
0x50: {  	_ =	shalt  }
0x51: {  	_ =	shalt  }
0x52: {  	_ =	shalt  }
0x53: {  	_ =	shalt  }
0x54: {  	_ =	shalt  }
0x55: {  	_ =	shalt  }
0x56: {  	_ =	shalt  }
0x57: {  	_ =	shalt  }
0x58: {  	_ =	shalt  }
0x59: {  	_ =	shalt  }
0x5a: {  	_ =	shalt  }
0x5b: {  	_ =	shalt  }
0x5c: {  	_ =	shalt  }
0x5d: {  	_ =	shalt  }
0x5e: {  	_ =	shalt  }
0x5f: {  	_ =	shalt  }
0x60: {  	_ =	shalt  }
0x61: {  	_ =	shalt  }
0x62: {  	_ =	shalt  }
0x63: {  	_ =	shalt  }
0x64: {  	_ =	shalt  }
0x65: {  	_ =	shalt  }
0x66: {  	_ =	shalt  }
0x67: {  	_ =	shalt  }
0x68: {  	_ =	shalt  }
0x69: {  	_ =	shalt  }
0x6a: {  	_ =	shalt  }
0x6b: {  	_ =	shalt  }
0x6c: {  	_ =	shalt  }
0x6d: {  	_ =	shalt  }
0x6e: {  	_ =	shalt  }
0x6f: {  	_ =	shalt  }
0x70: {  	_ =	shalt  }
0x71: {  	_ =	shalt  }
0x72: {  	_ =	shalt  }
0x73: {  	_ =	shalt  }
0x74: {  	_ =	shalt  }
0x75: {  	_ =	shalt  }
0x76: {  	_ =	shalt  }
0x77: {  	_ =	shalt  }
0x78: {  	_ =	shalt  }
0x79: {  	_ =	shalt  }
0x7a: {  	_ =	shalt  }
0x7b: {  	_ =	shalt  }
0x7c: {  	_ =	shalt  }
0x7d: {  	_ =	shalt  }
0x7e: {  	_ =	shalt  }
0x7f: {  	_ =	shalt  }
0x80: {  	_ =	shalt  }
0x81: {  	_ =	shalt  }
0x82: {  	_ =	shalt  }
0x83: {  	_ =	shalt  }
0x84: {  	_ =	shalt  }
0x85: {  	_ =	shalt  }
0x86: {  	_ =	shalt  }
0x87: {  	_ =	shalt  }
.Lfunc_end0:
.L_simem_size_0:
called_computation.3_lowered:
.L_overlay_start_0:
0x88: {  	s2 =	sld [smem:$0x3FD9]  }
0x89: {  	s3 =	sld [smem:$0x3FFE];
	_ =	sdelay $0x1  }
0x8a: {  	s1 =	srdreg.scid  }
0x8b: {  	s0 =	sand.u32 $0x1, s1  }
0x8c: {  	s16 =	sshll.u32 s0, $0xA;
	s2 =	sadd.s32 s3, s2  }
0x8d: {  	s2 =	sadd.s32 s2, s16  }
0x8e: {  	[smem:$0x3FB4] =	sst s2  }
0x8f: {  	_ = 	snop  }
0x90: {  	(tm) =	ssettm $0x1  }
0x91: {  	s17 =	sld [smem:$0x3FFB];
	_ =	sdelay $0x3  }
0x92: {  	_ =	strace s17  }
0x93: {  	s2 =	sld [smem:$0x3FFC];
	_ =	sdelay $0x3  }
0x94: {  	_ =	strace s2  }
0x95: {  	s2 =	sld [smem:$0x3FFD];
	_ =	sdelay $0x3  }
0x96: {  	_ =	strace s2  }
0x97: {  	_ =	strace $0x8FFFFFFF  }
0x98: {  	s18 =	sld [smem:$0x3FDB];
	_ =	sdelay $0x1  }
0x99: {  	s19 =	simm.s32 $_scs_section_size  }
0x9a: {  	s4 =	simm.s32 $_size__tile_overlayer_lowered;
	s5 =	simm.s32 $_tile_overlayer_lowered  }
0x9b: {  	s22 =	simm.s32 $0x1BFF;
	s21 =	sshll.u32 s5, $0x1;
	s2 =	sadd.s32 s19, s18  }
0x9c: {  	s6 =	simm.s32 $0x0;
	s20 =	sshll.u32 s4, $0x1;
	s4 =	sadd.s32 s21, s2  }
0x9d: {  	[timem:s6], [sflag:s22] =	dma.local [hbm:s4], s20  }
0x9e: {  	_ =	swait.ge [sflag:s22], s20  }
0x9f: {  	s3 =	ssub.s32 $0x0, s20;
	[sflag:s22] =	ssyncset.done $0x0  }
0xa0: {  	[sflag:s22] =	ssyncadd.s32 s3;
	_ =	sdelay $0x1  }
0xa1: {  	s23 =	simm.s32 $0x1B8B  }
0xa2: {  	_ =	swait.ge [sflag:s23], $0x1  }
0xa3: {  	[sflag:s23] =	ssyncset.done $0x0  }
0xa4: {  	s25 =	simm.s32 $0x1B8E;
	s24 =	sld [smem:$0x3FFE];
	[sflag:s23] =	ssyncadd.s32 $0xFFFFFFFF  }
0xa5: {  	s26 =	simm.s32 $execute0_lowered;
	[smem:$0x3FD2] =	sst s25  }
0xa6: {  	s4 =	sshll.u32 s26, $0x1;
	_ =	strace $0x8000004F;
	[dreg:$0x1] =	wrdreg $0xFFFFFFFF  }
0xa7: {  	s28 =	simm.s32 $_size_execute0_lowered;
	s2 =	sadd.s32 s2, s4;
	[dreg:$0x0] =	wrdreg $0x0  }
0xa8: {  	s4 =	sshll.u32 s28, $0x1;
	[dreg:$0x2] =	wrdreg s2  }
0xa9: {  	[dreg:$0x3] =	wrdreg s4  }
0xaa: {  	[dreg:$0x4] =	wrdreg $0xC0  }
0xab: {  	_ =	task [dreg:s6], $0x5FFFF  }
0xac: {  	[dreg:$0x1] =	wrdreg $0xFFFFFFFF  }
0xad: {  	[dreg:$0x0] =	wrdreg $0x60  }
0xae: {  	[dreg:$0x2] =	wrdreg s24  }
0xaf: {  	[dreg:$0x3] =	wrdreg $0x116000  }
0xb0: {  	[dreg:$0x4] =	wrdreg $0x9  }
0xb1: {  	_ =	task.clear_ibuf [dreg:s6], $0x5FFFF;
	_ =	strace $0x9000004F  }
0xb2: {  	s29 =	simm.s32 $0x9;
	_ =	strace $0x80000051  }
0xb3: {  	_ =	swait.ge [sflag:s29], $0x1  }
0xb4: {  	[sflag:s29] =	ssyncadd.s32 $0xFFFFFFFF  }
0xb5: {  	_ =	strace $0x90000051  }
0xb6: {  	_ =	sfence  }
0xb7: {  	s30 =	sld [smem:$0x0];
	_ =	sdelay $0x2  }
0xb8: {  	s31 =	sshll.u32 s1, $0xD;
	s1 =	sshrl.u32 s1, $0x2  }
0xb9: {  	s3 =	sand.u32 $0x4000, s31;
	s1 =	sadd.s32 s1, s30  }
0xba: {  	s0 =	sor.u32 s3, s0;
	s1 =	sshll.u32 s1, $0x11  }
0xbb: {  	s0 =	sor.u32 s1, s0  }
0xbc: {  	s0 =	sadd.s32 $0x8F2B, s0  }
0xbd: {  	[sflag:s0] =	ssyncadd.remote.s32 $0x1  }
0xbe: {  	_ =	sfence.sel $0xFFFF  }
0xbf: {  	[dreg:$0x0] =	wrdreg $0xFFFFFFFF;
	(pc) =	sbr.abs _section_cstart, $3  }
0xc0: {  	[dreg:$0x1] =	wrdreg $0xFFFFFFFF  }
0xc1: {  	_ =	task.clear_ibuf [dreg:s6], $0x2FFFF;
	_ =	strace $0x9FFFFFFF  }
0xc2: {  	(tm) =	ssettm $0x7FFFFFFF  }
0xc3: {  	_ =	shalt  }
tec
execute0_lowered:
.L_overlay_start_1:
0x0: {  	(tag) =	ssettag $0x1  }
0x1: {  	s0 =	rddreg [dreg:$0x0]  }
0x2: {  	s2 =	rddreg [dreg:$0x1]  }
0x3: {  	s11 =	stileid.u32;
	s3 =	simm.s32 $0x0;
	s1 =	srdreg.scid  }
0x4: {  	s15 =	simm.s32 $0x9;
	s28 =	simm.s32 $0x7800;
	s29 =	simm.s32 $0x9800  }
0x5: {  	s30 =	simm.s32 $0x5;
	s31 =	simm.s32 $0x1;
	s4 =	smul.u32 $0x38, s11  }
0x6: {  	[smem:$0x7FF] =	sst s3;
	s1 =	sand.u32 $0x1, s1;
	s5 =	smul.u32 $0x68, s11  }
0x7: {  	s9 =	smul.u32 $0x7800, s11;
	s6 =	sadd.s32 $0x4400, s0;
	s7 =	sadd.s32 $0x3ECC00, s0  }
0x8: {  	s11 =	smul.u32 $0x1E000, s11;
	p0 =	seq.s32 s1, $0x0;
	_ =	strace $0x80000050  }
0x9: {  	s8 =	smul.u32 $0x78000, s1;
	s1 =	ssub.s32 $0x2, s1;
	s4 =	sadd.s32 $0x680, s4  }
0xa: {  	s12 =	sshrl.u32 s1, $0x1;
	s11 =	sshrl.u32 s11, $0x2;
	s14 =	sadd.s32 s9, s2  }
0xb: {  	s4 =	smov.u32 @p0 s5;
	s5 =	sadd.s32 $0xE400, s0;
	s8 =	sadd.s32 s9, s8  }
0xc: {  	s1 =	ssub.s32 s1, s12;
	s23 =	sadd.s32 s11, s2;
	[dreg:$0x5] =	wrdreg s14  }
0xd: {  	s10 =	sshll.u32 s4, $0x4;
	s8 =	sshrl.u32 s8, $0x3;
	s24 =	sadd.s32 $0x1E00, s23  }
0xe: {  	s25 =	sshll.u32 s4, $0x9;
	s11 =	sadd.s32 $0x3C00, s23;
	s26 =	smax.u32 s1, $0x1  }
0xf: {  	s1 =	simm.s32 $0x4;
	s10 =	sadd.s32 s10, s0;
	[dreg:$0x6] =	wrdreg s24  }
0x10: {  	s0 =	sadd.s32 s8, s0;
	s8 =	simm.s32 $0x34;
	[dreg:$0x7] =	wrdreg s11  }
0x11: {  	s9 =	sadd.s32 s7, s25;
	[dreg:$0xb] =	wrdreg s26;
	s26 =	simm.s32 $0xB800  }
0x12: {  	s24 =	simm.s32 $0x6;
	s25 =	simm.s32 $0x2;
	s11 =	simm.s32 $0x0  }
0x13: {  	s8 =	simm.s32 @!p0 $0x1C;
	s22 =	sadd.s32 $0x3E2800, s10;
	[dreg:$0x9] =	wrdreg s9  }
0x14: {  	s10 =	sadd.s32 $0x3D8400, s10;
	s0 =	sadd.s32 $0x18400, s0;
	[dreg:$0x3] =	wrdreg s22  }
0x15: {  	s9 =	simm.s32 $0xE000;
	[dreg:$0x4] =	wrdreg s10;
	s10 =	sadd.s32 $0x5A00, s23  }
0x16: {  	v0 =	vimm.f32 $0.0e+00;
	vm0 =	vcmask $0x300;
	s16 =	sadd.s32 $0xFFFFFFFF, s8;
	[dreg:$0xa] =	wrdreg s0;
	s23 =	simm.s32 $0x80  }
0x17: {  	v1 =	vsel vm0, $0x3F800000, v0;
	s0 =	simm.s32 $0x3;
	s22 =	simm.s32 $0xC800;
	[dreg:$0x8] =	wrdreg s10  }
.LBB2_1:
0x18: {  	[dreg:$0xc] =	wrdreg s11;
	s10 =	simm.s32 $0x0  }
.LBB2_2:
0x19: {  	p0 =	sne.s32 s10, $0x7740  }
.Ltmp0:
0x1a: {  	_ = 	snop;
	(pc) =	sbr.rel @p0 .LBB2_2-.Ltmp0, $4  }
0x1b: {  	s11 =	sshra.s32 s10, $0x2  }
0x1c: {  	[tilespmem:s11+$0xF800] =	vst v0  }
0x1d: {  	[tilespmem:s11+$0xF810] =	vst v0  }
0x1e: {  	s10 =	sadd.s32 $0xC0, s10;
	[tilespmem:s11+$0xF820] =	vst v0  }
0x1f: {  	s10 =	simm.s32 $0x140;
	s11 =	simm.s32 $0x20  }
.LBB2_4:
0x20: {  	p0 =	sne.s32 s10, $0x5FC0;
	[tilespmem:s11+$0xC800] =	vst v1;
	s12 =	smov.u32 s10;
	s10 =	sadd.s32 $0xC0, s10  }
.Ltmp1:
0x21: {  	[tilespmem:s11+$0xE000] =	vst v1;
	(pc) =	sbr.rel @p0 .LBB2_4-.Ltmp1, $2  }
0x22: {  	_ =	sdelay $0x2  }
0x23: {  	s11 =	sshra.s32 s12, $0x2  }
0x24: {  	[tilespmem:s11+$0xC800] =	vst v1  }
0x25: {  	[tilespmem:s11+$0xE000] =	vst v1;
	s13 =	simm.s32 $0x0;
	s10 =	rddreg [dreg:$0x3]  }
0x26: {  	[tilespmem:s13], [sflag:$0x9] =	stream.linear.gather [hbm4b:s10+s13], $0x3400, $0x38;
	[tilespmem:$0x18E00] =	vst v63  }
0x27: {  	_ =	swait.ge [sflag:s15], $0x3400  }
0x28: {  	[sflag:s15] =	ssyncset.done $0x0  }
0x29: {  	s11 =	simm.s32 $0x3400;
	s20 =	rddreg [dreg:$0x4];
	[sflag:s15] =	ssyncadd.s32 $0xFFFFCC00  }
0x2a: {  	[tilespmem:s11], [sflag:$0x9] =	stream.linear.gather [hbm4b:s20+s13], $0x3400, $0x38;
	[tilespmem:$0x18E00] =	vst v63  }
0x2b: {  	_ =	swait.ge [sflag:s15], $0x3400  }
0x2c: {  	[sflag:s15] =	ssyncset.done $0x0  }
0x2d: {  	s12 =	simm.s32 $0xF800;
	[sflag:s15] =	ssyncadd.s32 $0xFFFFCC00  }
0x2e: {  	[spmem:s14] =	stream.linear.scatter [tilespmem:s12], [sflag:$0x9], $0x1E00, $0x38;
	[tilespmem:$0x18E00] =	vst v63  }
0x2f: {  	_ =	swait.ge [sflag:s15], $0x1E00  }
0x30: {  	[sflag:s15] =	ssyncset.done $0x0  }
0x31: {  	s21 =	rddreg [dreg:$0x6];
	[sflag:s15] =	ssyncadd.s32 $0xFFFFE200  }
0x32: {  	[spmem:s21] =	stream.linear.scatter [tilespmem:s12], [sflag:$0x9], $0x1E00, $0x38;
	[tilespmem:$0x18E00] =	vst v63  }
0x33: {  	_ =	swait.ge [sflag:s15], $0x1E00  }
0x34: {  	[sflag:s15] =	ssyncset.done $0x0  }
0x35: {  	s14 =	rddreg [dreg:$0x7];
	[sflag:s15] =	ssyncadd.s32 $0xFFFFE200  }
0x36: {  	[spmem:s14] =	stream.linear.scatter [tilespmem:s12], [sflag:$0x9], $0x1E00, $0x38;
	[tilespmem:$0x18E00] =	vst v63  }
0x37: {  	_ =	swait.ge [sflag:s15], $0x1E00  }
0x38: {  	[sflag:s15] =	ssyncset.done $0x0  }
0x39: {  	s17 =	rddreg [dreg:$0x8];
	[sflag:s15] =	ssyncadd.s32 $0xFFFFE200  }
0x3a: {  	[spmem:s17] =	stream.linear.scatter [tilespmem:s12], [sflag:$0x9], $0x1E00, $0x38;
	[tilespmem:$0x18E00] =	vst v63  }
0x3b: {  	_ =	swait.ge [sflag:s15], $0x1E00  }
0x3c: {  	[sflag:s15] =	ssyncset.done $0x0  }
0x3d: {  	[sflag:s15] =	ssyncadd.s32 $0xFFFFE200  }
0x3e: {  	[bflag:$0x0] =	sbarrier.arrive $0xFFFF  }
0x3f: {  	s19 =	simm.s32 $0xA800;
	s18 =	rddreg [dreg:$0x9]  }
0x40: {  	[tilespmem:s19], [sflag:$0x5] =	stream.linear.gather [hbm4b:s18+s13], $0x1000, $0x38;
	[tilespmem:$0x18E00] =	vst v63  }
0x41: {  	s20 =	simm.s32 $0x6800  }
0x42: {  	[tilespmem:s20], [sflag:$0x1] =	stream.indirect.gather [hbm4b:s5+s23], $0x20, s11, s23, $0xb8;
	[tilespmem:$0x18E00] =	vst v63  }
0x43: {  	s21 =	simm.s32 $0x8800  }
0x44: {  	[tilespmem:s21], [sflag:$0x3] =	stream.indirect.gather [hbm4b:s6+s23], $0x20, s13, s23, $0xb8;
	[tilespmem:$0x18E00] =	vst v63  }
.LBB2_6:
0x45: {  	s10 =	sshllo.u32 s13, $0x1  }
0x46: {  	s11 =	sadd.s32 s4, s10  }
0x47: {  	s11 =	sshll.u32 s11, $0x9  }
0x48: {  	s10 =	sshll.u32 s10, $0x7;
	s11 =	sadd.s32 s7, s11  }
0x49: {  	[tilespmem:s26], [sflag:$0x6] =	stream.linear.gather [hbm4b:s11+s3], $0x1000, $0x38;
	[tilespmem:$0x18E00] =	vst v63  }
0x4a: {  	s14 =	sadd.s32 $0x3400, s10  }
0x4b: {  	[tilespmem:s28], [sflag:$0x2] =	stream.indirect.gather [hbm4b:s5+s23], $0x20, s14, s23, $0xb8;
	[tilespmem:$0x18E00] =	vst v63  }
0x4c: {  	_ = 	snop  }
0x4d: {  	[tilespmem:s29], [sflag:$0x4] =	stream.indirect.gather [hbm4b:s6+s23], $0x20, s10, s23, $0xb8;
	[tilespmem:$0x18E00] =	vst v63  }
0x4e: {  	_ =	swait.ge [sflag:s30], $0x1000  }
0x4f: {  	[sflag:s30] =	ssyncset.done $0x0  }
0x50: {  	[sflag:s30] =	ssyncadd.s32 $0xFFFFF000  }
0x51: {  	_ =	swait.ge [sflag:s31], $0x1000  }
0x52: {  	[sflag:s31] =	ssyncset.done $0x0  }
0x53: {  	[sflag:s31] =	ssyncadd.s32 $0xFFFFF000  }
0x54: {  	_ =	swait.ge [sflag:s0], $0x1000  }
0x55: {  	p0 =	seq.s32 s13, $0x0;
	[sflag:s0] =	ssyncset.done $0x0  }
0x56: {  	s10 =	simm.s32 @!p0 $0x7;
	[sflag:s0] =	ssyncadd.s32 $0xFFFFF000  }
0x57: {  	_ =	swait.ge @!p0 [sflag:s10], $0x1800  }
0x58: {  	[sflag:s10] =	ssyncset.done @!p0 $0x0  }
0x59: {  	s20 =	simm.s32 $0x6840;
	[sflag:s10] =	ssyncadd.s32 @!p0 $0xFFFFE800  }
0x5a: {  	s12 =	simm.s32 $0x8840;
	v2 =	vld [tilespmem:s20+$0x20]  }
0x5b: {  	v3 =	vld [tilespmem:s12+$0x20]  }
0x5c: {  	s21 =	simm.s32 $0xA840;
	v4 =	vld [tilespmem:s12+$0xFFFFFFC0]  }
0x5d: {  	v5 =	vld [tilespmem:s21+$0x20]  }
0x5e: {  	v6 =	vld [tilespmem:s20+$0xFFFFFFE0]  }
0x5f: {  	v7 =	vld [tilespmem:s12+$0xFFFFFFE0]  }
0x60: {  	v8 =	vld [tilespmem:s20+$0xFFFFFFC0]  }
0x61: {  	v9 =	vld [tilespmem:s20+$0x0]  }
0x62: {  	s18 =	simm.s32 $0x88C0;
	v10 =	vld [tilespmem:s12+$0x0]  }
0x63: {  	v11 =	vld [tilespmem:s18+$0x20]  }
0x64: {  	s10 =	simm.s32 $0xA8C0;
	v12 =	vld [tilespmem:s18+$0xFFFFFFC0]  }
0x65: {  	s19 =	simm.s32 $0x68C0;
	v13 =	vld [tilespmem:s10+$0x20]  }
0x66: {  	v14 =	vld [tilespmem:s19+$0xFFFFFFE0]  }
0x67: {  	v15 =	vld [tilespmem:s18+$0xFFFFFFE0]  }
0x68: {  	v16 =	vld [tilespmem:s19+$0x0]  }
0x69: {  	v17 =	vld [tilespmem:s19+$0xFFFFFFC0]  }
0x6a: {  	v2 =	vadd.f32 v3, v2;
	v3 =	vld [tilespmem:s21+$0xFFFFFFC0]  }
0x6b: {  	v58 =	vld [tilespmem:s10+$0xFFFFFFC0]  }
0x6c: {  	v18 =	vld [tilespmem:s10+$0xFFFFFFE0];
	v2 =	vadd.f32 v5, v2  }
0x6d: {  	v4 =	vadd.f32 v4, v8;
	v5 =	vld [tilespmem:s21+$0xFFFFFFE0]  }
0x6e: {  	s15 =	simm.s32 $0xC860;
	v8 =	vld [tilespmem:s21+$0x0];
	v2 =	vmax.f32 v2, $0.0e+00  }
0x6f: {  	[tilespmem:s15+$0x30] =	vst v2;
	v2 =	vadd.f32 v3, v4;
	v4 =	vadd.f32 v10, v9;
	v10 =	vld [tilespmem:s19+$0x20]  }
0x70: {  	v19 =	vld [tilespmem:s10+$0x0];
	v6 =	vadd.f32 v7, v6  }
0x71: {  	v3 =	vld [tilespmem:s20+$0x30]  }
0x72: {  	v7 =	vld [tilespmem:s12+$0x30];
	v5 =	vadd.f32 v5, v6;
	v2 =	vmax.f32 v2, $0.0e+00  }
0x73: {  	v6 =	vld [tilespmem:s21+$0x30];
	[tilespmem:s15+$0xFFFFFFA0] =	vst v2  }
0x74: {  	v2 =	vadd.f32 v8, v4;
	v4 =	vmax.f32 v5, $0.0e+00;
	v5 =	vld [tilespmem:s20+$0xFFFFFFD0];
	v10 =	vadd.f32 v11, v10  }
0x75: {  	[tilespmem:s15+$0xFFFFFFD0] =	vst v4;
	v4 =	vld [tilespmem:s12+$0xFFFFFFD0]  }
0x76: {  	v11 =	vld [tilespmem:s18+$0x0];
	v10 =	vadd.f32 v13, v10  }
0x77: {  	v2 =	vmax.f32 v2, $0.0e+00;
	v8 =	vld [tilespmem:s20+$0xFFFFFFF0]  }
0x78: {  	s17 =	simm.s32 $0xC920;
	[tilespmem:s15+$0x0] =	vst v2;
	v2 =	vld [tilespmem:s12+$0xFFFFFFF0];
	v10 =	vmax.f32 v10, $0.0e+00  }
0x79: {  	v3 =	vadd.f32 v7, v3;
	v7 =	vld [tilespmem:s21+$0xFFFFFFD0];
	[tilespmem:s17+$0x30] =	vst v10  }
0x7a: {  	v10 =	vld [tilespmem:s19+$0x30]  }
0x7b: {  	v12 =	vadd.f32 v12, v17;
	v59 =	vld [tilespmem:s18+$0x30]  }
0x7c: {  	v9 =	vld [tilespmem:s20+$0x10]  }
0x7d: {  	v14 =	vadd.f32 v15, v14;
	v12 =	vadd.f32 v58, v12;
	v60 =	vld [tilespmem:s10+$0x30]  }
0x7e: {  	v20 =	vld [tilespmem:s12+$0x10]  }
0x7f: {  	v14 =	vadd.f32 v18, v14;
	v12 =	vmax.f32 v12, $0.0e+00;
	v61 =	vld [tilespmem:s21+$0xFFFFFFF0];
	v11 =	vadd.f32 v11, v16  }
0x80: {  	[tilespmem:s17+$0xFFFFFFA0] =	vst v12;
	v62 =	vld [tilespmem:s21+$0x10];
	v6 =	vadd.f32 v6, v3;
	v10 =	vadd.f32 v59, v10  }
0x81: {  	v3 =	vld [tilespmem:s19+$0xFFFFFFD0];
	v63 =	vadd.f32 v4, v5;
	v5 =	vmax.f32 v14, $0.0e+00;
	v4 =	vadd.f32 v19, v11  }
0x82: {  	v6 =	vmax.f32 v6, $0.0e+00;
	v2 =	vadd.f32 v2, v8;
	[tilespmem:s17+$0xFFFFFFD0] =	vst v5;
	v5 =	vld [tilespmem:s18+$0xFFFFFFD0];
	v8 =	vadd.f32 v60, v10  }
0x83: {  	[tilespmem:s15+$0x40] =	vst v6;
	v6 =	vmax.f32 v4, $0.0e+00;
	v4 =	vld [tilespmem:s19+$0xFFFFFFF0];
	v10 =	vadd.f32 v20, v9;
	v9 =	vadd.f32 v7, v63  }
0x84: {  	s11 =	simm.s32 $0x4;
	s20 =	sshll.u32 s13, $0x1;
	[tilespmem:s17+$0x0] =	vst v6;
	v6 =	vld [tilespmem:s18+$0xFFFFFFF0];
	v7 =	vadd.f32 v61, v2;
	v8 =	vmax.f32 v8, $0.0e+00  }
0x85: {  	s21 =	simm.s32 $0x6940;
	s12 =	simm.s32 $0xA8C0;
	v2 =	vld [tilespmem:s19+$0x10];
	s19 =	simm.s32 $0x88C0;
	v9 =	vmax.f32 v9, $0.0e+00;
	[tilespmem:s17+$0x40] =	vst v8;
	v8 =	vadd.f32 v62, v10  }
.LBB2_7:
0x86: {  	v10 =	vld [tilespmem:s21+$0x20];
	s18 =	sadd.s32 $0x80, s18;
	[tilespmem:s15+$0xFFFFFFB0] =	vst v9;
	v7 =	vmax.f32 v7, $0.0e+00  }
0x87: {  	v9 =	vld [tilespmem:s18+$0x20];
	v11 =	vadd.f32 v5, v3;
	[tilespmem:s15+$0xFFFFFFE0] =	vst v7;
	v3 =	vmax.f32 v8, $0.0e+00  }
0x88: {  	s11 =	sadd.s32 $0x4, s11;
	s10 =	sadd.s32 $0x80, s10;
	v5 =	vld [tilespmem:s18+$0xFFFFFFC0];
	[tilespmem:s15+$0x10] =	vst v3;
	s15 =	smov.u32 s17  }
0x89: {  	p1 =	slt.u32 s11, $0x7C;
	v3 =	vld [tilespmem:s10+$0x20];
	v7 =	vadd.f32 v6, v4  }
0x8a: {  	v4 =	vld [tilespmem:s21+$0xFFFFFFE0]  }
0x8b: {  	v6 =	vld [tilespmem:s18+$0xFFFFFFE0]  }
0x8c: {  	v8 =	vld [tilespmem:s21+$0x0];
	v9 =	vadd.f32 v9, v10  }
0x8d: {  	v10 =	vld [tilespmem:s18+$0x0]  }
0x8e: {  	v12 =	vld [tilespmem:s21+$0xFFFFFFC0];
	v3 =	vadd.f32 v3, v9  }
0x8f: {  	v9 =	vld [tilespmem:s10+$0xFFFFFFC0]  }
0x90: {  	s17 =	sadd.s32 $0xC0, s17;
	v4 =	vadd.f32 v6, v4;
	v6 =	vld [tilespmem:s10+$0xFFFFFFE0];
	v3 =	vmax.f32 v3, $0.0e+00  }
0x91: {  	v13 =	vld [tilespmem:s10+$0x0];
	[tilespmem:s17+$0x30] =	vst v3  }
0x92: {  	v3 =	vadd.f32 v10, v8;
	v8 =	vld [tilespmem:s21+$0x30]  }
0x93: {  	v5 =	vadd.f32 v5, v12;
	v10 =	vld [tilespmem:s18+$0x30]  }
0x94: {  	v12 =	vld [tilespmem:s19+$0x10];
	s19 =	smov.u32 s18  }
0x95: {  	v5 =	vadd.f32 v9, v5;
	v4 =	vadd.f32 v6, v4;
	v6 =	vld [tilespmem:s10+$0x30]  }
0x96: {  	v3 =	vadd.f32 v13, v3;
	v9 =	vld [tilespmem:s12+$0xFFFFFFD0]  }
0x97: {  	v5 =	vmax.f32 v5, $0.0e+00;
	v4 =	vmax.f32 v4, $0.0e+00;
	v13 =	vld [tilespmem:s12+$0xFFFFFFF0]  }
0x98: {  	[tilespmem:s17+$0xFFFFFFA0] =	vst v5;
	v14 =	vmax.f32 v3, $0.0e+00;
	v8 =	vadd.f32 v10, v8;
	v10 =	vld [tilespmem:s12+$0x10];
	s12 =	smov.u32 s10  }
.Ltmp2:
0x99: {  	v3 =	vld [tilespmem:s21+$0xFFFFFFD0];
	[tilespmem:s17+$0xFFFFFFD0] =	vst v4;
	v12 =	vadd.f32 v12, v2;
	(pc) =	sbr.rel @p1 .LBB2_7-.Ltmp2, $4  }
0x9a: {  	v5 =	vld [tilespmem:s18+$0xFFFFFFD0];
	[tilespmem:s17+$0x0] =	vst v14;
	v2 =	vadd.f32 v6, v8  }
0x9b: {  	v4 =	vld [tilespmem:s21+$0xFFFFFFF0];
	v8 =	vadd.f32 v9, v11  }
0x9c: {  	v6 =	vld [tilespmem:s18+$0xFFFFFFF0];
	v9 =	vmax.f32 v2, $0.0e+00;
	v7 =	vadd.f32 v13, v7  }
0x9d: {  	v2 =	vld [tilespmem:s21+$0x10];
	[tilespmem:s17+$0x40] =	vst v9;
	s21 =	sadd.s32 $0x80, s21;
	v9 =	vmax.f32 v8, $0.0e+00;
	v8 =	vadd.f32 v10, v12  }
0x9e: {  	v10 =	vld [tilespmem:s19+$0x10]  }
0x9f: {  	v11 =	vld [tilespmem:s12+$0xFFFFFFD0]  }
0xa0: {  	v12 =	vld [tilespmem:s12+$0xFFFFFFF0]  }
0xa1: {  	v13 =	vld [tilespmem:s12+$0x10]  }
0xa2: {  	v3 =	vadd.f32 v5, v3  }
0xa3: {  	v4 =	vadd.f32 v6, v4  }
0xa4: {  	[tilespmem:s15+$0xFFFFFFB0] =	vst v9;
	v5 =	vmax.f32 v7, $0.0e+00;
	v2 =	vadd.f32 v10, v2;
	v3 =	vadd.f32 v11, v3  }
0xa5: {  	[tilespmem:s15+$0xFFFFFFE0] =	vst v5;
	v5 =	vmax.f32 v8, $0.0e+00;
	v4 =	vadd.f32 v12, v4  }
0xa6: {  	[tilespmem:s15+$0x10] =	vst v5;
	v3 =	vmax.f32 v3, $0.0e+00;
	v2 =	vadd.f32 v13, v2  }
0xa7: {  	s10 =	sshll.u32 s13, $0xA;
	[tilespmem:s17+$0xFFFFFFB0] =	vst v3;
	v3 =	vmax.f32 v4, $0.0e+00  }
0xa8: {  	s10 =	sshra.s32 s10, $0x2;
	[tilespmem:s17+$0xFFFFFFE0] =	vst v3;
	v2 =	vmax.f32 v2, $0.0e+00  }
0xa9: {  	p1 =	sge.u32 s13, s16;
	s10 =	sadd.s32 $0x3400, s10;
	[tilespmem:s17+$0x10] =	vst v2  }
0xaa: {  	[spmem:s2] =	stream.indirect.scatter.add.f32 [tilespmem:s22], [sflag:$0x7], $0x30, s10, s23, $0xb8;
	[tilespmem:$0x18E00] =	vst v63  }
0xab: {  	s10 =	sadd.s32 @!p1 $0x2, s20  }
0xac: {  	s11 =	sadd.s32 @!p1 s4, s10  }
0xad: {  	s12 =	simm.s32 @!p1 $0x0;
	s11 =	sshll.u32 @!p1 s11, $0x9  }
0xae: {  	s15 =	simm.s32 @!p1 $0xA800;
	s10 =	sshll.u32 @!p1 s10, $0x7;
	s11 =	sadd.s32 @!p1 s7, s11  }
0xaf: {  	[tilespmem:s15], [sflag:$0x5] =	stream.linear.gather @!p1 [hbm4b:s11+s12], $0x1000, $0x38;
	[tilespmem:$0x18E00] =	vst v63  }
0xb0: {  	s11 =	sadd.s32 @!p1 $0x3400, s10;
	s12 =	simm.s32 @!p1 $0x80;
	s15 =	simm.s32 @!p1 $0x6800  }
0xb1: {  	[tilespmem:s15], [sflag:$0x1] =	stream.indirect.gather @!p1 [hbm4b:s5+s12], $0x20, s11, s12, $0xb8;
	[tilespmem:$0x18E00] =	vst v63  }
0xb2: {  	s11 =	simm.s32 @!p1 $0x8800  }
0xb3: {  	[tilespmem:s11], [sflag:$0x3] =	stream.indirect.gather @!p1 [hbm4b:s6+s12], $0x20, s10, s12, $0xb8;
	[tilespmem:$0x18E00] =	vst v63  }
0xb4: {  	_ =	swait.ge [sflag:s24], $0x1000  }
0xb5: {  	[sflag:s24] =	ssyncset.done $0x0  }
0xb6: {  	[sflag:s24] =	ssyncadd.s32 $0xFFFFF000  }
0xb7: {  	_ =	swait.ge [sflag:s25], $0x1000  }
0xb8: {  	[sflag:s25] =	ssyncset.done $0x0  }
0xb9: {  	[sflag:s25] =	ssyncadd.s32 $0xFFFFF000  }
0xba: {  	_ =	swait.ge [sflag:s1], $0x1000  }
0xbb: {  	[sflag:s1] =	ssyncset.done $0x0  }
0xbc: {  	s10 =	simm.s32 @!p0 $0x8;
	[sflag:s1] =	ssyncadd.s32 $0xFFFFF000  }
0xbd: {  	_ =	swait.ge @!p0 [sflag:s10], $0x1800  }
0xbe: {  	[sflag:s10] =	ssyncset.done @!p0 $0x0  }
0xbf: {  	s18 =	simm.s32 $0x7840;
	[sflag:s10] =	ssyncadd.s32 @!p0 $0xFFFFE800  }
0xc0: {  	s19 =	simm.s32 $0x9840;
	v2 =	vld [tilespmem:s18+$0x20]  }
0xc1: {  	v3 =	vld [tilespmem:s19+$0x20]  }
0xc2: {  	s20 =	simm.s32 $0xB840;
	v4 =	vld [tilespmem:s19+$0xFFFFFFC0]  }
0xc3: {  	v5 =	vld [tilespmem:s20+$0x20]  }
0xc4: {  	v6 =	vld [tilespmem:s18+$0xFFFFFFE0]  }
0xc5: {  	v7 =	vld [tilespmem:s19+$0xFFFFFFE0]  }
0xc6: {  	v8 =	vld [tilespmem:s18+$0xFFFFFFC0]  }
0xc7: {  	v9 =	vld [tilespmem:s18+$0x0]  }
0xc8: {  	v2 =	vadd.f32 v3, v2;
	v3 =	vld [tilespmem:s20+$0xFFFFFFC0]  }
0xc9: {  	v10 =	vld [tilespmem:s19+$0x0]  }
0xca: {  	v2 =	vadd.f32 v5, v2;
	v5 =	vld [tilespmem:s20+$0xFFFFFFE0]  }
0xcb: {  	s10 =	simm.s32 $0xB8C0;
	v4 =	vadd.f32 v4, v8;
	v8 =	vld [tilespmem:s20+$0x0]  }
0xcc: {  	s21 =	simm.s32 $0x78C0;
	s15 =	simm.s32 $0xE060;
	v57 =	vld [tilespmem:s10+$0x20];
	v2 =	vmax.f32 v2, $0.0e+00  }
0xcd: {  	v14 =	vld [tilespmem:s21+$0xFFFFFFE0];
	v6 =	vadd.f32 v7, v6;
	[tilespmem:s15+$0x30] =	vst v2;
	v2 =	vadd.f32 v3, v4  }
0xce: {  	v16 =	vld [tilespmem:s21+$0x0];
	v4 =	vadd.f32 v10, v9  }
0xcf: {  	v17 =	vld [tilespmem:s21+$0xFFFFFFC0];
	v5 =	vadd.f32 v5, v6;
	v2 =	vmax.f32 v2, $0.0e+00  }
0xd0: {  	v10 =	vld [tilespmem:s21+$0x20];
	[tilespmem:s15+$0xFFFFFFA0] =	vst v2;
	v2 =	vadd.f32 v8, v4  }
0xd1: {  	v3 =	vld [tilespmem:s18+$0x30];
	v4 =	vmax.f32 v5, $0.0e+00  }
0xd2: {  	v5 =	vld [tilespmem:s18+$0xFFFFFFD0];
	[tilespmem:s15+$0xFFFFFFD0] =	vst v4;
	v2 =	vmax.f32 v2, $0.0e+00  }
0xd3: {  	v8 =	vld [tilespmem:s18+$0xFFFFFFF0];
	[tilespmem:s15+$0x0] =	vst v2  }
0xd4: {  	v9 =	vld [tilespmem:s18+$0x10];
	s18 =	simm.s32 $0x98C0  }
0xd5: {  	v11 =	vld [tilespmem:s18+$0x20]  }
0xd6: {  	v58 =	vld [tilespmem:s10+$0xFFFFFFC0]  }
0xd7: {  	v18 =	vld [tilespmem:s10+$0xFFFFFFE0]  }
0xd8: {  	v19 =	vld [tilespmem:s10+$0x0]  }
0xd9: {  	v7 =	vld [tilespmem:s19+$0x30]  }
0xda: {  	v6 =	vld [tilespmem:s20+$0x30];
	v10 =	vadd.f32 v11, v10  }
0xdb: {  	v4 =	vld [tilespmem:s19+$0xFFFFFFD0]  }
0xdc: {  	v56 =	vld [tilespmem:s18+$0xFFFFFFC0];
	v10 =	vadd.f32 v57, v10  }
0xdd: {  	v2 =	vld [tilespmem:s19+$0xFFFFFFF0]  }
0xde: {  	s17 =	simm.s32 $0xE120;
	v15 =	vld [tilespmem:s18+$0xFFFFFFE0];
	v10 =	vmax.f32 v10, $0.0e+00  }
0xdf: {  	v11 =	vld [tilespmem:s18+$0x0];
	[tilespmem:s17+$0x30] =	vst v10  }
0xe0: {  	v10 =	vld [tilespmem:s21+$0x30]  }
0xe1: {  	v12 =	vadd.f32 v56, v17;
	v59 =	vld [tilespmem:s18+$0x30]  }
0xe2: {  	v3 =	vadd.f32 v7, v3;
	v7 =	vld [tilespmem:s20+$0xFFFFFFD0]  }
0xe3: {  	v14 =	vadd.f32 v15, v14;
	v12 =	vadd.f32 v58, v12;
	v60 =	vld [tilespmem:s10+$0x30]  }
0xe4: {  	v20 =	vld [tilespmem:s19+$0x10]  }
0xe5: {  	v61 =	vld [tilespmem:s20+$0xFFFFFFF0];
	v14 =	vadd.f32 v18, v14;
	v12 =	vmax.f32 v12, $0.0e+00;
	v11 =	vadd.f32 v11, v16  }
0xe6: {  	v62 =	vld [tilespmem:s20+$0x10];
	v6 =	vadd.f32 v6, v3;
	[tilespmem:s17+$0xFFFFFFA0] =	vst v12;
	v10 =	vadd.f32 v59, v10  }
0xe7: {  	v63 =	vadd.f32 v4, v5;
	v5 =	vmax.f32 v14, $0.0e+00;
	v3 =	vld [tilespmem:s21+$0xFFFFFFD0];
	v4 =	vadd.f32 v19, v11  }
0xe8: {  	v6 =	vmax.f32 v6, $0.0e+00;
	v2 =	vadd.f32 v2, v8;
	[tilespmem:s17+$0xFFFFFFD0] =	vst v5;
	v5 =	vld [tilespmem:s18+$0xFFFFFFD0];
	v8 =	vadd.f32 v60, v10  }
0xe9: {  	[tilespmem:s15+$0x40] =	vst v6;
	v6 =	vmax.f32 v4, $0.0e+00;
	v4 =	vld [tilespmem:s21+$0xFFFFFFF0];
	v10 =	vadd.f32 v20, v9;
	v9 =	vadd.f32 v7, v63  }
0xea: {  	s11 =	simm.s32 $0x4;
	[tilespmem:s17+$0x0] =	vst v6;
	v6 =	vld [tilespmem:s18+$0xFFFFFFF0];
	v7 =	vadd.f32 v61, v2;
	v8 =	vmax.f32 v8, $0.0e+00  }
0xeb: {  	s12 =	simm.s32 $0xB8C0;
	s20 =	simm.s32 $0x7940;
	s19 =	simm.s32 $0x98C0;
	v2 =	vld [tilespmem:s21+$0x10];
	v9 =	vmax.f32 v9, $0.0e+00;
	[tilespmem:s17+$0x40] =	vst v8;
	v8 =	vadd.f32 v62, v10  }
.LBB2_9:
0xec: {  	v10 =	vld [tilespmem:s20+$0x20];
	s18 =	sadd.s32 $0x80, s18;
	[tilespmem:s15+$0xFFFFFFB0] =	vst v9;
	v7 =	vmax.f32 v7, $0.0e+00  }
0xed: {  	v9 =	vld [tilespmem:s18+$0x20];
	v11 =	vadd.f32 v5, v3;
	[tilespmem:s15+$0xFFFFFFE0] =	vst v7;
	v3 =	vmax.f32 v8, $0.0e+00  }
0xee: {  	s11 =	sadd.s32 $0x4, s11;
	s10 =	sadd.s32 $0x80, s10;
	v5 =	vld [tilespmem:s18+$0xFFFFFFC0];
	[tilespmem:s15+$0x10] =	vst v3;
	s15 =	smov.u32 s17  }
0xef: {  	p0 =	slt.u32 s11, $0x7C;
	v3 =	vld [tilespmem:s10+$0x20];
	v7 =	vadd.f32 v6, v4  }
0xf0: {  	v4 =	vld [tilespmem:s20+$0xFFFFFFE0]  }
0xf1: {  	v6 =	vld [tilespmem:s18+$0xFFFFFFE0]  }
0xf2: {  	v8 =	vld [tilespmem:s20+$0x0];
	v9 =	vadd.f32 v9, v10  }
0xf3: {  	v10 =	vld [tilespmem:s18+$0x0]  }
0xf4: {  	v12 =	vld [tilespmem:s20+$0xFFFFFFC0];
	v3 =	vadd.f32 v3, v9  }
0xf5: {  	v9 =	vld [tilespmem:s10+$0xFFFFFFC0]  }
0xf6: {  	s17 =	sadd.s32 $0xC0, s17;
	v4 =	vadd.f32 v6, v4;
	v6 =	vld [tilespmem:s10+$0xFFFFFFE0];
	v3 =	vmax.f32 v3, $0.0e+00  }
0xf7: {  	v13 =	vld [tilespmem:s10+$0x0];
	[tilespmem:s17+$0x30] =	vst v3  }
0xf8: {  	v3 =	vadd.f32 v10, v8;
	v8 =	vld [tilespmem:s20+$0x30]  }
0xf9: {  	v5 =	vadd.f32 v5, v12;
	v10 =	vld [tilespmem:s18+$0x30]  }
0xfa: {  	v12 =	vld [tilespmem:s19+$0x10];
	s19 =	smov.u32 s18  }
0xfb: {  	v5 =	vadd.f32 v9, v5;
	v4 =	vadd.f32 v6, v4;
	v6 =	vld [tilespmem:s10+$0x30]  }
0xfc: {  	v3 =	vadd.f32 v13, v3;
	v9 =	vld [tilespmem:s12+$0xFFFFFFD0]  }
0xfd: {  	v5 =	vmax.f32 v5, $0.0e+00;
	v4 =	vmax.f32 v4, $0.0e+00;
	v13 =	vld [tilespmem:s12+$0xFFFFFFF0]  }
0xfe: {  	[tilespmem:s17+$0xFFFFFFA0] =	vst v5;
	v14 =	vmax.f32 v3, $0.0e+00;
	v8 =	vadd.f32 v10, v8;
	v10 =	vld [tilespmem:s12+$0x10];
	s12 =	smov.u32 s10  }
.Ltmp3:
0xff: {  	v3 =	vld [tilespmem:s20+$0xFFFFFFD0];
	[tilespmem:s17+$0xFFFFFFD0] =	vst v4;
	v12 =	vadd.f32 v12, v2;
	(pc) =	sbr.rel @p0 .LBB2_9-.Ltmp3, $4  }
0x100: {  	v5 =	vld [tilespmem:s18+$0xFFFFFFD0];
	[tilespmem:s17+$0x0] =	vst v14;
	v2 =	vadd.f32 v6, v8  }
0x101: {  	v4 =	vld [tilespmem:s20+$0xFFFFFFF0];
	v8 =	vadd.f32 v9, v11  }
0x102: {  	v6 =	vld [tilespmem:s18+$0xFFFFFFF0];
	v9 =	vmax.f32 v2, $0.0e+00;
	v7 =	vadd.f32 v13, v7  }
0x103: {  	v2 =	vld [tilespmem:s20+$0x10];
	[tilespmem:s17+$0x40] =	vst v9;
	s20 =	sadd.s32 $0x80, s20;
	v9 =	vmax.f32 v8, $0.0e+00;
	v8 =	vadd.f32 v10, v12  }
0x104: {  	v10 =	vld [tilespmem:s19+$0x10]  }
0x105: {  	v11 =	vld [tilespmem:s12+$0xFFFFFFD0]  }
0x106: {  	v12 =	vld [tilespmem:s12+$0xFFFFFFF0]  }
0x107: {  	v13 =	vld [tilespmem:s12+$0x10]  }
0x108: {  	v3 =	vadd.f32 v5, v3  }
0x109: {  	v4 =	vadd.f32 v6, v4  }
0x10a: {  	[tilespmem:s15+$0xFFFFFFB0] =	vst v9;
	v62 =	vmax.f32 v7, $0.0e+00;
	s13 =	sadd.s32 $0x1, s13;
	v2 =	vadd.f32 v10, v2;
	v3 =	vadd.f32 v11, v3  }
0x10b: {  	[tilespmem:s15+$0xFFFFFFE0] =	vst v62;
	v63 =	vmax.f32 v8, $0.0e+00;
	p0 =	sne.s32 s13, s8;
	v4 =	vadd.f32 v12, v4  }
.Ltmp4:
0x10c: {  	[tilespmem:s15+$0x10] =	vst v63;
	v3 =	vmax.f32 v3, $0.0e+00;
	v2 =	vadd.f32 v13, v2;
	(pc) =	sbr.rel @p0 .LBB2_6-.Ltmp4, $4  }
0x10d: {  	[tilespmem:s17+$0xFFFFFFB0] =	vst v3;
	v3 =	vmax.f32 v4, $0.0e+00  }
0x10e: {  	[tilespmem:s17+$0xFFFFFFE0] =	vst v3;
	v2 =	vmax.f32 v2, $0.0e+00  }
0x10f: {  	[tilespmem:s17+$0x10] =	vst v2  }
0x110: {  	[spmem:s2] =	stream.indirect.scatter.add.f32 [tilespmem:s9], [sflag:$0x8], $0x30, s14, s23, $0xb8;
	[tilespmem:$0x18E00] =	vst v63  }
0x111: {  	s10 =	simm.s32 $0x7  }
0x112: {  	_ =	swait.ge [sflag:s10], $0x1800  }
0x113: {  	[sflag:s10] =	ssyncset.done $0x0  }
0x114: {  	s18 =	simm.s32 $0x8;
	[sflag:s10] =	ssyncadd.s32 $0xFFFFE800  }
0x115: {  	_ =	swait.ge [sflag:s18], $0x1800  }
0x116: {  	[sflag:s18] =	ssyncset.done $0x0  }
0x117: {  	[sflag:s18] =	ssyncadd.s32 $0xFFFFE800  }
0x118: {  	s19 =	stileid.u32;
	[bflag:$0x0] =	sbarrier.arrive $0xFFFF  }
0x119: {  	s15 =	simm.s32 $0x9;
	s10 =	sshll.u32 s19, $0x6;
	s14 =	rddreg [dreg:$0x5]  }
0x11a: {  	s10 =	sor.u32 $0x1C09, s10;
	s12 =	rddreg [dreg:$0xa];
	s11 =	sshrl.u32 s14, $0x3  }
0x11b: {  	[hbm:s12], [sflag:s10] =	dma.local [spmem:s11], $0xF00  }
0x11c: {  	_ =	swait.ge [sflag:s15], $0xF00  }
0x11d: {  	s20 =	rddreg [dreg:$0xc]  }
0x11e: {  	s21 =	rddreg [dreg:$0xb];
	s11 =	sadd.s32 $0x1, s20  }
0x11f: {  	p0 =	sne.s32 s11, s21  }
.Ltmp5:
0x120: {  	_ = 	snop;
	(pc) =	sbr.rel @p0 .LBB2_1-.Ltmp5, $3  }
0x121: {  	_ =	sdelay $0x1  }
0x122: {  	[sflag:s15] =	ssyncset.done $0x0  }
0x123: {  	[sflag:s15] =	ssyncadd.s32 $0xFFFFF100  }
0x124: {  	_ =	sfence.sel $0x180000  }
0x125: {  	[bflag:$0x0] =	sbarrier.arrive $0xFFFF  }
0x126: {  	_ =	strace $0x90000050  }
0x127: {  	s0 =	stileid.u32;
	[bflag:$0x2] =	sbarrier.arrive $0xFFFF  }
0x128: {  	p0 =	sne.s32 s0, $0x0;
	s0 =	rddreg [dreg:$0x2]  }
0x129: {  	s0 =	sadd.s32 @!p0 $0x100000, s0  }
0x12a: {  	[sflag:s0] =	ssyncadd.tile.s32 @!p0 $0x1;
	_ =	shalt  }
.Lfunc_end2:
_tile_overlayer_lowered:
.L_overlay_start_2:
0x12b: {  	(tag) =	ssettag $0x2  }
0x12c: {  	s0 =	rddreg [dreg:$0x0];
	s2 =	stileid.u32  }
0x12d: {  	s1 =	rddreg [dreg:$0x1];
	p0 =	sne.s32 s2, $0x0  }
0x12e: {  	s3 =	rddreg [dreg:$0x2];
	[bflag:$0x3] =	sbarrier.arrive $0xFFFF;
	s2 =	simm.s32 @!p0 $0x1C09  }
0x12f: {  	[timem:s3], [sflag:s2] =	dma.local @!p0 [hbm:s0], s1  }
0x130: {  	s0 =	simm.s32 @!p0 $0x9  }
0x131: {  	_ =	swait.ge @!p0 [sflag:s0], s1  }
0x132: {  	s1 =	ssub.s32 @!p0 $0x0, s1;
	[sflag:s0] =	ssyncset.done @!p0 $0x0  }
0x133: {  	[sflag:s0] =	ssyncadd.s32 @!p0 s1  }
0x134: {  	[bflag:$0x3] =	sbarrier.arrive $0xFFFF  }
0x135: {  	_ =	shalt  }

// kernel: kernel.8.cloned.1.call-start
scs
__scs_entry_jumppad:
0x0: {  	(pc) =	sbr.rel $0x88, $3  }
0x1: {  	(tag) =	ssettag $0x0;
	lr =	simm.s32 $0x1  }
0x2: {  	[smem:$0x3F8D] =	sst lr;
	_ =	strace $0xD0000000  }
0x3: {  	_ = 	snop  }
0x4: {  	_ = 	snop  }
0x5: {  	_ = 	snop  }
0x6: {  	_ = 	snop  }
0x7: {  	_ = 	snop  }
__scs_overlays_trampoline_lowered:
0x8: {  	[smem:$0x3F9C] =	sst s0  }
0x9: {  	[smem:$0x3F9D] =	sst s1  }
0xa: {  	[smem:$0x3F9E] =	sst s2  }
0xb: {  	[smem:$0x3F9F] =	sst s3  }
0xc: {  	[smem:$0x3FA0] =	sst s4  }
0xd: {  	[smem:$0x3FA1] =	sst s5  }
0xe: {  	[smem:$0x3FA2] =	sst s6  }
0xf: {  	[smem:$0x3FA3] =	sst s7  }
0x10: {  	[smem:$0x3FA4] =	sst s8  }
0x11: {  	[smem:$0x3FA5] =	sst s9;
	s0 =	simm.s32 @!p0 $0x0  }
0x12: {  	s1 =	sld [smem:$0x3F8B];
	s0 =	simm.s32 @p0 $0x1  }
0x13: {  	[smem:$0x3FA6] =	sst s0;
	s0 =	simm.s32 @!p1 $0x0  }
0x14: {  	s2 =	sld [smem:$0x3F8A];
	s0 =	simm.s32 @p1 $0x1  }
0x15: {  	[smem:$0x3FA7] =	sst s0;
	s0 =	simm.s32 @!p2 $0x0  }
0x16: {  	s3 =	sld [smem:$0x3FDB];
	s0 =	simm.s32 @p2 $0x1  }
0x17: {  	s4 =	simm.s32 $0x1BF5;
	[smem:$0x3FA9] =	sst s0  }
0x18: {  	s0 =	sld [smem:$0x3F8C];
	_ =	swait.ge [sflag:s4], $0x0  }
0x19: {  	s7 =	sld [smem:$0x3F8D]  }
0x1a: {  	s8 =	sadd.s32 $0xFFFFE003, lr  }
0x1b: {  	s9 =	sadd.s32 $0xFFFFFEF7, lr;
	s5 =	simm.s32 $0xFFFFFFFF;
	p2 =	slt.u32 s8, $0xFFFFF086  }
0x1c: {  	p1 =	slt.u32 s9, $0xF7A;
	s5 =	simm.s32 @!p2 $0x0  }
0x1d: {  	s5 =	simm.s32 @p1 $0x1;
	p0 =	seq.s32 s7, s2  }
0x1e: {  	s7 =	smul.u32 @!p0 $0xF7A, s2;
	p2 =	seq.s32 @!p0 s5, $0x0  }
0x1f: {  	s9 =	smul.u32 $0xF7A, s1;
	s8 =	simm.s32 @!p0 $0x1BF5;
	p2 =	por !p2, p0  }
0x20: {  	[sflag:s8] =	ssyncset.s32 @!p0 $0xFFFFF086;
	s6 =	sadd.s32 @!p0 s3, s7;
	s7 =	simm.s32 @!p0 $0x108  }
0x21: {  	s3 =	sadd.s32 s3, s9;
	s6 =	sadd.s32 @!p0 $0x88, s6;
	s7 =	simm.s32 @p2 $0x1082  }
0x22: {  	[simem:s7], [sflag:s8] =	dma.local @!p0 [hbm:s6], $0xF7A  }
0x23: {  	s9 =	sor.u32 $0xD0000000, s2;
	s6 =	simm.s32 $0x108;
	_ =	swait.ge @!p0 [sflag:s8], $0x0  }
0x24: {  	s3 =	sadd.s32 $0x88, s3;
	s6 =	simm.s32 @!p1 $0x1082;
	[sflag:s4] =	ssyncset.s32 $0xFFFFF086  }
0x25: {  	[simem:s6], [sflag:s4] =	dma.local [hbm:s3], $0xF7A  }
0x26: {  	[smem:$0x3F8D] =	sst s1;
	(tag) =	ssettag s2;
	_ =	strace s9  }
0x27: {  	s1 =	sld [smem:$0x3F9D]  }
0x28: {  	s2 =	sld [smem:$0x3F9E]  }
0x29: {  	s4 =	sld [smem:$0x3FA0]  }
0x2a: {  	p0 =	seq.s32 s5, $0x0;
	s5 =	sld [smem:$0x3FA1]  }
0x2b: {  	s6 =	sld [smem:$0x3FA2]  }
0x2c: {  	s7 =	sld [smem:$0x3FA3]  }
0x2d: {  	s3 =	simm.s32 $0x108;
	s8 =	sld [smem:$0x3FA4]  }
0x2e: {  	s3 =	simm.s32 @!p0 $0x1082;
	s9 =	sld [smem:$0x3FA5]  }
0x2f: {  	lr =	sadd.s32 s0, s3;
	s0 =	sld [smem:$0x3F9C]  }
0x30: {  	s3 =	sld [smem:$0x3F9F]  }
0x31: {  	[smem:$0x3FA8] =	sst s10  }
0x32: {  	s10 =	sld [smem:$0x3FA6];
	_ =	sdelay $0x3  }
0x33: {  	p0 =	seq.s32 s10, $0x1;
	s10 =	sld [smem:$0x3FA8];
	_ =	sdelay $0x3  }
0x34: {  	[smem:$0x3FA8] =	sst s10  }
0x35: {  	s10 =	sld [smem:$0x3FA7];
	_ =	sdelay $0x3  }
0x36: {  	p1 =	seq.s32 s10, $0x1;
	s10 =	sld [smem:$0x3FA8];
	_ =	sdelay $0x3  }
0x37: {  	[smem:$0x3FA8] =	sst s10  }
0x38: {  	s10 =	sld [smem:$0x3FA9]  }
0x39: {  	_ = 	snop;
	(pc) =	sbr.ind lr, $3  }
0x3a: {  	_ = 	snop  }
0x3b: {  	_ = 	snop  }
0x3c: {  	p2 =	seq.s32 s10, $0x1;
	s10 =	sld [smem:$0x3FA8]  }
0x3d: {  	_ =	shalt  }
0x3e: {  	_ =	shalt  }
0x3f: {  	_ =	shalt  }
0x40: {  	_ =	shalt  }
0x41: {  	_ =	shalt  }
0x42: {  	_ =	shalt  }
0x43: {  	_ =	shalt  }
0x44: {  	_ =	shalt  }
0x45: {  	_ =	shalt  }
0x46: {  	_ =	shalt  }
0x47: {  	_ =	shalt  }
0x48: {  	_ =	shalt  }
0x49: {  	_ =	shalt  }
0x4a: {  	_ =	shalt  }
0x4b: {  	_ =	shalt  }
0x4c: {  	_ =	shalt  }
0x4d: {  	_ =	shalt  }
0x4e: {  	_ =	shalt  }
0x4f: {  	_ =	shalt  }
0x50: {  	_ =	shalt  }
0x51: {  	_ =	shalt  }
0x52: {  	_ =	shalt  }
0x53: {  	_ =	shalt  }
0x54: {  	_ =	shalt  }
0x55: {  	_ =	shalt  }
0x56: {  	_ =	shalt  }
0x57: {  	_ =	shalt  }
0x58: {  	_ =	shalt  }
0x59: {  	_ =	shalt  }
0x5a: {  	_ =	shalt  }
0x5b: {  	_ =	shalt  }
0x5c: {  	_ =	shalt  }
0x5d: {  	_ =	shalt  }
0x5e: {  	_ =	shalt  }
0x5f: {  	_ =	shalt  }
0x60: {  	_ =	shalt  }
0x61: {  	_ =	shalt  }
0x62: {  	_ =	shalt  }
0x63: {  	_ =	shalt  }
0x64: {  	_ =	shalt  }
0x65: {  	_ =	shalt  }
0x66: {  	_ =	shalt  }
0x67: {  	_ =	shalt  }
0x68: {  	_ =	shalt  }
0x69: {  	_ =	shalt  }
0x6a: {  	_ =	shalt  }
0x6b: {  	_ =	shalt  }
0x6c: {  	_ =	shalt  }
0x6d: {  	_ =	shalt  }
0x6e: {  	_ =	shalt  }
0x6f: {  	_ =	shalt  }
0x70: {  	_ =	shalt  }
0x71: {  	_ =	shalt  }
0x72: {  	_ =	shalt  }
0x73: {  	_ =	shalt  }
0x74: {  	_ =	shalt  }
0x75: {  	_ =	shalt  }
0x76: {  	_ =	shalt  }
0x77: {  	_ =	shalt  }
0x78: {  	_ =	shalt  }
0x79: {  	_ =	shalt  }
0x7a: {  	_ =	shalt  }
0x7b: {  	_ =	shalt  }
0x7c: {  	_ =	shalt  }
0x7d: {  	_ =	shalt  }
0x7e: {  	_ =	shalt  }
0x7f: {  	_ =	shalt  }
0x80: {  	_ =	shalt  }
0x81: {  	_ =	shalt  }
0x82: {  	_ =	shalt  }
0x83: {  	_ =	shalt  }
0x84: {  	_ =	shalt  }
0x85: {  	_ =	shalt  }
0x86: {  	_ =	shalt  }
0x87: {  	_ =	shalt  }
.Lfunc_end0:
.L_simem_size_0:
called_computation.2_lowered:
.L_overlay_start_0:
0x88: {  	s2 =	sld [smem:$0x3FD9]  }
0x89: {  	s3 =	sld [smem:$0x3FFE];
	_ =	sdelay $0x1  }
0x8a: {  	s1 =	srdreg.scid  }
0x8b: {  	s0 =	sand.u32 $0x1, s1  }
0x8c: {  	s16 =	sshll.u32 s0, $0xA;
	s2 =	sadd.s32 s3, s2  }
0x8d: {  	s2 =	sadd.s32 s2, s16  }
0x8e: {  	[smem:$0x3FB4] =	sst s2  }
0x8f: {  	_ = 	snop  }
0x90: {  	(tm) =	ssettm $0x1  }
0x91: {  	s17 =	sld [smem:$0x3FFB];
	_ =	sdelay $0x3  }
0x92: {  	_ =	strace s17  }
0x93: {  	s2 =	sld [smem:$0x3FFC];
	_ =	sdelay $0x3  }
0x94: {  	_ =	strace s2  }
0x95: {  	s2 =	sld [smem:$0x3FFD];
	_ =	sdelay $0x3  }
0x96: {  	_ =	strace s2  }
0x97: {  	_ =	strace $0x8FFFFFFF  }
0x98: {  	s18 =	sld [smem:$0x3FDB];
	_ =	sdelay $0x1  }
0x99: {  	s19 =	simm.s32 $_scs_section_size  }
0x9a: {  	s4 =	simm.s32 $_size__tile_overlayer_lowered;
	s5 =	simm.s32 $_tile_overlayer_lowered  }
0x9b: {  	s22 =	simm.s32 $0x1BFF;
	s21 =	sshll.u32 s5, $0x1;
	s2 =	sadd.s32 s19, s18  }
0x9c: {  	s6 =	simm.s32 $0x0;
	s20 =	sshll.u32 s4, $0x1;
	s4 =	sadd.s32 s21, s2  }
0x9d: {  	[timem:s6], [sflag:s22] =	dma.local [hbm:s4], s20  }
0x9e: {  	_ =	swait.ge [sflag:s22], s20  }
0x9f: {  	s3 =	ssub.s32 $0x0, s20;
	[sflag:s22] =	ssyncset.done $0x0  }
0xa0: {  	[sflag:s22] =	ssyncadd.s32 s3;
	_ =	sdelay $0x1  }
0xa1: {  	s23 =	simm.s32 $0x1B8B  }
0xa2: {  	_ =	swait.ge [sflag:s23], $0x1  }
0xa3: {  	[sflag:s23] =	ssyncset.done $0x0  }
0xa4: {  	s25 =	simm.s32 $0x1B8E;
	s24 =	sld [smem:$0x3FFE];
	[sflag:s23] =	ssyncadd.s32 $0xFFFFFFFF  }
0xa5: {  	s26 =	simm.s32 $execute0_lowered;
	[smem:$0x3FD2] =	sst s25  }
0xa6: {  	s4 =	sshll.u32 s26, $0x1;
	_ =	strace $0x80000049;
	[dreg:$0x1] =	wrdreg $0xFFFFFFFF  }
0xa7: {  	s28 =	simm.s32 $_size_execute0_lowered;
	s2 =	sadd.s32 s2, s4;
	[dreg:$0x0] =	wrdreg $0x0  }
0xa8: {  	s4 =	sshll.u32 s28, $0x1;
	[dreg:$0x2] =	wrdreg s2  }
0xa9: {  	[dreg:$0x3] =	wrdreg s4  }
0xaa: {  	[dreg:$0x4] =	wrdreg $0xC0  }
0xab: {  	_ =	task [dreg:s6], $0x5FFFF  }
0xac: {  	[dreg:$0x1] =	wrdreg $0xFFFFFFFF  }
0xad: {  	[dreg:$0x0] =	wrdreg $0x60  }
0xae: {  	[dreg:$0x2] =	wrdreg s24  }
0xaf: {  	[dreg:$0x3] =	wrdreg $0x116000  }
0xb0: {  	[dreg:$0x4] =	wrdreg $0xA  }
0xb1: {  	_ =	task.clear_ibuf [dreg:s6], $0x5FFFF;
	_ =	strace $0x90000049  }
0xb2: {  	s29 =	simm.s32 $0xA;
	_ =	strace $0x8000004B  }
0xb3: {  	_ =	swait.ge [sflag:s29], $0x1  }
0xb4: {  	[sflag:s29] =	ssyncadd.s32 $0xFFFFFFFF  }
0xb5: {  	_ =	strace $0x9000004B  }
0xb6: {  	_ =	sfence  }
0xb7: {  	s30 =	sld [smem:$0x0];
	_ =	sdelay $0x2  }
0xb8: {  	s31 =	sshll.u32 s1, $0xD;
	s1 =	sshrl.u32 s1, $0x2  }
0xb9: {  	s3 =	sand.u32 $0x4000, s31;
	s1 =	sadd.s32 s1, s30  }
0xba: {  	s0 =	sor.u32 s3, s0;
	s1 =	sshll.u32 s1, $0x11  }
0xbb: {  	s0 =	sor.u32 s1, s0  }
0xbc: {  	s0 =	sadd.s32 $0x8F2B, s0  }
0xbd: {  	[sflag:s0] =	ssyncadd.remote.s32 $0x1  }
0xbe: {  	_ =	sfence.sel $0xFFFF  }
0xbf: {  	[dreg:$0x0] =	wrdreg $0xFFFFFFFF;
	(pc) =	sbr.abs _section_cstart, $3  }
0xc0: {  	[dreg:$0x1] =	wrdreg $0xFFFFFFFF  }
0xc1: {  	_ =	task.clear_ibuf [dreg:s6], $0x2FFFF;
	_ =	strace $0x9FFFFFFF  }
0xc2: {  	(tm) =	ssettm $0x7FFFFFFF  }
0xc3: {  	_ =	shalt  }
tec
execute0_lowered:
.L_overlay_start_1:
0x0: {  	(tag) =	ssettag $0x1  }
0x1: {  	s0 =	rddreg [dreg:$0x0]  }
0x2: {  	s2 =	rddreg [dreg:$0x1]  }
0x3: {  	s11 =	stileid.u32;
	s3 =	simm.s32 $0x0;
	s1 =	srdreg.scid  }
0x4: {  	s15 =	simm.s32 $0x9;
	s28 =	simm.s32 $0x7800;
	s4 =	smul.u32 $0x38, s11  }
0x5: {  	s29 =	simm.s32 $0x9800;
	s30 =	simm.s32 $0x5;
	s5 =	smul.u32 $0x68, s11  }
0x6: {  	s31 =	simm.s32 $0x1;
	[smem:$0x7FF] =	sst s3;
	s9 =	smul.u32 $0x7800, s11  }
0x7: {  	s1 =	sand.u32 $0x1, s1;
	s6 =	sadd.s32 $0x3C4400, s0;
	s7 =	sadd.s32 $0x284400, s0  }
0x8: {  	s11 =	smul.u32 $0x1E000, s11;
	p0 =	seq.s32 s1, $0x0;
	_ =	strace $0x8000004A  }
0x9: {  	s8 =	smul.u32 $0x78000, s1;
	s1 =	ssub.s32 $0x2, s1;
	s4 =	sadd.s32 $0x680, s4  }
0xa: {  	s12 =	sshrl.u32 s1, $0x1;
	s11 =	sshrl.u32 s11, $0x2;
	s14 =	sadd.s32 s9, s2  }
0xb: {  	s4 =	smov.u32 @p0 s5;
	s5 =	sadd.s32 $0x3CE400, s0;
	s8 =	sadd.s32 s9, s8  }
0xc: {  	s1 =	ssub.s32 s1, s12;
	s23 =	sadd.s32 s11, s2;
	[dreg:$0x5] =	wrdreg s14  }
0xd: {  	s10 =	sshll.u32 s4, $0x4;
	s8 =	sshrl.u32 s8, $0x3;
	s24 =	sadd.s32 $0x1E00, s23  }
0xe: {  	s25 =	sshll.u32 s4, $0x9;
	s11 =	sadd.s32 $0x3C00, s23;
	s26 =	smax.u32 s1, $0x1  }
0xf: {  	s1 =	simm.s32 $0x4;
	s10 =	sadd.s32 s10, s0;
	[dreg:$0x6] =	wrdreg s24  }
0x10: {  	s0 =	sadd.s32 s8, s0;
	s8 =	simm.s32 $0x34;
	[dreg:$0x7] =	wrdreg s11  }
0x11: {  	s9 =	sadd.s32 s7, s25;
	[dreg:$0xb] =	wrdreg s26;
	s26 =	simm.s32 $0xB800  }
0x12: {  	s24 =	simm.s32 $0x6;
	s25 =	simm.s32 $0x2;
	s11 =	simm.s32 $0x0  }
0x13: {  	s8 =	simm.s32 @!p0 $0x1C;
	s22 =	sadd.s32 $0x3E2800, s10;
	[dreg:$0x9] =	wrdreg s9  }
0x14: {  	s10 =	sadd.s32 $0x3D8400, s10;
	s0 =	sadd.s32 $0x4400, s0;
	[dreg:$0x3] =	wrdreg s22  }
0x15: {  	s9 =	simm.s32 $0xE000;
	[dreg:$0x4] =	wrdreg s10;
	s10 =	sadd.s32 $0x5A00, s23  }
0x16: {  	v0 =	vimm.f32 $0.0e+00;
	vm0 =	vcmask $0x300;
	s16 =	sadd.s32 $0xFFFFFFFF, s8;
	[dreg:$0xa] =	wrdreg s0;
	s23 =	simm.s32 $0x80  }
0x17: {  	v1 =	vsel vm0, $0x3F800000, v0;
	s0 =	simm.s32 $0x3;
	s22 =	simm.s32 $0xC800;
	[dreg:$0x8] =	wrdreg s10  }
.LBB2_1:
0x18: {  	[dreg:$0xc] =	wrdreg s11;
	s10 =	simm.s32 $0x0  }
.LBB2_2:
0x19: {  	p0 =	sne.s32 s10, $0x7740  }
.Ltmp0:
0x1a: {  	_ = 	snop;
	(pc) =	sbr.rel @p0 .LBB2_2-.Ltmp0, $4  }
0x1b: {  	s11 =	sshra.s32 s10, $0x2  }
0x1c: {  	[tilespmem:s11+$0xF800] =	vst v0  }
0x1d: {  	[tilespmem:s11+$0xF810] =	vst v0  }
0x1e: {  	s10 =	sadd.s32 $0xC0, s10;
	[tilespmem:s11+$0xF820] =	vst v0  }
0x1f: {  	s10 =	simm.s32 $0x140;
	s11 =	simm.s32 $0x20  }
.LBB2_4:
0x20: {  	p0 =	sne.s32 s10, $0x5FC0;
	[tilespmem:s11+$0xC800] =	vst v1;
	s12 =	smov.u32 s10;
	s10 =	sadd.s32 $0xC0, s10  }
.Ltmp1:
0x21: {  	[tilespmem:s11+$0xE000] =	vst v1;
	(pc) =	sbr.rel @p0 .LBB2_4-.Ltmp1, $2  }
0x22: {  	_ =	sdelay $0x2  }
0x23: {  	s11 =	sshra.s32 s12, $0x2  }
0x24: {  	[tilespmem:s11+$0xC800] =	vst v1  }
0x25: {  	[tilespmem:s11+$0xE000] =	vst v1;
	s13 =	simm.s32 $0x0;
	s10 =	rddreg [dreg:$0x3]  }
0x26: {  	[tilespmem:s13], [sflag:$0x9] =	stream.linear.gather [hbm4b:s10+s13], $0x3400, $0x38;
	[tilespmem:$0x18E00] =	vst v63  }
0x27: {  	_ =	swait.ge [sflag:s15], $0x3400  }
0x28: {  	[sflag:s15] =	ssyncset.done $0x0  }
0x29: {  	s11 =	simm.s32 $0x3400;
	s20 =	rddreg [dreg:$0x4];
	[sflag:s15] =	ssyncadd.s32 $0xFFFFCC00  }
0x2a: {  	[tilespmem:s11], [sflag:$0x9] =	stream.linear.gather [hbm4b:s20+s13], $0x3400, $0x38;
	[tilespmem:$0x18E00] =	vst v63  }
0x2b: {  	_ =	swait.ge [sflag:s15], $0x3400  }
0x2c: {  	[sflag:s15] =	ssyncset.done $0x0  }
0x2d: {  	s12 =	simm.s32 $0xF800;
	[sflag:s15] =	ssyncadd.s32 $0xFFFFCC00  }
0x2e: {  	[spmem:s14] =	stream.linear.scatter [tilespmem:s12], [sflag:$0x9], $0x1E00, $0x38;
	[tilespmem:$0x18E00] =	vst v63  }
0x2f: {  	_ =	swait.ge [sflag:s15], $0x1E00  }
0x30: {  	[sflag:s15] =	ssyncset.done $0x0  }
0x31: {  	s21 =	rddreg [dreg:$0x6];
	[sflag:s15] =	ssyncadd.s32 $0xFFFFE200  }
0x32: {  	[spmem:s21] =	stream.linear.scatter [tilespmem:s12], [sflag:$0x9], $0x1E00, $0x38;
	[tilespmem:$0x18E00] =	vst v63  }
0x33: {  	_ =	swait.ge [sflag:s15], $0x1E00  }
0x34: {  	[sflag:s15] =	ssyncset.done $0x0  }
0x35: {  	s14 =	rddreg [dreg:$0x7];
	[sflag:s15] =	ssyncadd.s32 $0xFFFFE200  }
0x36: {  	[spmem:s14] =	stream.linear.scatter [tilespmem:s12], [sflag:$0x9], $0x1E00, $0x38;
	[tilespmem:$0x18E00] =	vst v63  }
0x37: {  	_ =	swait.ge [sflag:s15], $0x1E00  }
0x38: {  	[sflag:s15] =	ssyncset.done $0x0  }
0x39: {  	s17 =	rddreg [dreg:$0x8];
	[sflag:s15] =	ssyncadd.s32 $0xFFFFE200  }
0x3a: {  	[spmem:s17] =	stream.linear.scatter [tilespmem:s12], [sflag:$0x9], $0x1E00, $0x38;
	[tilespmem:$0x18E00] =	vst v63  }
0x3b: {  	_ =	swait.ge [sflag:s15], $0x1E00  }
0x3c: {  	[sflag:s15] =	ssyncset.done $0x0  }
0x3d: {  	[sflag:s15] =	ssyncadd.s32 $0xFFFFE200  }
0x3e: {  	[bflag:$0x0] =	sbarrier.arrive $0xFFFF  }
0x3f: {  	s19 =	simm.s32 $0xA800;
	s18 =	rddreg [dreg:$0x9]  }
0x40: {  	[tilespmem:s19], [sflag:$0x5] =	stream.linear.gather [hbm4b:s18+s13], $0x1000, $0x38;
	[tilespmem:$0x18E00] =	vst v63  }
0x41: {  	s20 =	simm.s32 $0x6800  }
0x42: {  	[tilespmem:s20], [sflag:$0x1] =	stream.indirect.gather [hbm4b:s5+s23], $0x20, s11, s23, $0xb8;
	[tilespmem:$0x18E00] =	vst v63  }
0x43: {  	s21 =	simm.s32 $0x8800  }
0x44: {  	[tilespmem:s21], [sflag:$0x3] =	stream.indirect.gather [hbm4b:s6+s23], $0x20, s13, s23, $0xb8;
	[tilespmem:$0x18E00] =	vst v63  }
.LBB2_6:
0x45: {  	s10 =	sshllo.u32 s13, $0x1  }
0x46: {  	s11 =	sadd.s32 s4, s10  }
0x47: {  	s11 =	sshll.u32 s11, $0x9  }
0x48: {  	s10 =	sshll.u32 s10, $0x7;
	s11 =	sadd.s32 s7, s11  }
0x49: {  	[tilespmem:s26], [sflag:$0x6] =	stream.linear.gather [hbm4b:s11+s3], $0x1000, $0x38;
	[tilespmem:$0x18E00] =	vst v63  }
0x4a: {  	s14 =	sadd.s32 $0x3400, s10  }
0x4b: {  	[tilespmem:s28], [sflag:$0x2] =	stream.indirect.gather [hbm4b:s5+s23], $0x20, s14, s23, $0xb8;
	[tilespmem:$0x18E00] =	vst v63  }
0x4c: {  	_ = 	snop  }
0x4d: {  	[tilespmem:s29], [sflag:$0x4] =	stream.indirect.gather [hbm4b:s6+s23], $0x20, s10, s23, $0xb8;
	[tilespmem:$0x18E00] =	vst v63  }
0x4e: {  	_ =	swait.ge [sflag:s30], $0x1000  }
0x4f: {  	[sflag:s30] =	ssyncset.done $0x0  }
0x50: {  	[sflag:s30] =	ssyncadd.s32 $0xFFFFF000  }
0x51: {  	_ =	swait.ge [sflag:s31], $0x1000  }
0x52: {  	[sflag:s31] =	ssyncset.done $0x0  }
0x53: {  	[sflag:s31] =	ssyncadd.s32 $0xFFFFF000  }
0x54: {  	_ =	swait.ge [sflag:s0], $0x1000  }
0x55: {  	p0 =	seq.s32 s13, $0x0;
	[sflag:s0] =	ssyncset.done $0x0  }
0x56: {  	s10 =	simm.s32 @!p0 $0x7;
	[sflag:s0] =	ssyncadd.s32 $0xFFFFF000  }
0x57: {  	_ =	swait.ge @!p0 [sflag:s10], $0x1800  }
0x58: {  	[sflag:s10] =	ssyncset.done @!p0 $0x0  }
0x59: {  	s20 =	simm.s32 $0x6840;
	[sflag:s10] =	ssyncadd.s32 @!p0 $0xFFFFE800  }
0x5a: {  	s12 =	simm.s32 $0x8840;
	v2 =	vld [tilespmem:s20+$0x20]  }
0x5b: {  	v3 =	vld [tilespmem:s12+$0x20]  }
0x5c: {  	s21 =	simm.s32 $0xA840;
	v4 =	vld [tilespmem:s12+$0xFFFFFFC0]  }
0x5d: {  	v5 =	vld [tilespmem:s21+$0x20]  }
0x5e: {  	v6 =	vld [tilespmem:s20+$0xFFFFFFE0]  }
0x5f: {  	v7 =	vld [tilespmem:s12+$0xFFFFFFE0]  }
0x60: {  	v8 =	vld [tilespmem:s20+$0xFFFFFFC0]  }
0x61: {  	v9 =	vld [tilespmem:s20+$0x0]  }
0x62: {  	s18 =	simm.s32 $0x88C0;
	v10 =	vld [tilespmem:s12+$0x0]  }
0x63: {  	v11 =	vld [tilespmem:s18+$0x20]  }
0x64: {  	s10 =	simm.s32 $0xA8C0;
	v12 =	vld [tilespmem:s18+$0xFFFFFFC0]  }
0x65: {  	s19 =	simm.s32 $0x68C0;
	v13 =	vld [tilespmem:s10+$0x20]  }
0x66: {  	v14 =	vld [tilespmem:s19+$0xFFFFFFE0]  }
0x67: {  	v15 =	vld [tilespmem:s18+$0xFFFFFFE0]  }
0x68: {  	v16 =	vld [tilespmem:s19+$0x0]  }
0x69: {  	v17 =	vld [tilespmem:s19+$0xFFFFFFC0]  }
0x6a: {  	v2 =	vadd.f32 v3, v2;
	v3 =	vld [tilespmem:s21+$0xFFFFFFC0]  }
0x6b: {  	v58 =	vld [tilespmem:s10+$0xFFFFFFC0]  }
0x6c: {  	v18 =	vld [tilespmem:s10+$0xFFFFFFE0];
	v2 =	vadd.f32 v5, v2  }
0x6d: {  	v4 =	vadd.f32 v4, v8;
	v5 =	vld [tilespmem:s21+$0xFFFFFFE0]  }
0x6e: {  	s15 =	simm.s32 $0xC860;
	v8 =	vld [tilespmem:s21+$0x0];
	v2 =	vmax.f32 v2, $0.0e+00  }
0x6f: {  	[tilespmem:s15+$0x30] =	vst v2;
	v2 =	vadd.f32 v3, v4;
	v4 =	vadd.f32 v10, v9;
	v10 =	vld [tilespmem:s19+$0x20]  }
0x70: {  	v19 =	vld [tilespmem:s10+$0x0];
	v6 =	vadd.f32 v7, v6  }
0x71: {  	v3 =	vld [tilespmem:s20+$0x30]  }
0x72: {  	v7 =	vld [tilespmem:s12+$0x30];
	v5 =	vadd.f32 v5, v6;
	v2 =	vmax.f32 v2, $0.0e+00  }
0x73: {  	v6 =	vld [tilespmem:s21+$0x30];
	[tilespmem:s15+$0xFFFFFFA0] =	vst v2  }
0x74: {  	v2 =	vadd.f32 v8, v4;
	v4 =	vmax.f32 v5, $0.0e+00;
	v5 =	vld [tilespmem:s20+$0xFFFFFFD0];
	v10 =	vadd.f32 v11, v10  }
0x75: {  	[tilespmem:s15+$0xFFFFFFD0] =	vst v4;
	v4 =	vld [tilespmem:s12+$0xFFFFFFD0]  }
0x76: {  	v11 =	vld [tilespmem:s18+$0x0];
	v10 =	vadd.f32 v13, v10  }
0x77: {  	v2 =	vmax.f32 v2, $0.0e+00;
	v8 =	vld [tilespmem:s20+$0xFFFFFFF0]  }
0x78: {  	s17 =	simm.s32 $0xC920;
	[tilespmem:s15+$0x0] =	vst v2;
	v2 =	vld [tilespmem:s12+$0xFFFFFFF0];
	v10 =	vmax.f32 v10, $0.0e+00  }
0x79: {  	v3 =	vadd.f32 v7, v3;
	v7 =	vld [tilespmem:s21+$0xFFFFFFD0];
	[tilespmem:s17+$0x30] =	vst v10  }
0x7a: {  	v10 =	vld [tilespmem:s19+$0x30]  }
0x7b: {  	v12 =	vadd.f32 v12, v17;
	v59 =	vld [tilespmem:s18+$0x30]  }
0x7c: {  	v9 =	vld [tilespmem:s20+$0x10]  }
0x7d: {  	v14 =	vadd.f32 v15, v14;
	v12 =	vadd.f32 v58, v12;
	v60 =	vld [tilespmem:s10+$0x30]  }
0x7e: {  	v20 =	vld [tilespmem:s12+$0x10]  }
0x7f: {  	v14 =	vadd.f32 v18, v14;
	v12 =	vmax.f32 v12, $0.0e+00;
	v61 =	vld [tilespmem:s21+$0xFFFFFFF0];
	v11 =	vadd.f32 v11, v16  }
0x80: {  	[tilespmem:s17+$0xFFFFFFA0] =	vst v12;
	v62 =	vld [tilespmem:s21+$0x10];
	v6 =	vadd.f32 v6, v3;
	v10 =	vadd.f32 v59, v10  }
0x81: {  	v3 =	vld [tilespmem:s19+$0xFFFFFFD0];
	v63 =	vadd.f32 v4, v5;
	v5 =	vmax.f32 v14, $0.0e+00;
	v4 =	vadd.f32 v19, v11  }
0x82: {  	v6 =	vmax.f32 v6, $0.0e+00;
	v2 =	vadd.f32 v2, v8;
	[tilespmem:s17+$0xFFFFFFD0] =	vst v5;
	v5 =	vld [tilespmem:s18+$0xFFFFFFD0];
	v8 =	vadd.f32 v60, v10  }
0x83: {  	[tilespmem:s15+$0x40] =	vst v6;
	v6 =	vmax.f32 v4, $0.0e+00;
	v4 =	vld [tilespmem:s19+$0xFFFFFFF0];
	v10 =	vadd.f32 v20, v9;
	v9 =	vadd.f32 v7, v63  }
0x84: {  	s11 =	simm.s32 $0x4;
	s20 =	sshll.u32 s13, $0x1;
	[tilespmem:s17+$0x0] =	vst v6;
	v6 =	vld [tilespmem:s18+$0xFFFFFFF0];
	v7 =	vadd.f32 v61, v2;
	v8 =	vmax.f32 v8, $0.0e+00  }
0x85: {  	s21 =	simm.s32 $0x6940;
	s12 =	simm.s32 $0xA8C0;
	v2 =	vld [tilespmem:s19+$0x10];
	s19 =	simm.s32 $0x88C0;
	v9 =	vmax.f32 v9, $0.0e+00;
	[tilespmem:s17+$0x40] =	vst v8;
	v8 =	vadd.f32 v62, v10  }
.LBB2_7:
0x86: {  	v10 =	vld [tilespmem:s21+$0x20];
	s18 =	sadd.s32 $0x80, s18;
	[tilespmem:s15+$0xFFFFFFB0] =	vst v9;
	v7 =	vmax.f32 v7, $0.0e+00  }
0x87: {  	v9 =	vld [tilespmem:s18+$0x20];
	v11 =	vadd.f32 v5, v3;
	[tilespmem:s15+$0xFFFFFFE0] =	vst v7;
	v3 =	vmax.f32 v8, $0.0e+00  }
0x88: {  	s11 =	sadd.s32 $0x4, s11;
	s10 =	sadd.s32 $0x80, s10;
	v5 =	vld [tilespmem:s18+$0xFFFFFFC0];
	[tilespmem:s15+$0x10] =	vst v3;
	s15 =	smov.u32 s17  }
0x89: {  	p1 =	slt.u32 s11, $0x7C;
	v3 =	vld [tilespmem:s10+$0x20];
	v7 =	vadd.f32 v6, v4  }
0x8a: {  	v4 =	vld [tilespmem:s21+$0xFFFFFFE0]  }
0x8b: {  	v6 =	vld [tilespmem:s18+$0xFFFFFFE0]  }
0x8c: {  	v8 =	vld [tilespmem:s21+$0x0];
	v9 =	vadd.f32 v9, v10  }
0x8d: {  	v10 =	vld [tilespmem:s18+$0x0]  }
0x8e: {  	v12 =	vld [tilespmem:s21+$0xFFFFFFC0];
	v3 =	vadd.f32 v3, v9  }
0x8f: {  	v9 =	vld [tilespmem:s10+$0xFFFFFFC0]  }
0x90: {  	s17 =	sadd.s32 $0xC0, s17;
	v4 =	vadd.f32 v6, v4;
	v6 =	vld [tilespmem:s10+$0xFFFFFFE0];
	v3 =	vmax.f32 v3, $0.0e+00  }
0x91: {  	v13 =	vld [tilespmem:s10+$0x0];
	[tilespmem:s17+$0x30] =	vst v3  }
0x92: {  	v3 =	vadd.f32 v10, v8;
	v8 =	vld [tilespmem:s21+$0x30]  }
0x93: {  	v5 =	vadd.f32 v5, v12;
	v10 =	vld [tilespmem:s18+$0x30]  }
0x94: {  	v12 =	vld [tilespmem:s19+$0x10];
	s19 =	smov.u32 s18  }
0x95: {  	v5 =	vadd.f32 v9, v5;
	v4 =	vadd.f32 v6, v4;
	v6 =	vld [tilespmem:s10+$0x30]  }
0x96: {  	v3 =	vadd.f32 v13, v3;
	v9 =	vld [tilespmem:s12+$0xFFFFFFD0]  }
0x97: {  	v5 =	vmax.f32 v5, $0.0e+00;
	v4 =	vmax.f32 v4, $0.0e+00;
	v13 =	vld [tilespmem:s12+$0xFFFFFFF0]  }
0x98: {  	[tilespmem:s17+$0xFFFFFFA0] =	vst v5;
	v14 =	vmax.f32 v3, $0.0e+00;
	v8 =	vadd.f32 v10, v8;
	v10 =	vld [tilespmem:s12+$0x10];
	s12 =	smov.u32 s10  }
.Ltmp2:
0x99: {  	v3 =	vld [tilespmem:s21+$0xFFFFFFD0];
	[tilespmem:s17+$0xFFFFFFD0] =	vst v4;
	v12 =	vadd.f32 v12, v2;
	(pc) =	sbr.rel @p1 .LBB2_7-.Ltmp2, $4  }
0x9a: {  	v5 =	vld [tilespmem:s18+$0xFFFFFFD0];
	[tilespmem:s17+$0x0] =	vst v14;
	v2 =	vadd.f32 v6, v8  }
0x9b: {  	v4 =	vld [tilespmem:s21+$0xFFFFFFF0];
	v8 =	vadd.f32 v9, v11  }
0x9c: {  	v6 =	vld [tilespmem:s18+$0xFFFFFFF0];
	v9 =	vmax.f32 v2, $0.0e+00;
	v7 =	vadd.f32 v13, v7  }
0x9d: {  	v2 =	vld [tilespmem:s21+$0x10];
	[tilespmem:s17+$0x40] =	vst v9;
	s21 =	sadd.s32 $0x80, s21;
	v9 =	vmax.f32 v8, $0.0e+00;
	v8 =	vadd.f32 v10, v12  }
0x9e: {  	v10 =	vld [tilespmem:s19+$0x10]  }
0x9f: {  	v11 =	vld [tilespmem:s12+$0xFFFFFFD0]  }
0xa0: {  	v12 =	vld [tilespmem:s12+$0xFFFFFFF0]  }
0xa1: {  	v13 =	vld [tilespmem:s12+$0x10]  }
0xa2: {  	v3 =	vadd.f32 v5, v3  }
0xa3: {  	v4 =	vadd.f32 v6, v4  }
0xa4: {  	[tilespmem:s15+$0xFFFFFFB0] =	vst v9;
	v5 =	vmax.f32 v7, $0.0e+00;
	v2 =	vadd.f32 v10, v2;
	v3 =	vadd.f32 v11, v3  }
0xa5: {  	[tilespmem:s15+$0xFFFFFFE0] =	vst v5;
	v5 =	vmax.f32 v8, $0.0e+00;
	v4 =	vadd.f32 v12, v4  }
0xa6: {  	[tilespmem:s15+$0x10] =	vst v5;
	v3 =	vmax.f32 v3, $0.0e+00;
	v2 =	vadd.f32 v13, v2  }
0xa7: {  	s10 =	sshll.u32 s13, $0xA;
	[tilespmem:s17+$0xFFFFFFB0] =	vst v3;
	v3 =	vmax.f32 v4, $0.0e+00  }
0xa8: {  	s10 =	sshra.s32 s10, $0x2;
	[tilespmem:s17+$0xFFFFFFE0] =	vst v3;
	v2 =	vmax.f32 v2, $0.0e+00  }
0xa9: {  	p1 =	sge.u32 s13, s16;
	s10 =	sadd.s32 $0x3400, s10;
	[tilespmem:s17+$0x10] =	vst v2  }
0xaa: {  	[spmem:s2] =	stream.indirect.scatter.add.f32 [tilespmem:s22], [sflag:$0x7], $0x30, s10, s23, $0xb8;
	[tilespmem:$0x18E00] =	vst v63  }
0xab: {  	s10 =	sadd.s32 @!p1 $0x2, s20  }
0xac: {  	s11 =	sadd.s32 @!p1 s4, s10  }
0xad: {  	s12 =	simm.s32 @!p1 $0x0;
	s11 =	sshll.u32 @!p1 s11, $0x9  }
0xae: {  	s15 =	simm.s32 @!p1 $0xA800;
	s10 =	sshll.u32 @!p1 s10, $0x7;
	s11 =	sadd.s32 @!p1 s7, s11  }
0xaf: {  	[tilespmem:s15], [sflag:$0x5] =	stream.linear.gather @!p1 [hbm4b:s11+s12], $0x1000, $0x38;
	[tilespmem:$0x18E00] =	vst v63  }
0xb0: {  	s11 =	sadd.s32 @!p1 $0x3400, s10;
	s12 =	simm.s32 @!p1 $0x80;
	s15 =	simm.s32 @!p1 $0x6800  }
0xb1: {  	[tilespmem:s15], [sflag:$0x1] =	stream.indirect.gather @!p1 [hbm4b:s5+s12], $0x20, s11, s12, $0xb8;
	[tilespmem:$0x18E00] =	vst v63  }
0xb2: {  	s11 =	simm.s32 @!p1 $0x8800  }
0xb3: {  	[tilespmem:s11], [sflag:$0x3] =	stream.indirect.gather @!p1 [hbm4b:s6+s12], $0x20, s10, s12, $0xb8;
	[tilespmem:$0x18E00] =	vst v63  }
0xb4: {  	_ =	swait.ge [sflag:s24], $0x1000  }
0xb5: {  	[sflag:s24] =	ssyncset.done $0x0  }
0xb6: {  	[sflag:s24] =	ssyncadd.s32 $0xFFFFF000  }
0xb7: {  	_ =	swait.ge [sflag:s25], $0x1000  }
0xb8: {  	[sflag:s25] =	ssyncset.done $0x0  }
0xb9: {  	[sflag:s25] =	ssyncadd.s32 $0xFFFFF000  }
0xba: {  	_ =	swait.ge [sflag:s1], $0x1000  }
0xbb: {  	[sflag:s1] =	ssyncset.done $0x0  }
0xbc: {  	s10 =	simm.s32 @!p0 $0x8;
	[sflag:s1] =	ssyncadd.s32 $0xFFFFF000  }
0xbd: {  	_ =	swait.ge @!p0 [sflag:s10], $0x1800  }
0xbe: {  	[sflag:s10] =	ssyncset.done @!p0 $0x0  }
0xbf: {  	s18 =	simm.s32 $0x7840;
	[sflag:s10] =	ssyncadd.s32 @!p0 $0xFFFFE800  }
0xc0: {  	s19 =	simm.s32 $0x9840;
	v2 =	vld [tilespmem:s18+$0x20]  }
0xc1: {  	v3 =	vld [tilespmem:s19+$0x20]  }
0xc2: {  	s20 =	simm.s32 $0xB840;
	v4 =	vld [tilespmem:s19+$0xFFFFFFC0]  }
0xc3: {  	v5 =	vld [tilespmem:s20+$0x20]  }
0xc4: {  	v6 =	vld [tilespmem:s18+$0xFFFFFFE0]  }
0xc5: {  	v7 =	vld [tilespmem:s19+$0xFFFFFFE0]  }
0xc6: {  	v8 =	vld [tilespmem:s18+$0xFFFFFFC0]  }
0xc7: {  	v9 =	vld [tilespmem:s18+$0x0]  }
0xc8: {  	v2 =	vadd.f32 v3, v2;
	v3 =	vld [tilespmem:s20+$0xFFFFFFC0]  }
0xc9: {  	v10 =	vld [tilespmem:s19+$0x0]  }
0xca: {  	v2 =	vadd.f32 v5, v2;
	v5 =	vld [tilespmem:s20+$0xFFFFFFE0]  }
0xcb: {  	s10 =	simm.s32 $0xB8C0;
	v4 =	vadd.f32 v4, v8;
	v8 =	vld [tilespmem:s20+$0x0]  }
0xcc: {  	s21 =	simm.s32 $0x78C0;
	s15 =	simm.s32 $0xE060;
	v57 =	vld [tilespmem:s10+$0x20];
	v2 =	vmax.f32 v2, $0.0e+00  }
0xcd: {  	v14 =	vld [tilespmem:s21+$0xFFFFFFE0];
	v6 =	vadd.f32 v7, v6;
	[tilespmem:s15+$0x30] =	vst v2;
	v2 =	vadd.f32 v3, v4  }
0xce: {  	v16 =	vld [tilespmem:s21+$0x0];
	v4 =	vadd.f32 v10, v9  }
0xcf: {  	v17 =	vld [tilespmem:s21+$0xFFFFFFC0];
	v5 =	vadd.f32 v5, v6;
	v2 =	vmax.f32 v2, $0.0e+00  }
0xd0: {  	v10 =	vld [tilespmem:s21+$0x20];
	[tilespmem:s15+$0xFFFFFFA0] =	vst v2;
	v2 =	vadd.f32 v8, v4  }
0xd1: {  	v3 =	vld [tilespmem:s18+$0x30];
	v4 =	vmax.f32 v5, $0.0e+00  }
0xd2: {  	v5 =	vld [tilespmem:s18+$0xFFFFFFD0];
	[tilespmem:s15+$0xFFFFFFD0] =	vst v4;
	v2 =	vmax.f32 v2, $0.0e+00  }
0xd3: {  	v8 =	vld [tilespmem:s18+$0xFFFFFFF0];
	[tilespmem:s15+$0x0] =	vst v2  }
0xd4: {  	v9 =	vld [tilespmem:s18+$0x10];
	s18 =	simm.s32 $0x98C0  }
0xd5: {  	v11 =	vld [tilespmem:s18+$0x20]  }
0xd6: {  	v58 =	vld [tilespmem:s10+$0xFFFFFFC0]  }
0xd7: {  	v18 =	vld [tilespmem:s10+$0xFFFFFFE0]  }
0xd8: {  	v19 =	vld [tilespmem:s10+$0x0]  }
0xd9: {  	v7 =	vld [tilespmem:s19+$0x30]  }
0xda: {  	v6 =	vld [tilespmem:s20+$0x30];
	v10 =	vadd.f32 v11, v10  }
0xdb: {  	v4 =	vld [tilespmem:s19+$0xFFFFFFD0]  }
0xdc: {  	v56 =	vld [tilespmem:s18+$0xFFFFFFC0];
	v10 =	vadd.f32 v57, v10  }
0xdd: {  	v2 =	vld [tilespmem:s19+$0xFFFFFFF0]  }
0xde: {  	s17 =	simm.s32 $0xE120;
	v15 =	vld [tilespmem:s18+$0xFFFFFFE0];
	v10 =	vmax.f32 v10, $0.0e+00  }
0xdf: {  	v11 =	vld [tilespmem:s18+$0x0];
	[tilespmem:s17+$0x30] =	vst v10  }
0xe0: {  	v10 =	vld [tilespmem:s21+$0x30]  }
0xe1: {  	v12 =	vadd.f32 v56, v17;
	v59 =	vld [tilespmem:s18+$0x30]  }
0xe2: {  	v3 =	vadd.f32 v7, v3;
	v7 =	vld [tilespmem:s20+$0xFFFFFFD0]  }
0xe3: {  	v14 =	vadd.f32 v15, v14;
	v12 =	vadd.f32 v58, v12;
	v60 =	vld [tilespmem:s10+$0x30]  }
0xe4: {  	v20 =	vld [tilespmem:s19+$0x10]  }
0xe5: {  	v61 =	vld [tilespmem:s20+$0xFFFFFFF0];
	v14 =	vadd.f32 v18, v14;
	v12 =	vmax.f32 v12, $0.0e+00;
	v11 =	vadd.f32 v11, v16  }
0xe6: {  	v62 =	vld [tilespmem:s20+$0x10];
	v6 =	vadd.f32 v6, v3;
	[tilespmem:s17+$0xFFFFFFA0] =	vst v12;
	v10 =	vadd.f32 v59, v10  }
0xe7: {  	v63 =	vadd.f32 v4, v5;
	v5 =	vmax.f32 v14, $0.0e+00;
	v3 =	vld [tilespmem:s21+$0xFFFFFFD0];
	v4 =	vadd.f32 v19, v11  }
0xe8: {  	v6 =	vmax.f32 v6, $0.0e+00;
	v2 =	vadd.f32 v2, v8;
	[tilespmem:s17+$0xFFFFFFD0] =	vst v5;
	v5 =	vld [tilespmem:s18+$0xFFFFFFD0];
	v8 =	vadd.f32 v60, v10  }
0xe9: {  	[tilespmem:s15+$0x40] =	vst v6;
	v6 =	vmax.f32 v4, $0.0e+00;
	v4 =	vld [tilespmem:s21+$0xFFFFFFF0];
	v10 =	vadd.f32 v20, v9;
	v9 =	vadd.f32 v7, v63  }
0xea: {  	s11 =	simm.s32 $0x4;
	[tilespmem:s17+$0x0] =	vst v6;
	v6 =	vld [tilespmem:s18+$0xFFFFFFF0];
	v7 =	vadd.f32 v61, v2;
	v8 =	vmax.f32 v8, $0.0e+00  }
0xeb: {  	s12 =	simm.s32 $0xB8C0;
	s20 =	simm.s32 $0x7940;
	s19 =	simm.s32 $0x98C0;
	v2 =	vld [tilespmem:s21+$0x10];
	v9 =	vmax.f32 v9, $0.0e+00;
	[tilespmem:s17+$0x40] =	vst v8;
	v8 =	vadd.f32 v62, v10  }
.LBB2_9:
0xec: {  	v10 =	vld [tilespmem:s20+$0x20];
	s18 =	sadd.s32 $0x80, s18;
	[tilespmem:s15+$0xFFFFFFB0] =	vst v9;
	v7 =	vmax.f32 v7, $0.0e+00  }
0xed: {  	v9 =	vld [tilespmem:s18+$0x20];
	v11 =	vadd.f32 v5, v3;
	[tilespmem:s15+$0xFFFFFFE0] =	vst v7;
	v3 =	vmax.f32 v8, $0.0e+00  }
0xee: {  	s11 =	sadd.s32 $0x4, s11;
	s10 =	sadd.s32 $0x80, s10;
	v5 =	vld [tilespmem:s18+$0xFFFFFFC0];
	[tilespmem:s15+$0x10] =	vst v3;
	s15 =	smov.u32 s17  }
0xef: {  	p0 =	slt.u32 s11, $0x7C;
	v3 =	vld [tilespmem:s10+$0x20];
	v7 =	vadd.f32 v6, v4  }
0xf0: {  	v4 =	vld [tilespmem:s20+$0xFFFFFFE0]  }
0xf1: {  	v6 =	vld [tilespmem:s18+$0xFFFFFFE0]  }
0xf2: {  	v8 =	vld [tilespmem:s20+$0x0];
	v9 =	vadd.f32 v9, v10  }
0xf3: {  	v10 =	vld [tilespmem:s18+$0x0]  }
0xf4: {  	v12 =	vld [tilespmem:s20+$0xFFFFFFC0];
	v3 =	vadd.f32 v3, v9  }
0xf5: {  	v9 =	vld [tilespmem:s10+$0xFFFFFFC0]  }
0xf6: {  	s17 =	sadd.s32 $0xC0, s17;
	v4 =	vadd.f32 v6, v4;
	v6 =	vld [tilespmem:s10+$0xFFFFFFE0];
	v3 =	vmax.f32 v3, $0.0e+00  }
0xf7: {  	v13 =	vld [tilespmem:s10+$0x0];
	[tilespmem:s17+$0x30] =	vst v3  }
0xf8: {  	v3 =	vadd.f32 v10, v8;
	v8 =	vld [tilespmem:s20+$0x30]  }
0xf9: {  	v5 =	vadd.f32 v5, v12;
	v10 =	vld [tilespmem:s18+$0x30]  }
0xfa: {  	v12 =	vld [tilespmem:s19+$0x10];
	s19 =	smov.u32 s18  }
0xfb: {  	v5 =	vadd.f32 v9, v5;
	v4 =	vadd.f32 v6, v4;
	v6 =	vld [tilespmem:s10+$0x30]  }
0xfc: {  	v3 =	vadd.f32 v13, v3;
	v9 =	vld [tilespmem:s12+$0xFFFFFFD0]  }
0xfd: {  	v5 =	vmax.f32 v5, $0.0e+00;
	v4 =	vmax.f32 v4, $0.0e+00;
	v13 =	vld [tilespmem:s12+$0xFFFFFFF0]  }
0xfe: {  	[tilespmem:s17+$0xFFFFFFA0] =	vst v5;
	v14 =	vmax.f32 v3, $0.0e+00;
	v8 =	vadd.f32 v10, v8;
	v10 =	vld [tilespmem:s12+$0x10];
	s12 =	smov.u32 s10  }
.Ltmp3:
0xff: {  	v3 =	vld [tilespmem:s20+$0xFFFFFFD0];
	[tilespmem:s17+$0xFFFFFFD0] =	vst v4;
	v12 =	vadd.f32 v12, v2;
	(pc) =	sbr.rel @p0 .LBB2_9-.Ltmp3, $4  }
0x100: {  	v5 =	vld [tilespmem:s18+$0xFFFFFFD0];
	[tilespmem:s17+$0x0] =	vst v14;
	v2 =	vadd.f32 v6, v8  }
0x101: {  	v4 =	vld [tilespmem:s20+$0xFFFFFFF0];
	v8 =	vadd.f32 v9, v11  }
0x102: {  	v6 =	vld [tilespmem:s18+$0xFFFFFFF0];
	v9 =	vmax.f32 v2, $0.0e+00;
	v7 =	vadd.f32 v13, v7  }
0x103: {  	v2 =	vld [tilespmem:s20+$0x10];
	[tilespmem:s17+$0x40] =	vst v9;
	s20 =	sadd.s32 $0x80, s20;
	v9 =	vmax.f32 v8, $0.0e+00;
	v8 =	vadd.f32 v10, v12  }
0x104: {  	v10 =	vld [tilespmem:s19+$0x10]  }
0x105: {  	v11 =	vld [tilespmem:s12+$0xFFFFFFD0]  }
0x106: {  	v12 =	vld [tilespmem:s12+$0xFFFFFFF0]  }
0x107: {  	v13 =	vld [tilespmem:s12+$0x10]  }
0x108: {  	v3 =	vadd.f32 v5, v3  }
0x109: {  	v4 =	vadd.f32 v6, v4  }
0x10a: {  	[tilespmem:s15+$0xFFFFFFB0] =	vst v9;
	v62 =	vmax.f32 v7, $0.0e+00;
	s13 =	sadd.s32 $0x1, s13;
	v2 =	vadd.f32 v10, v2;
	v3 =	vadd.f32 v11, v3  }
0x10b: {  	[tilespmem:s15+$0xFFFFFFE0] =	vst v62;
	v63 =	vmax.f32 v8, $0.0e+00;
	p0 =	sne.s32 s13, s8;
	v4 =	vadd.f32 v12, v4  }
.Ltmp4:
0x10c: {  	[tilespmem:s15+$0x10] =	vst v63;
	v3 =	vmax.f32 v3, $0.0e+00;
	v2 =	vadd.f32 v13, v2;
	(pc) =	sbr.rel @p0 .LBB2_6-.Ltmp4, $4  }
0x10d: {  	[tilespmem:s17+$0xFFFFFFB0] =	vst v3;
	v3 =	vmax.f32 v4, $0.0e+00  }
0x10e: {  	[tilespmem:s17+$0xFFFFFFE0] =	vst v3;
	v2 =	vmax.f32 v2, $0.0e+00  }
0x10f: {  	[tilespmem:s17+$0x10] =	vst v2  }
0x110: {  	[spmem:s2] =	stream.indirect.scatter.add.f32 [tilespmem:s9], [sflag:$0x8], $0x30, s14, s23, $0xb8;
	[tilespmem:$0x18E00] =	vst v63  }
0x111: {  	s10 =	simm.s32 $0x7  }
0x112: {  	_ =	swait.ge [sflag:s10], $0x1800  }
0x113: {  	[sflag:s10] =	ssyncset.done $0x0  }
0x114: {  	s18 =	simm.s32 $0x8;
	[sflag:s10] =	ssyncadd.s32 $0xFFFFE800  }
0x115: {  	_ =	swait.ge [sflag:s18], $0x1800  }
0x116: {  	[sflag:s18] =	ssyncset.done $0x0  }
0x117: {  	[sflag:s18] =	ssyncadd.s32 $0xFFFFE800  }
0x118: {  	s19 =	stileid.u32;
	[bflag:$0x0] =	sbarrier.arrive $0xFFFF  }
0x119: {  	s15 =	simm.s32 $0x9;
	s10 =	sshll.u32 s19, $0x6;
	s14 =	rddreg [dreg:$0x5]  }
0x11a: {  	s10 =	sor.u32 $0x1C09, s10;
	s12 =	rddreg [dreg:$0xa];
	s11 =	sshrl.u32 s14, $0x3  }
0x11b: {  	[hbm:s12], [sflag:s10] =	dma.local [spmem:s11], $0xF00  }
0x11c: {  	_ =	swait.ge [sflag:s15], $0xF00  }
0x11d: {  	s20 =	rddreg [dreg:$0xc]  }
0x11e: {  	s21 =	rddreg [dreg:$0xb];
	s11 =	sadd.s32 $0x1, s20  }
0x11f: {  	p0 =	sne.s32 s11, s21  }
.Ltmp5:
0x120: {  	_ = 	snop;
	(pc) =	sbr.rel @p0 .LBB2_1-.Ltmp5, $3  }
0x121: {  	_ =	sdelay $0x1  }
0x122: {  	[sflag:s15] =	ssyncset.done $0x0  }
0x123: {  	[sflag:s15] =	ssyncadd.s32 $0xFFFFF100  }
0x124: {  	_ =	sfence.sel $0x180000  }
0x125: {  	[bflag:$0x0] =	sbarrier.arrive $0xFFFF  }
0x126: {  	_ =	strace $0x9000004A  }
0x127: {  	s0 =	stileid.u32;
	[bflag:$0x2] =	sbarrier.arrive $0xFFFF  }
0x128: {  	p0 =	sne.s32 s0, $0x0;
	s0 =	rddreg [dreg:$0x2]  }
0x129: {  	s0 =	sadd.s32 @!p0 $0x100000, s0  }
0x12a: {  	[sflag:s0] =	ssyncadd.tile.s32 @!p0 $0x1;
	_ =	shalt  }
.Lfunc_end2:
_tile_overlayer_lowered:
.L_overlay_start_2:
0x12b: {  	(tag) =	ssettag $0x2  }
0x12c: {  	s0 =	rddreg [dreg:$0x0];
	s2 =	stileid.u32  }
0x12d: {  	s1 =	rddreg [dreg:$0x1];
	p0 =	sne.s32 s2, $0x0  }
0x12e: {  	s3 =	rddreg [dreg:$0x2];
	[bflag:$0x3] =	sbarrier.arrive $0xFFFF;
	s2 =	simm.s32 @!p0 $0x1C09  }
0x12f: {  	[timem:s3], [sflag:s2] =	dma.local @!p0 [hbm:s0], s1  }
0x130: {  	s0 =	simm.s32 @!p0 $0x9  }
0x131: {  	_ =	swait.ge @!p0 [sflag:s0], s1  }
0x132: {  	s1 =	ssub.s32 @!p0 $0x0, s1;
	[sflag:s0] =	ssyncset.done @!p0 $0x0  }
0x133: {  	[sflag:s0] =	ssyncadd.s32 @!p0 s1  }
0x134: {  	[bflag:$0x3] =	sbarrier.arrive $0xFFFF  }
0x135: {  	_ =	shalt  }

// kernel: sparse-core-data-format-call.1.cloned.1.call-start
scs
called_computation.1_lowered:
.L_overlay_start_0:
0x0: {  	s1 =	sld [smem:$0x3FD9]  }
0x1: {  	s2 =	sld [smem:$0x3FFE];
	_ =	sdelay $0x1  }
0x2: {  	s3 =	srdreg.scid  }
0x3: {  	s0 =	sand.u32 $0x1, s3  }
0x4: {  	s17 =	sshll.u32 s0, $0xA;
	s1 =	sadd.s32 s2, s1  }
0x5: {  	s1 =	sadd.s32 s1, s17  }
0x6: {  	[smem:$0x3FB4] =	sst s1  }
0x7: {  	_ = 	snop  }
0x8: {  	(tm) =	ssettm $0x1  }
0x9: {  	s18 =	sld [smem:$0x3FFB];
	_ =	sdelay $0x3  }
0xa: {  	_ =	strace s18  }
0xb: {  	s1 =	sld [smem:$0x3FFC];
	_ =	sdelay $0x3  }
0xc: {  	_ =	strace s1  }
0xd: {  	s1 =	sld [smem:$0x3FFD];
	_ =	sdelay $0x3  }
0xe: {  	_ =	strace s1  }
0xf: {  	_ =	strace $0x8FFFFFFF  }
0x10: {  	s19 =	sld [smem:$0x3FDB];
	_ =	sdelay $0x1  }
0x11: {  	s20 =	simm.s32 $_scs_section_size  }
0x12: {  	s4 =	simm.s32 $_size__tile_overlayer_lowered;
	s5 =	simm.s32 $_tile_overlayer_lowered  }
0x13: {  	s23 =	simm.s32 $0x1BFF;
	s22 =	sshll.u32 s5, $0x1;
	s1 =	sadd.s32 s20, s19  }
0x14: {  	s6 =	simm.s32 $0x0;
	s21 =	sshll.u32 s4, $0x1;
	s4 =	sadd.s32 s22, s1  }
0x15: {  	[timem:s6], [sflag:s23] =	dma.local [hbm:s4], s21  }
0x16: {  	_ =	swait.ge [sflag:s23], s21  }
0x17: {  	s2 =	ssub.s32 $0x0, s21;
	[sflag:s23] =	ssyncset.done $0x0  }
0x18: {  	[sflag:s23] =	ssyncadd.s32 s2;
	_ =	sdelay $0x1  }
0x19: {  	s24 =	simm.s32 $0x1B8B  }
0x1a: {  	_ =	swait.ge [sflag:s24], $0x1  }
0x1b: {  	[sflag:s24] =	ssyncset.done $0x0  }
0x1c: {  	s26 =	simm.s32 $0x1B8E;
	s25 =	sld [smem:$0x3FFE];
	[sflag:s24] =	ssyncadd.s32 $0xFFFFFFFF  }
0x1d: {  	s27 =	simm.s32 $execute0_lowered;
	[smem:$0x3FD2] =	sst s26  }
0x1e: {  	s4 =	sshll.u32 s27, $0x1;
	_ =	strace $0x80000046;
	[dreg:$0x1] =	wrdreg $0xFFFFFFFF  }
0x1f: {  	s28 =	simm.s32 $_size_execute0_lowered;
	s1 =	sadd.s32 s1, s4;
	[dreg:$0x0] =	wrdreg $0x0  }
0x20: {  	s4 =	sshll.u32 s28, $0x1;
	[dreg:$0x2] =	wrdreg s1  }
0x21: {  	[dreg:$0x3] =	wrdreg s4  }
0x22: {  	[dreg:$0x4] =	wrdreg $0xC0  }
0x23: {  	_ =	task [dreg:s6], $0x5FFFF  }
0x24: {  	[dreg:$0x1] =	wrdreg $0xFFFFFFFF  }
0x25: {  	[dreg:$0x0] =	wrdreg $0x60  }
0x26: {  	[dreg:$0x2] =	wrdreg s25  }
0x27: {  	[dreg:$0x3] =	wrdreg $0x9  }
0x28: {  	_ =	task.clear_ibuf [dreg:s6], $0x4FFFF;
	_ =	strace $0x90000046  }
0x29: {  	s29 =	simm.s32 $0x9;
	_ =	strace $0x80000048  }
0x2a: {  	_ =	swait.ge [sflag:s29], $0x1  }
0x2b: {  	[sflag:s29] =	ssyncadd.s32 $0xFFFFFFFF  }
0x2c: {  	_ =	strace $0x90000048  }
0x2d: {  	_ =	sfence  }
0x2e: {  	s30 =	sld [smem:$0x0];
	_ =	sdelay $0x2  }
0x2f: {  	s31 =	sshll.u32 s3, $0xD;
	s3 =	sshrl.u32 s3, $0x2  }
0x30: {  	s2 =	sand.u32 $0x4000, s31;
	s1 =	sadd.s32 s3, s30  }
0x31: {  	s0 =	sor.u32 s2, s0;
	s1 =	sshll.u32 s1, $0x11  }
0x32: {  	s0 =	sor.u32 s1, s0  }
0x33: {  	s0 =	sadd.s32 $0x8F2B, s0  }
0x34: {  	[sflag:s0] =	ssyncadd.remote.s32 $0x1  }
0x35: {  	_ =	sfence.sel $0xFFFF  }
0x36: {  	[dreg:$0x0] =	wrdreg $0xFFFFFFFF;
	(pc) =	sbr.abs _section_cstart, $3  }
0x37: {  	[dreg:$0x1] =	wrdreg $0xFFFFFFFF  }
0x38: {  	_ =	task.clear_ibuf [dreg:s6], $0x2FFFF;
	_ =	strace $0x9FFFFFFF  }
0x39: {  	(tm) =	ssettm $0x7FFFFFFF  }
tec
execute0_lowered:
.L_overlay_start_1:
0x0: {  	(tag) =	ssettag $0x1  }
0x1: {  	s0 =	srdreg.scid  }
0x2: {  	s1 =	sshll.u32 s0, $0x4  }
0x3: {  	s4 =	rddreg [dreg:$0x0];
	s0 =	stileid.u32;
	s1 =	sand.u32 $0x10, s1  }
0x4: {  	s7 =	simm.s32 $0x1;
	s8 =	simm.s32 $0x2;
	s1 =	sor.u32 s0, s1  }
0x5: {  	s9 =	simm.s32 $0x0;
	s12 =	simm.s32 $0x0;
	s2 =	sshll.u32 s1, $0x3  }
0x6: {  	s11 =	simm.s32 $0x0;
	s3 =	sadd.s32 $0x4400, s4;
	s6 =	ssub.s32 $0x1400, s2  }
.Ltmp0:
0x7: {  	s4 =	sadd.s32 $0x284400, s4;
	s5 =	sand.u32 $0xF8, s6;
	(pc) =	sbr.rel .LBB1_1-.Ltmp0, $4  }
0x8: {  	s1 =	rddreg [dreg:$0x1];
	_ =	strace $0x80000047;
	p0 =	sne.s32 s5, $0x0  }
0x9: {  	s6 =	sshrl.u32 s6, $0x8;
	s5 =	simm.s32 $0x1;
	s7 =	simm.s32 @!p0 $0x0  }
0xa: {  	s10 =	smov.u32 s2;
	[sflag:s5] =	ssyncpa.u1 $0x0;
	s6 =	sadd.s32 s7, s6  }
0xb: {  	[sflag:s8] =	ssyncpa.u1 $0x0;
	s8 =	simm.s32 $0x0;
	s7 =	sadd.s32 $0x1, s6  }
.LBB1_9:
0xc: {  	s14 =	sadd.s32 $0x100, s10  }
0xd: {  	p1 =	sgt.s32 s14, $0x13FF  }
0xe: {  	s14 =	smov.u32 @p1 s2;
	p1 =	sne.s32 s11, s7  }
.Ltmp1:
0xf: {  	p0 =	slt.u32 s11, $0x2;
	(pc) =	sbr.rel @!p1 .LBB1_10-.Ltmp1, $4  }
0x10: {  	s13 =	simm.s32 @!p0 $0x2  }
0x11: {  	s15 =	sadd.s32 $0x1, s11;
	_ =	swait.ge @!p0 [sflag:s13], $0x4000  }
0x12: {  	s12 =	smov.u32 s10;
	s9 =	sadd.s32 $0x4000, s9;
	[sflag:s13] =	ssyncset.done @!p0 $0x0  }
0x13: {  	s11 =	smov.u32 s15;
	s10 =	smov.u32 s14;
	[sflag:s13] =	ssyncadd.s32 @!p0 $0xFFFFC000  }
.LBB1_1:
0x14: {  	p0 =	sge.u32 s11, s6  }
0x15: {  	s13 =	sxor.u32 @!p0 $0xFFFFFFFF, s11  }
0x16: {  	s31 =	sadd.s32 $0xFFFFFFFF, s11;
	s14 =	sshll.u32 @!p0 s10, $0x8;
	s13 =	sshll.u32 @!p0 s13, $0xE  }
0x17: {  	s15 =	simm.s32 @!p0 $0x0;
	s14 =	sadd.s32 @!p0 s3, s14;
	s13 =	sand.u32 @!p0 $0x4000, s13  }
0x18: {  	[tilespmem:s13], [sflag:$0x1] =	stream.linear.gather @!p0 [hbm4b:s14+s15], $0x4000, $0x38;
	[tilespmem:$0x10000] =	vst v63  }
0x19: {  	p0 =	sge.u32 s31, s6  }
.Ltmp2:
0x1a: {  	_ = 	snop;
	(pc) =	sbr.rel @p0 .LBB1_9-.Ltmp2, $1  }
0x1b: {  	_ =	sdelay $0x3  }
0x1c: {  	s13 =	sshll.u32 s9, $0x2;
	_ =	swait.ge [sflag:s5], $0x4000;
	s14 =	sshll.u32 s11, $0xE  }
0x1d: {  	s16 =	simm.s32 $0x0;
	s17 =	simm.s32 $0x0;
	s15 =	sand.u32 $0x10000, s13  }
0x1e: {  	[sflag:s5] =	ssyncset.done $0x0;
	s31 =	sand.u32 $0x4000, s14;
	s14 =	sshrl.u32 s15, $0x2  }
0x1f: {  	[sflag:s5] =	ssyncadd.s32 $0xFFFFC000;
	s13 =	sor.u32 $0x8000, s31;
	s15 =	sor.u32 $0x8000, s14  }
.LBB1_3:
0x20: {  	s18 =	sshra.s32 s16, $0x2  }
0x21: {  	v0 =	vmov s18;
	_ =	sdelay $0x3  }
0x22: {  	p1 =	por $0x1, $0x1;
	s18 =	simm.s32 $0x0  }
.LBB1_4:
0x23: {  	_ = 	snop  }
0x24: {  	s19 =	sshll.u32 s18, $0xA  }
0x25: {  	s19 =	sand.u32 $0x3FFFFC00, s19  }
0x26: {  	s19 =	sadd.s32 s19, s14  }
0x27: {  	v5 =	vld.idx.msk [tilespmem:v0+s19+$0x70 ss:$0x1], $0xffff  }
0x28: {  	v6 =	vld.idx.msk [tilespmem:v0+s19+$0x10 ss:$0x1], $0xffff  }
0x29: {  	v7 =	vld.idx.msk [tilespmem:v0+s19+$0x20 ss:$0x1], $0xffff  }
0x2a: {  	s31 =	sshll.u32 s18, $0x7;
	v1 =	vld.idx.msk [tilespmem:v0+s19+$0x30 ss:$0x1], $0xffff  }
0x2b: {  	s18 =	sand.u32 $0x3FFFFF80, s31;
	v2 =	vld.idx.msk [tilespmem:v0+s19+$0x40 ss:$0x1], $0xffff  }
0x2c: {  	s18 =	sadd.s32 s18, s15;
	v3 =	vld.idx.msk [tilespmem:v0+s19+$0x50 ss:$0x1], $0xffff  }
0x2d: {  	v4 =	vld.idx.msk [tilespmem:v0+s19+$0x60 ss:$0x1], $0xffff;
	[tilespmem:v0+s18+$0x70 ss:$0x1] =	vst.idx.msk $0xffff, v5  }
0x2e: {  	v5 =	vld.idx.msk [tilespmem:v0+s19+$0x0 ss:$0x1], $0xffff;
	[tilespmem:v0+s18+$0x10 ss:$0x1] =	vst.idx.msk $0xffff, v6;
	s19 =	sadd.s32 $0x80, s19  }
0x2f: {  	p0 =	por p1, p1;
	s20 =	simm.s32 $0x6;
	[tilespmem:v0+s18+$0x20 ss:$0x1] =	vst.idx.msk $0xffff, v7;
	v6 =	vld.idx.msk [tilespmem:v0+s19+$0x70 ss:$0x1], $0xffff  }
.LBB1_5:
0x30: {  	p1 =	sne.s32 s20, $0x1;
	v7 =	vld.idx.msk [tilespmem:v0+s19+$0x10 ss:$0x1], $0xffff;
	[tilespmem:v0+s18+$0x30 ss:$0x1] =	vst.idx.msk $0xffff, v1  }
0x31: {  	v8 =	vld.idx.msk [tilespmem:v0+s19+$0x20 ss:$0x1], $0xffff;
	[tilespmem:v0+s18+$0x40 ss:$0x1] =	vst.idx.msk $0xffff, v2  }
0x32: {  	v1 =	vld.idx.msk [tilespmem:v0+s19+$0x30 ss:$0x1], $0xffff;
	[tilespmem:v0+s18+$0x50 ss:$0x1] =	vst.idx.msk $0xffff, v3  }
.Ltmp3:
0x33: {  	v2 =	vld.idx.msk [tilespmem:v0+s19+$0x40 ss:$0x1], $0xffff;
	[tilespmem:v0+s18+$0x60 ss:$0x1] =	vst.idx.msk $0xffff, v4;
	(pc) =	sbr.rel @p1 .LBB1_5-.Ltmp3, $4  }
0x34: {  	v3 =	vld.idx.msk [tilespmem:v0+s19+$0x50 ss:$0x1], $0xffff;
	[tilespmem:v0+s18+$0x0 ss:$0x1] =	vst.idx.msk $0xffff, v5;
	s18 =	sadd.s32 $0x100, s18  }
0x35: {  	v4 =	vld.idx.msk [tilespmem:v0+s19+$0x60 ss:$0x1], $0xffff;
	[tilespmem:v0+s18+$0x70 ss:$0x1] =	vst.idx.msk $0xffff, v6  }
0x36: {  	v5 =	vld.idx.msk [tilespmem:v0+s19+$0x0 ss:$0x1], $0xffff;
	[tilespmem:v0+s18+$0x10 ss:$0x1] =	vst.idx.msk $0xffff, v7;
	s19 =	sadd.s32 $0x80, s19  }
0x37: {  	s20 =	sadd.s32 $0xFFFFFFFF, s20;
	v6 =	vld.idx.msk [tilespmem:v0+s19+$0x70 ss:$0x1], $0xffff;
	[tilespmem:v0+s18+$0x20 ss:$0x1] =	vst.idx.msk $0xffff, v8  }
0x38: {  	_ =	sdelay $0x3  }
0x39: {  	[tilespmem:v0+s18+$0x30 ss:$0x1] =	vst.idx.msk $0xffff, v1  }
0x3a: {  	v1 =	vld.idx.msk [tilespmem:v0+s19+$0x10 ss:$0x1], $0xffff;
	[tilespmem:v0+s18+$0x40 ss:$0x1] =	vst.idx.msk $0xffff, v2  }
0x3b: {  	v2 =	vld.idx.msk [tilespmem:v0+s19+$0x20 ss:$0x1], $0xffff;
	[tilespmem:v0+s18+$0x50 ss:$0x1] =	vst.idx.msk $0xffff, v3  }
0x3c: {  	v61 =	vld.idx.msk [tilespmem:v0+s19+$0x40 ss:$0x1], $0xffff;
	[tilespmem:v0+s18+$0x60 ss:$0x1] =	vst.idx.msk $0xffff, v4  }
0x3d: {  	s31 =	sadd.s32 $0x100, s18;
	v62 =	vld.idx.msk [tilespmem:v0+s19+$0x50 ss:$0x1], $0xffff;
	[tilespmem:v0+s18+$0x0 ss:$0x1] =	vst.idx.msk $0xffff, v5  }
0x3e: {  	v63 =	vld.idx.msk [tilespmem:v0+s19+$0x60 ss:$0x1], $0xffff;
	[tilespmem:v0+s31+$0x70 ss:$0x1] =	vst.idx.msk $0xffff, v6  }
0x3f: {  	v3 =	vld.idx.msk [tilespmem:v0+s19+$0x30 ss:$0x1], $0xffff;
	[tilespmem:v0+s31+$0x10 ss:$0x1] =	vst.idx.msk $0xffff, v1  }
0x40: {  	v1 =	vld.idx.msk [tilespmem:v0+s19+$0x0 ss:$0x1], $0xffff;
	[tilespmem:v0+s31+$0x20 ss:$0x1] =	vst.idx.msk $0xffff, v2  }
.Ltmp4:
0x41: {  	[tilespmem:v0+s31+$0x40 ss:$0x1] =	vst.idx.msk $0xffff, v61;
	(pc) =	sbr.rel @p0 .LBB1_4-.Ltmp4, $4  }
0x42: {  	[tilespmem:v0+s31+$0x50 ss:$0x1] =	vst.idx.msk $0xffff, v62  }
0x43: {  	[tilespmem:v0+s31+$0x60 ss:$0x1] =	vst.idx.msk $0xffff, v63  }
0x44: {  	[tilespmem:v0+s31+$0x30 ss:$0x1] =	vst.idx.msk $0xffff, v3  }
0x45: {  	p1 =	por $0x0, $0x0;
	s18 =	simm.s32 $0x1;
	[tilespmem:v0+s31+$0x0 ss:$0x1] =	vst.idx.msk $0xffff, v1  }
0x46: {  	s17 =	sadd.s32 $0x1, s17  }
0x47: {  	p0 =	sne.s32 s17, $0x8  }
.Ltmp5:
0x48: {  	_ = 	snop;
	(pc) =	sbr.rel @p0 .LBB1_3-.Ltmp5, $2  }
0x49: {  	_ =	sdelay $0x2  }
0x4a: {  	s16 =	sadd.s32 $0x2000, s16  }
.Ltmp6:
0x4b: {  	(pc) =	sbr.rel .LBB1_9-.Ltmp6, $4  }
0x4c: {  	_ = 	snop  }
0x4d: {  	s12 =	sshll.u32 s12, $0x8  }
0x4e: {  	s12 =	sadd.s32 s4, s12  }
0x4f: {  	[hbm4b:s12+s8] =	stream.linear.scatter [tilespmem:s13], [sflag:$0x2], $0x4000, $0x38;
	[tilespmem:$0x10000] =	vst v63  }
.LBB1_10:
0x50: {  	_ =	sfence.sel $0x180000  }
0x51: {  	s2 =	simm.s32 $0x1;
	[bflag:$0x0] =	sbarrier.arrive $0xFFFF  }
0x52: {  	s31 =	simm.s32 $0x2;
	[sflag:s2] =	ssyncpa.u1 $0x1  }
0x53: {  	[sflag:s31] =	ssyncpa.u1 $0x1  }
0x54: {  	p0 =	sne.s32 s0, $0x0;
	_ =	strace $0x90000047  }
0x55: {  	s0 =	sadd.s32 @!p0 $0x100000, s1;
	[bflag:$0x2] =	sbarrier.arrive $0xFFFF  }
0x56: {  	[sflag:s0] =	ssyncadd.tile.s32 @!p0 $0x1;
	_ =	shalt  }
.Lfunc_end1:
_tile_overlayer_lowered:
.L_overlay_start_2:
0x57: {  	(tag) =	ssettag $0x2  }
0x58: {  	s0 =	rddreg [dreg:$0x0];
	s2 =	stileid.u32  }
0x59: {  	s1 =	rddreg [dreg:$0x1];
	p0 =	sne.s32 s2, $0x0  }
0x5a: {  	s3 =	rddreg [dreg:$0x2];
	[bflag:$0x3] =	sbarrier.arrive $0xFFFF;
	s2 =	simm.s32 @!p0 $0x1C01  }
0x5b: {  	[timem:s3], [sflag:s2] =	dma.local @!p0 [hbm:s0], s1  }
0x5c: {  	s0 =	simm.s32 @!p0 $0x1  }
0x5d: {  	_ =	swait.ge @!p0 [sflag:s0], s1  }
0x5e: {  	s1 =	ssub.s32 @!p0 $0x0, s1;
	[sflag:s0] =	ssyncset.done @!p0 $0x0  }
0x5f: {  	[sflag:s0] =	ssyncadd.s32 @!p0 s1  }
0x60: {  	[bflag:$0x3] =	sbarrier.arrive $0xFFFF  }
0x61: {  	_ =	shalt  }

// kernel: sparse-core-data-format-call.cloned.1.call-start
scs
called_computation_lowered:
.L_overlay_start_0:
0x0: {  	s2 =	sld [smem:$0x3FD9]  }
0x1: {  	s3 =	sld [smem:$0x3FFE];
	_ =	sdelay $0x1  }
0x2: {  	s1 =	srdreg.scid  }
0x3: {  	s0 =	sand.u32 $0x1, s1  }
0x4: {  	s18 =	sshll.u32 s0, $0xA;
	s2 =	sadd.s32 s3, s2  }
0x5: {  	s2 =	sadd.s32 s2, s18  }
0x6: {  	[smem:$0x3FB4] =	sst s2  }
0x7: {  	_ = 	snop  }
0x8: {  	(tm) =	ssettm $0x1  }
0x9: {  	s19 =	sld [smem:$0x3FFB];
	_ =	sdelay $0x3  }
0xa: {  	_ =	strace s19  }
0xb: {  	s2 =	sld [smem:$0x3FFC];
	_ =	sdelay $0x3  }
0xc: {  	_ =	strace s2  }
0xd: {  	s2 =	sld [smem:$0x3FFD];
	_ =	sdelay $0x3  }
0xe: {  	_ =	strace s2  }
0xf: {  	_ =	strace $0x8FFFFFFF  }
0x10: {  	s20 =	sld [smem:$0x3FDB];
	_ =	sdelay $0x1  }
0x11: {  	s21 =	simm.s32 $_scs_section_size  }
0x12: {  	s4 =	simm.s32 $_size__tile_overlayer_lowered;
	s5 =	simm.s32 $_tile_overlayer_lowered  }
0x13: {  	s6 =	simm.s32 $0x1BFF;
	s22 =	sshll.u32 s5, $0x1;
	s3 =	sadd.s32 s21, s20  }
0x14: {  	s23 =	simm.s32 $0x0;
	s4 =	sshll.u32 s4, $0x1;
	s5 =	sadd.s32 s22, s3  }
0x15: {  	[timem:s23], [sflag:s6] =	dma.local [hbm:s5], s4  }
0x16: {  	_ =	swait.ge [sflag:s6], s4  }
0x17: {  	s4 =	ssub.s32 $0x0, s4;
	[sflag:s6] =	ssyncset.done $0x0  }
0x18: {  	[sflag:s6] =	ssyncadd.s32 s4;
	_ =	sdelay $0x1  }
0x19: {  	s24 =	simm.s32 $0x1B8B  }
0x1a: {  	_ =	swait.ge [sflag:s24], $0x1  }
0x1b: {  	[sflag:s24] =	ssyncset.done $0x0  }
0x1c: {  	[sflag:s24] =	ssyncadd.s32 $0xFFFFFFFF  }
0x1d: {  	s4 =	sld [smem:$0x0]  }
0x1e: {  	s5 =	sand.u32 $0xFFFFFFFE, s1  }
0x1f: {  	p0 =	sne.s32 s1, s5  }
0x20: {  	s5 =	sshll.u32 @p0 s5, $0xE  }
0x21: {  	s5 =	sadd.s32 @p0 $0x11B8D, s5;
	s6 =	sshll.u32 @p0 s4, $0x11  }
0x22: {  	s5 =	sor.u32 @p0 s6, s5  }
0x23: {  	[sflag:s5] =	ssyncadd.remote.s32 @p0 $0x1;
	_ =	sdelay $0x1  }
0x24: {  	s5 =	simm.s32 @p0 $0x1B8D  }
0x25: {  	_ =	swait.eq @p0 [sflag:s5], $0x1  }
0x26: {  	[sflag:s5] =	ssyncadd.s32 @p0 $0xFFFFFFFF  }
0x27: {  	s6 =	sshll.u32 @!p0 s1, $0xE  }
0x28: {  	s6 =	sor.u32 @!p0 $0x4000, s6;
	s5 =	simm.s32 @!p0 $0x1B8D  }
0x29: {  	s4 =	sshll.u32 @!p0 s4, $0x11;
	s6 =	sadd.s32 @!p0 $0x11B8D, s6;
	_ =	swait.eq @!p0 [sflag:s5], $0x1  }
0x2a: {  	s4 =	sor.u32 @!p0 s4, s6;
	[sflag:s5] =	ssyncadd.s32 @!p0 $0xFFFFFFFF  }
0x2b: {  	s26 =	simm.s32 $0x1B8E;
	s25 =	sld [smem:$0x3FFE];
	[sflag:s4] =	ssyncadd.remote.s32 @!p0 $0x1  }
0x2c: {  	s27 =	simm.s32 $execute0_lowered;
	[smem:$0x3FD2] =	sst s26  }
0x2d: {  	s5 =	sshll.u32 s27, $0x1;
	_ =	strace $0x8000004C;
	[dreg:$0x1] =	wrdreg $0xFFFFFFFF  }
0x2e: {  	s28 =	simm.s32 $_size_execute0_lowered;
	s3 =	sadd.s32 s3, s5;
	[dreg:$0x0] =	wrdreg $0x0  }
0x2f: {  	s5 =	sshll.u32 s28, $0x1;
	[dreg:$0x2] =	wrdreg s3  }
0x30: {  	[dreg:$0x3] =	wrdreg s5  }
0x31: {  	[dreg:$0x4] =	wrdreg $0xC0  }
0x32: {  	_ =	task [dreg:s23], $0x5FFFF  }
0x33: {  	[dreg:$0x1] =	wrdreg $0xFFFFFFFF  }
0x34: {  	[dreg:$0x0] =	wrdreg $0x60  }
0x35: {  	[dreg:$0x2] =	wrdreg s25  }
0x36: {  	[dreg:$0x3] =	wrdreg $0x9  }
0x37: {  	_ =	task.clear_ibuf [dreg:s23], $0x4FFFF;
	_ =	strace $0x9000004C  }
0x38: {  	s29 =	simm.s32 $0x9;
	_ =	strace $0x8000004E  }
0x39: {  	_ =	swait.ge [sflag:s29], $0x1  }
0x3a: {  	[sflag:s29] =	ssyncadd.s32 $0xFFFFFFFF  }
0x3b: {  	_ =	strace $0x9000004E  }
0x3c: {  	_ =	sfence  }
0x3d: {  	s30 =	sld [smem:$0x0];
	_ =	sdelay $0x2  }
0x3e: {  	s31 =	sshll.u32 s1, $0xD;
	s1 =	sshrl.u32 s1, $0x2  }
0x3f: {  	s4 =	sand.u32 $0x4000, s31;
	s1 =	sadd.s32 s1, s30  }
0x40: {  	s0 =	sor.u32 s4, s0;
	s1 =	sshll.u32 s1, $0x11  }
0x41: {  	s0 =	sor.u32 s1, s0  }
0x42: {  	s0 =	sadd.s32 $0x8F2B, s0  }
0x43: {  	[sflag:s0] =	ssyncadd.remote.s32 $0x1  }
0x44: {  	_ =	sfence.sel $0xFFFF  }
0x45: {  	[dreg:$0x0] =	wrdreg $0xFFFFFFFF;
	(pc) =	sbr.abs _section_cstart, $3  }
0x46: {  	[dreg:$0x1] =	wrdreg $0xFFFFFFFF  }
0x47: {  	_ =	task.clear_ibuf [dreg:s23], $0x2FFFF;
	_ =	strace $0x9FFFFFFF  }
0x48: {  	(tm) =	ssettm $0x7FFFFFFF  }
0x49: {  	_ =	shalt  }
tec
execute0_lowered:
.L_overlay_start_1:
0x0: {  	(tag) =	ssettag $0x1  }
0x1: {  	s0 =	srdreg.scid  }
0x2: {  	s1 =	sshll.u32 s0, $0x4  }
0x3: {  	s4 =	rddreg [dreg:$0x0];
	s0 =	stileid.u32;
	s1 =	sand.u32 $0x10, s1  }
0x4: {  	s7 =	simm.s32 $0x1;
	s8 =	simm.s32 $0x2;
	s2 =	sor.u32 s0, s1  }
0x5: {  	s9 =	simm.s32 $0x0;
	s12 =	simm.s32 $0x0;
	s2 =	sshll.u32 s2, $0x3  }
0x6: {  	s11 =	simm.s32 $0x0;
	s3 =	sadd.s32 $0x144400, s4;
	s6 =	ssub.s32 $0x1400, s2  }
.Ltmp0:
0x7: {  	s4 =	sadd.s32 $0x3ECC00, s4;
	s5 =	sand.u32 $0xF8, s6;
	(pc) =	sbr.rel .LBB1_1-.Ltmp0, $4  }
0x8: {  	s1 =	rddreg [dreg:$0x1];
	_ =	strace $0x8000004D;
	p0 =	sne.s32 s5, $0x0  }
0x9: {  	s6 =	sshrl.u32 s6, $0x8;
	s5 =	simm.s32 $0x1;
	s7 =	simm.s32 @!p0 $0x0  }
0xa: {  	s10 =	smov.u32 s2;
	[sflag:s5] =	ssyncpa.u1 $0x0;
	s6 =	sadd.s32 s7, s6  }
0xb: {  	[sflag:s8] =	ssyncpa.u1 $0x0;
	s8 =	simm.s32 $0x0;
	s7 =	sadd.s32 $0x1, s6  }
.LBB1_9:
0xc: {  	s14 =	sadd.s32 $0x100, s10  }
0xd: {  	p1 =	sgt.s32 s14, $0x13FF  }
0xe: {  	s14 =	smov.u32 @p1 s2;
	p1 =	sne.s32 s11, s7  }
.Ltmp1:
0xf: {  	p0 =	slt.u32 s11, $0x2;
	(pc) =	sbr.rel @!p1 .LBB1_10-.Ltmp1, $4  }
0x10: {  	s13 =	simm.s32 @!p0 $0x2  }
0x11: {  	s15 =	sadd.s32 $0x1, s11;
	_ =	swait.ge @!p0 [sflag:s13], $0x4000  }
0x12: {  	s12 =	smov.u32 s10;
	s9 =	sadd.s32 $0x4000, s9;
	[sflag:s13] =	ssyncset.done @!p0 $0x0  }
0x13: {  	s11 =	smov.u32 s15;
	s10 =	smov.u32 s14;
	[sflag:s13] =	ssyncadd.s32 @!p0 $0xFFFFC000  }
.LBB1_1:
0x14: {  	p0 =	sge.u32 s11, s6  }
0x15: {  	s13 =	sxor.u32 @!p0 $0xFFFFFFFF, s11  }
0x16: {  	s31 =	sadd.s32 $0xFFFFFFFF, s11;
	s14 =	sshll.u32 @!p0 s10, $0x8;
	s13 =	sshll.u32 @!p0 s13, $0xE  }
0x17: {  	s15 =	simm.s32 @!p0 $0x0;
	s14 =	sadd.s32 @!p0 s3, s14;
	s13 =	sand.u32 @!p0 $0x4000, s13  }
0x18: {  	[tilespmem:s13], [sflag:$0x1] =	stream.linear.gather @!p0 [hbm4b:s14+s15], $0x4000, $0x38;
	[tilespmem:$0x10000] =	vst v63  }
0x19: {  	p0 =	sge.u32 s31, s6  }
.Ltmp2:
0x1a: {  	_ = 	snop;
	(pc) =	sbr.rel @p0 .LBB1_9-.Ltmp2, $1  }
0x1b: {  	_ =	sdelay $0x3  }
0x1c: {  	s13 =	sshll.u32 s9, $0x2;
	_ =	swait.ge [sflag:s5], $0x4000;
	s14 =	sshll.u32 s11, $0xE  }
0x1d: {  	s16 =	simm.s32 $0x0;
	s17 =	simm.s32 $0x0;
	s15 =	sand.u32 $0x10000, s13  }
0x1e: {  	[sflag:s5] =	ssyncset.done $0x0;
	s31 =	sand.u32 $0x4000, s14;
	s14 =	sshrl.u32 s15, $0x2  }
0x1f: {  	[sflag:s5] =	ssyncadd.s32 $0xFFFFC000;
	s13 =	sor.u32 $0x8000, s31;
	s15 =	sor.u32 $0x8000, s14  }
.LBB1_3:
0x20: {  	s18 =	sshra.s32 s16, $0x2  }
0x21: {  	v0 =	vmov s18;
	_ =	sdelay $0x3  }
0x22: {  	p1 =	por $0x1, $0x1;
	s18 =	simm.s32 $0x0  }
.LBB1_4:
0x23: {  	_ = 	snop  }
0x24: {  	s19 =	sshll.u32 s18, $0xA  }
0x25: {  	s19 =	sand.u32 $0x3FFFFC00, s19  }
0x26: {  	s19 =	sadd.s32 s19, s14  }
0x27: {  	v5 =	vld.idx.msk [tilespmem:v0+s19+$0x70 ss:$0x1], $0xffff  }
0x28: {  	v6 =	vld.idx.msk [tilespmem:v0+s19+$0x10 ss:$0x1], $0xffff  }
0x29: {  	v7 =	vld.idx.msk [tilespmem:v0+s19+$0x20 ss:$0x1], $0xffff  }
0x2a: {  	s31 =	sshll.u32 s18, $0x7;
	v1 =	vld.idx.msk [tilespmem:v0+s19+$0x30 ss:$0x1], $0xffff  }
0x2b: {  	s18 =	sand.u32 $0x3FFFFF80, s31;
	v2 =	vld.idx.msk [tilespmem:v0+s19+$0x40 ss:$0x1], $0xffff  }
0x2c: {  	s18 =	sadd.s32 s18, s15;
	v3 =	vld.idx.msk [tilespmem:v0+s19+$0x50 ss:$0x1], $0xffff  }
0x2d: {  	v4 =	vld.idx.msk [tilespmem:v0+s19+$0x60 ss:$0x1], $0xffff;
	[tilespmem:v0+s18+$0x70 ss:$0x1] =	vst.idx.msk $0xffff, v5  }
0x2e: {  	v5 =	vld.idx.msk [tilespmem:v0+s19+$0x0 ss:$0x1], $0xffff;
	[tilespmem:v0+s18+$0x10 ss:$0x1] =	vst.idx.msk $0xffff, v6;
	s19 =	sadd.s32 $0x80, s19  }
0x2f: {  	p0 =	por p1, p1;
	s20 =	simm.s32 $0x6;
	[tilespmem:v0+s18+$0x20 ss:$0x1] =	vst.idx.msk $0xffff, v7;
	v6 =	vld.idx.msk [tilespmem:v0+s19+$0x70 ss:$0x1], $0xffff  }
.LBB1_5:
0x30: {  	p1 =	sne.s32 s20, $0x1;
	v7 =	vld.idx.msk [tilespmem:v0+s19+$0x10 ss:$0x1], $0xffff;
	[tilespmem:v0+s18+$0x30 ss:$0x1] =	vst.idx.msk $0xffff, v1  }
0x31: {  	v8 =	vld.idx.msk [tilespmem:v0+s19+$0x20 ss:$0x1], $0xffff;
	[tilespmem:v0+s18+$0x40 ss:$0x1] =	vst.idx.msk $0xffff, v2  }
0x32: {  	v1 =	vld.idx.msk [tilespmem:v0+s19+$0x30 ss:$0x1], $0xffff;
	[tilespmem:v0+s18+$0x50 ss:$0x1] =	vst.idx.msk $0xffff, v3  }
.Ltmp3:
0x33: {  	v2 =	vld.idx.msk [tilespmem:v0+s19+$0x40 ss:$0x1], $0xffff;
	[tilespmem:v0+s18+$0x60 ss:$0x1] =	vst.idx.msk $0xffff, v4;
	(pc) =	sbr.rel @p1 .LBB1_5-.Ltmp3, $4  }
0x34: {  	v3 =	vld.idx.msk [tilespmem:v0+s19+$0x50 ss:$0x1], $0xffff;
	[tilespmem:v0+s18+$0x0 ss:$0x1] =	vst.idx.msk $0xffff, v5;
	s18 =	sadd.s32 $0x100, s18  }
0x35: {  	v4 =	vld.idx.msk [tilespmem:v0+s19+$0x60 ss:$0x1], $0xffff;
	[tilespmem:v0+s18+$0x70 ss:$0x1] =	vst.idx.msk $0xffff, v6  }
0x36: {  	v5 =	vld.idx.msk [tilespmem:v0+s19+$0x0 ss:$0x1], $0xffff;
	[tilespmem:v0+s18+$0x10 ss:$0x1] =	vst.idx.msk $0xffff, v7;
	s19 =	sadd.s32 $0x80, s19  }
0x37: {  	s20 =	sadd.s32 $0xFFFFFFFF, s20;
	v6 =	vld.idx.msk [tilespmem:v0+s19+$0x70 ss:$0x1], $0xffff;
	[tilespmem:v0+s18+$0x20 ss:$0x1] =	vst.idx.msk $0xffff, v8  }
0x38: {  	_ =	sdelay $0x3  }
0x39: {  	[tilespmem:v0+s18+$0x30 ss:$0x1] =	vst.idx.msk $0xffff, v1  }
0x3a: {  	v1 =	vld.idx.msk [tilespmem:v0+s19+$0x10 ss:$0x1], $0xffff;
	[tilespmem:v0+s18+$0x40 ss:$0x1] =	vst.idx.msk $0xffff, v2  }
0x3b: {  	v2 =	vld.idx.msk [tilespmem:v0+s19+$0x20 ss:$0x1], $0xffff;
	[tilespmem:v0+s18+$0x50 ss:$0x1] =	vst.idx.msk $0xffff, v3  }
0x3c: {  	v61 =	vld.idx.msk [tilespmem:v0+s19+$0x40 ss:$0x1], $0xffff;
	[tilespmem:v0+s18+$0x60 ss:$0x1] =	vst.idx.msk $0xffff, v4  }
0x3d: {  	s31 =	sadd.s32 $0x100, s18;
	v62 =	vld.idx.msk [tilespmem:v0+s19+$0x50 ss:$0x1], $0xffff;
	[tilespmem:v0+s18+$0x0 ss:$0x1] =	vst.idx.msk $0xffff, v5  }
0x3e: {  	v63 =	vld.idx.msk [tilespmem:v0+s19+$0x60 ss:$0x1], $0xffff;
	[tilespmem:v0+s31+$0x70 ss:$0x1] =	vst.idx.msk $0xffff, v6  }
0x3f: {  	v3 =	vld.idx.msk [tilespmem:v0+s19+$0x30 ss:$0x1], $0xffff;
	[tilespmem:v0+s31+$0x10 ss:$0x1] =	vst.idx.msk $0xffff, v1  }
0x40: {  	v1 =	vld.idx.msk [tilespmem:v0+s19+$0x0 ss:$0x1], $0xffff;
	[tilespmem:v0+s31+$0x20 ss:$0x1] =	vst.idx.msk $0xffff, v2  }
.Ltmp4:
0x41: {  	[tilespmem:v0+s31+$0x40 ss:$0x1] =	vst.idx.msk $0xffff, v61;
	(pc) =	sbr.rel @p0 .LBB1_4-.Ltmp4, $4  }
0x42: {  	[tilespmem:v0+s31+$0x50 ss:$0x1] =	vst.idx.msk $0xffff, v62  }
0x43: {  	[tilespmem:v0+s31+$0x60 ss:$0x1] =	vst.idx.msk $0xffff, v63  }
0x44: {  	[tilespmem:v0+s31+$0x30 ss:$0x1] =	vst.idx.msk $0xffff, v3  }
0x45: {  	p1 =	por $0x0, $0x0;
	s18 =	simm.s32 $0x1;
	[tilespmem:v0+s31+$0x0 ss:$0x1] =	vst.idx.msk $0xffff, v1  }
0x46: {  	s17 =	sadd.s32 $0x1, s17  }
0x47: {  	p0 =	sne.s32 s17, $0x8  }
.Ltmp5:
0x48: {  	_ = 	snop;
	(pc) =	sbr.rel @p0 .LBB1_3-.Ltmp5, $2  }
0x49: {  	_ =	sdelay $0x2  }
0x4a: {  	s16 =	sadd.s32 $0x2000, s16  }
.Ltmp6:
0x4b: {  	(pc) =	sbr.rel .LBB1_9-.Ltmp6, $4  }
0x4c: {  	_ = 	snop  }
0x4d: {  	s12 =	sshll.u32 s12, $0x8  }
0x4e: {  	s12 =	sadd.s32 s4, s12  }
0x4f: {  	[hbm4b:s12+s8] =	stream.linear.scatter [tilespmem:s13], [sflag:$0x2], $0x4000, $0x38;
	[tilespmem:$0x10000] =	vst v63  }
.LBB1_10:
0x50: {  	_ =	sfence.sel $0x180000  }
0x51: {  	s2 =	simm.s32 $0x1;
	[bflag:$0x0] =	sbarrier.arrive $0xFFFF  }
0x52: {  	s31 =	simm.s32 $0x2;
	[sflag:s2] =	ssyncpa.u1 $0x1  }
0x53: {  	[sflag:s31] =	ssyncpa.u1 $0x1  }
0x54: {  	p0 =	sne.s32 s0, $0x0;
	_ =	strace $0x9000004D  }
0x55: {  	s0 =	sadd.s32 @!p0 $0x100000, s1;
	[bflag:$0x2] =	sbarrier.arrive $0xFFFF  }
0x56: {  	[sflag:s0] =	ssyncadd.tile.s32 @!p0 $0x1;
	_ =	shalt  }
.Lfunc_end1:
_tile_overlayer_lowered:
.L_overlay_start_2:
0x57: {  	(tag) =	ssettag $0x2  }
0x58: {  	s0 =	rddreg [dreg:$0x0];
	s2 =	stileid.u32  }
0x59: {  	s1 =	rddreg [dreg:$0x1];
	p0 =	sne.s32 s2, $0x0  }
0x5a: {  	s3 =	rddreg [dreg:$0x2];
	[bflag:$0x3] =	sbarrier.arrive $0xFFFF;
	s2 =	simm.s32 @!p0 $0x1C01  }
0x5b: {  	[timem:s3], [sflag:s2] =	dma.local @!p0 [hbm:s0], s1  }
0x5c: {  	s0 =	simm.s32 @!p0 $0x1  }
0x5d: {  	_ =	swait.ge @!p0 [sflag:s0], s1  }
0x5e: {  	s1 =	ssub.s32 @!p0 $0x0, s1;
	[sflag:s0] =	ssyncset.done @!p0 $0x0  }
0x5f: {  	[sflag:s0] =	ssyncadd.s32 @!p0 s1  }
0x60: {  	[bflag:$0x3] =	sbarrier.arrive $0xFFFF  }
0x61: {  	_ =	shalt  }

</sc_bundles>
